<compile_context>
chip_gen: v7x
topology: tpu7x:2x2x1
jax: 0.10.2.dev20260603
libtpu: 0.0.44.dev20260713+nightly
codegen_flags: <defaults>
</compile_context>

<pallas_src>
import functools

import jax
import jax.numpy as jnp
from jax import lax
from jax.experimental import pallas as pl
from jax.experimental.pallas import tpu as pltpu
from jax.experimental.pallas import tpu_sc as plsc

_N = 10000
_E = 320000
_D = 128
_G = 64
_C = 10

_NP = 10240
_RPS = _NP // 16
_NC = 2
_NS = 16
_NW = _NC * _NS
_CH = 128
_E2 = _E + _N
_NCH = -(-_E2 // (_NW * _CH))
_EPT = _NCH * _CH
_EP = _EPT * _NW
_BR = 256
_NB = _NP // _BR

_mesh = plsc.VectorSubcoreMesh(core_axis_name="c", subcore_axis_name="s")


def _zero_fill(ref, nrows, ncols16):
  zvec = jnp.zeros((16,), jnp.float32)

  def row(r, carry):
    for j in range(ncols16):
      ref[r, pl.ds(j * 16, 16)] = zvec
    return carry

  lax.fori_loop(0, nrows, row, 0)


def _deg_body(dst_hbm, out_hbm, di, ones_b, zb, dacc, sem):
  c = lax.axis_index("c")
  s = lax.axis_index("s")
  wid = c * _NS + s

  ovec = jnp.full((16,), 1.0, jnp.float32)

  def orow(r, carry):
    ones_b[r, pl.ds(0, 16)] = ovec
    return carry

  lax.fori_loop(0, _CH, orow, 0)
  _zero_fill(zb, 64, 1)

  def zcp(k, carry):
    pltpu.sync_copy(zb, dacc.at[pl.ds(s * _RPS + k * 64, 64)])
    return carry

  lax.fori_loop(0, _RPS // 64, zcp, 0)
  plsc.subcore_barrier()

  ebase = wid * _EPT

  def body(i, carry):
    pltpu.sync_copy(dst_hbm.at[pl.ds(ebase + i * _CH, _CH)], di)
    pltpu.sync_copy(ones_b, dacc.at[di], add=True)
    return carry

  lax.fori_loop(0, _NCH, body, 0)
  plsc.subcore_barrier()

  pltpu.sync_copy(dacc.at[pl.ds(s * _RPS, _RPS)],
                  out_hbm.at[c, pl.ds(s * _RPS, _RPS)])


_deg_call = pl.kernel(
    _deg_body,
    out_type=jax.ShapeDtypeStruct((_NC, _NP, 16), jnp.float32),
    mesh=_mesh,
    scratch_types=[
        pltpu.VMEM((_CH,), jnp.int32),
        pltpu.VMEM((_CH, 16), jnp.float32),
        pltpu.VMEM((64, 16), jnp.float32),
        pltpu.VMEM_SHARED((_NP, 16), jnp.float32),
        pltpu.SemaphoreType.DMA,
    ],
)


def _agg_body(hp_hbm, src_hbm, dst_hbm, out_hbm, si, di, rows, zb, acc, sem):
  c = lax.axis_index("c")
  s = lax.axis_index("s")
  wid = c * _NS + s

  _zero_fill(zb, 64, 8)

  def zcp(k, carry):
    pltpu.sync_copy(zb, acc.at[pl.ds(s * _RPS + k * 64, 64)])
    return carry

  lax.fori_loop(0, _RPS // 64, zcp, 0)
  plsc.subcore_barrier()

  ebase = wid * _EPT

  def body(i, carry):
    b = ebase + i * _CH
    pltpu.sync_copy(src_hbm.at[pl.ds(b, _CH)], si)
    pltpu.sync_copy(dst_hbm.at[pl.ds(b, _CH)], di)
    pltpu.async_copy(hp_hbm.at[si], rows, sem).wait()
    pltpu.sync_copy(rows, acc.at[di], add=True)
    return carry

  lax.fori_loop(0, _NCH, body, 0)
  plsc.subcore_barrier()

  pltpu.sync_copy(acc.at[pl.ds(s * _RPS, _RPS)],
                  out_hbm.at[c, pl.ds(s * _RPS, _RPS)])


_agg_call = pl.kernel(
    _agg_body,
    out_type=jax.ShapeDtypeStruct((_NC, _NP, _D), jnp.float32),
    mesh=_mesh,
    scratch_types=[
        pltpu.VMEM((_CH,), jnp.int32),
        pltpu.VMEM((_CH,), jnp.int32),
        pltpu.VMEM((_CH, _D), jnp.float32),
        pltpu.VMEM((64, _D), jnp.float32),
        pltpu.VMEM_SHARED((_NP, _D), jnp.float32),
        pltpu.SemaphoreType.DMA,
    ],
)

_PREC = lax.Precision.HIGHEST


def _tc1_body(x_ref, dg_ref, w_ref, hp_ref, dis_ref):
  i = pl.program_id(0)
  deg = dg_ref[0] + dg_ref[1]
  degc = deg[:, 0:1]
  rid = lax.broadcasted_iota(jnp.int32, (_BR, 1), 0) + i * _BR
  dis = jnp.where(rid < _N, lax.rsqrt(degc), 0.0)
  disb = jnp.broadcast_to(dis, (_BR, _D))
  h = jnp.dot(x_ref[...], w_ref[...], precision=_PREC,
              preferred_element_type=jnp.float32)
  dis_ref[...] = disb
  hp_ref[...] = h * disb


def _tc1(xp, degs, W1):
  return pl.pallas_call(
      _tc1_body,
      grid=(_NB,),
      in_specs=[
          pl.BlockSpec((_BR, _D), lambda i: (i, 0)),
          pl.BlockSpec((_NC, _BR, 16), lambda i: (0, i, 0)),
          pl.BlockSpec((_D, _D), lambda i: (0, 0)),
      ],
      out_specs=[
          pl.BlockSpec((_BR, _D), lambda i: (i, 0)),
          pl.BlockSpec((_BR, _D), lambda i: (i, 0)),
      ],
      out_shape=[
          jax.ShapeDtypeStruct((_NP, _D), jnp.float32),
          jax.ShapeDtypeStruct((_NP, _D), jnp.float32),
      ],
  )(xp, degs, W1)


def _tcmid_body(a_ref, dis_ref, b_ref, w_ref, hp_ref):
  dis = dis_ref[...]
  y = (a_ref[0] + a_ref[1]) * dis + b_ref[...]
  y = jnp.maximum(y, 0.0)
  h = jnp.dot(y, w_ref[...], precision=_PREC,
              preferred_element_type=jnp.float32)
  hp_ref[...] = h * dis


def _tcmid(agg, disb, bvec, W):
  return pl.pallas_call(
      _tcmid_body,
      grid=(_NB,),
      in_specs=[
          pl.BlockSpec((_NC, _BR, _D), lambda i: (0, i, 0)),
          pl.BlockSpec((_BR, _D), lambda i: (i, 0)),
          pl.BlockSpec((1, _D), lambda i: (0, 0)),
          pl.BlockSpec((_D, _D), lambda i: (0, 0)),
      ],
      out_specs=pl.BlockSpec((_BR, _D), lambda i: (i, 0)),
      out_shape=jax.ShapeDtypeStruct((_NP, _D), jnp.float32),
  )(agg, disb, bvec, W)


def _tc5_body(a_ref, dis_ref, b_ref, bt_ref, wl_ref, bl_ref, out_ref,
              pooled, counts):
  i = pl.program_id(0)
  y = (a_ref[0] + a_ref[1]) * dis_ref[...] + b_ref[...]
  bt = bt_ref[0]
  gid = lax.broadcasted_iota(jnp.int32, (_G, _BR), 0)
  oh = (gid == jnp.broadcast_to(bt, (_G, _BR))).astype(jnp.float32)
  p = jnp.dot(oh, y, precision=_PREC, preferred_element_type=jnp.float32)
  cnt = jnp.dot(oh, jnp.ones((_BR, _D), jnp.float32), precision=_PREC,
                preferred_element_type=jnp.float32)

  @pl.when(i == 0)
  def _():
    pooled[...] = p
    counts[...] = cnt

  @pl.when(i > 0)
  def _():
    pooled[...] += p
    counts[...] += cnt

  @pl.when(i == _NB - 1)
  def _():
    mean = pooled[...] / jnp.maximum(counts[...], 1.0)
    out_ref[...] = jnp.dot(mean, wl_ref[...], precision=_PREC,
                           preferred_element_type=jnp.float32) + bl_ref[...]


def _tc5(agg, disb, b4v, batch3, Wlp, blp):
  return pl.pallas_call(
      _tc5_body,
      grid=(_NB,),
      in_specs=[
          pl.BlockSpec((_NC, _BR, _D), lambda i: (0, i, 0)),
          pl.BlockSpec((_BR, _D), lambda i: (i, 0)),
          pl.BlockSpec((1, _D), lambda i: (0, 0)),
          pl.BlockSpec((1, 1, _BR), lambda i: (i, 0, 0)),
          pl.BlockSpec((_D, _D), lambda i: (0, 0)),
          pl.BlockSpec((1, _D), lambda i: (0, 0)),
      ],
      out_specs=pl.BlockSpec((_G, _D), lambda i: (0, 0)),
      out_shape=jax.ShapeDtypeStruct((_G, _D), jnp.float32),
      scratch_shapes=[
          pltpu.VMEM((_G, _D), jnp.float32),
          pltpu.VMEM((_G, _D), jnp.float32),
      ],
  )(agg, disb, b4v, batch3, Wlp, blp)


def kernel(x, edge_index, batch, W1, b1, W2, b2, W3, b3, W4, b4, Wl, bl):
  f32 = jnp.float32
  x = x.astype(f32)

  src = edge_index[0]
  dst = edge_index[1]
  loop = jnp.arange(_N, dtype=jnp.int32)
  padi = jnp.full((_EP - _E2,), _NP - 1, jnp.int32)
  srcp = jnp.concatenate([src.astype(jnp.int32), loop, padi])
  dstp = jnp.concatenate([dst.astype(jnp.int32), loop, padi])

  xp = jnp.pad(x, ((0, _NP - _N), (0, 0)))
  batch_p = jnp.pad(batch.astype(jnp.int32), (0, _NP - _N),
                    constant_values=_G).reshape(_NB, 1, _BR)
  b1v = b1.astype(f32).reshape(1, _D)
  b2v = b2.astype(f32).reshape(1, _D)
  b3v = b3.astype(f32).reshape(1, _D)
  b4v = b4.astype(f32).reshape(1, _D)
  Wlp = jnp.pad(Wl.astype(f32), ((0, 0), (0, _D - _C)))
  blp = jnp.pad(bl.astype(f32), (0, _D - _C)).reshape(1, _D)

  degs = _deg_call(dstp)
  hp, disb = _tc1(xp, degs, W1.astype(f32))

  agg = _agg_call(hp, srcp, dstp)
  hp = _tcmid(agg, disb, b1v, W2.astype(f32))
  agg = _agg_call(hp, srcp, dstp)
  hp = _tcmid(agg, disb, b2v, W3.astype(f32))
  agg = _agg_call(hp, srcp, dstp)
  hp = _tcmid(agg, disb, b3v, W4.astype(f32))
  agg = _agg_call(hp, srcp, dstp)

  outp = _tc5(agg, disb, b4v, batch_p, Wlp, blp)
  return outp[:, :_C]

# --- scband reference (transcript-rebuilt; emitter-appended) ---
"""Pipeline reference for scband-gcn-4226247819850 (READ-ONLY COPY).

The authoritative reference and input builder live on the scoring server;
editing this copy changes nothing except your own understanding.
"""

import jax, jax.numpy as jnp
import numpy as np

N = 10000
E = 320000
D = 128
H = 128
C = 10
G = 64


def setup_inputs(seed: int = 0) -> dict:
    key = jax.random.key(seed)
    ks = jax.random.split(key, 16)
    x = jax.random.normal(ks[0], (N, D), dtype=jnp.float32)
    edge_index = jax.random.randint(ks[1], (2, E), 0, N, dtype=jnp.int32)
    batch = jnp.sort(jax.random.randint(ks[2], (N,), 0, G, dtype=jnp.int32))
    W1 = jax.random.normal(ks[3], (D, H), dtype=jnp.float32) * 0.05
    b1 = jnp.zeros((H,), dtype=jnp.float32)
    W2 = jax.random.normal(ks[4], (H, H), dtype=jnp.float32) * 0.05
    b2 = jnp.zeros((H,), dtype=jnp.float32)
    W3 = jax.random.normal(ks[5], (H, H), dtype=jnp.float32) * 0.05
    b3 = jnp.zeros((H,), dtype=jnp.float32)
    W4 = jax.random.normal(ks[6], (H, H), dtype=jnp.float32) * 0.05
    b4 = jnp.zeros((H,), dtype=jnp.float32)
    Wl = jax.random.normal(ks[7], (H, C), dtype=jnp.float32) * 0.05
    bl = jnp.zeros((C,), dtype=jnp.float32)
    return {"x": x, "edge_index": edge_index, "batch": batch,
            "W1": W1, "b1": b1, "W2": W2, "b2": b2,
            "W3": W3, "b3": b3, "W4": W4, "b4": b4,
            "Wl": Wl, "bl": bl}


def gcn_conv(x, W, b, src, dst):
    # PyG GCNConv: linear transform, add self-loops, symmetric normalization, sum aggregation
    h = x @ W
    loop = jnp.arange(N, dtype=src.dtype)
    src2 = jnp.concatenate([src, loop])
    dst2 = jnp.concatenate([dst, loop])
    ones = jnp.ones_like(dst2, dtype=h.dtype)
    deg = jax.ops.segment_sum(ones, dst2, num_segments=N)
    dis = jnp.where(deg > 0, deg ** -0.5, 0.0)
    norm = dis[src2] * dis[dst2]
    msg = h[src2] * norm[:, None]
    out = jax.ops.segment_sum(msg, dst2, num_segments=N)
    return out + b


def reference(x, edge_index, batch, W1, b1, W2, b2, W3, b3, W4, b4, Wl, bl):
    src = edge_index[0]
    dst = edge_index[1]
    h = gcn_conv(x.astype(jnp.float32), W1, b1, src, dst)
    h = jax.nn.relu(h)
    h = gcn_conv(h, W2, b2, src, dst)
    h = jax.nn.relu(h)
    h = gcn_conv(h, W3, b3, src, dst)
    h = jax.nn.relu(h)
    h = gcn_conv(h, W4, b4, src, dst)
    # global_mean_pool over batch segment ids
    sums = jax.ops.segment_sum(h, batch, num_segments=G)
    counts = jax.ops.segment_sum(jnp.ones((N, 1), dtype=h.dtype), batch, num_segments=G)
    pooled = sums / jnp.maximum(counts, 1.0)
    # dropout is identity in eval mode (training=False)
    out = pooled @ Wl + bl
    return out

if __name__ == "__main__":
    import jax
    _d = setup_inputs()
    print(jax.jit(kernel)(*tuple(_d.values())))

</pallas_src>

<mosaic_0001>
#map = affine_map<(d0, d1) -> (0)>
#map1 = affine_map<(d0, d1) -> (0, 0, 0)>
module attributes {stable_mosaic.version = 14 : i64} {
  func.func @_deg_body(%arg0: i32, %arg1: i32, %arg2: memref<331776xi32, #tpu.memory_space<hbm>>, %arg3: memref<2x10240x16xf32, #tpu.memory_space<hbm>>, %arg4: memref<128xi32, #tpu.memory_space<vmem>>, %arg5: memref<128x16xf32, #tpu.memory_space<vmem>>, %arg6: memref<64x16xf32, #tpu.memory_space<vmem>>, %arg7: memref<10240x16xf32, #tpu.memory_space<vmem_shared>>, %arg8: memref<!tpu.dma_semaphore, #tpu.memory_space<semaphore_mem>>) attributes {dimension_semantics = [#tpu.dimension_semantics<core_parallel>, #tpu.dimension_semantics<subcore_parallel>], iteration_bounds = array<i64: 2, 16>, scalar_prefetch = 0 : i64, scratch_operands = 5 : i64, tpu.core_type = #tpu.core_type<sc_vector_subcore>, window_params = [{transform_indices = #map}, {transform_indices = #map1}]} {
    %mul3A = arith.constant 16 : i32
    %mul3A_0 = arith.muli %arg0, %mul3A : i32
    %add3A = arith.addi %mul3A_0, %arg1 : i32
    %broadcast_in_dim3A = arith.constant 1.000000e+00 : f32
    %broadcast_in_dim3A_1 = vector.broadcast %broadcast_in_dim3A : f32 to vector<16xf32>
    %scan3A = arith.constant 0 : i32
    %scan3A_2 = arith.constant 0 : i32
    %scan3A_3 = arith.constant 128 : i32
    %scan3A_4 = arith.addi %scan3A_2, %scan3A_3 : i32
    %scan3A_5 = arith.constant 1 : i32
    scf.for %scan3A_34 = %scan3A_2 to %scan3A_4 step %scan3A_5  : i32 {
      %swap3A = arith.index_cast %scan3A_34 : i32 to index
      %swap3A_35 = arith.constant 0 : index
      %swap3A_36 = tpu.vector_load %arg5[%swap3A, %swap3A_35] {strides = array<i32>} : memref<128x16xf32, #tpu.memory_space<vmem>>, vector<1x16xf32>,
      %swap3A_37 = vector.shape_cast %swap3A_36 : vector<1x16xf32> to vector<16xf32>
      %swap3A_38 = vector.shape_cast %broadcast_in_dim3A_1 : vector<16xf32> to vector<1x16xf32>
      tpu.vector_store %arg5[%swap3A, %swap3A_35], %swap3A_38 {strides = array<i32>} : memref<128x16xf32, #tpu.memory_space<vmem>>, vector<1x16xf32>,
    }
    %scan3A_6 = arith.constant 128 : i32
    %broadcast_in_dim3A_7 = arith.constant 0.000000e+00 : f32
    %broadcast_in_dim3A_8 = vector.broadcast %broadcast_in_dim3A_7 : f32 to vector<16xf32>
    %scan3A_9 = arith.constant 0 : i32
    %scan3A_10 = arith.constant 0 : i32
    %scan3A_11 = arith.constant 64 : i32
    %scan3A_12 = arith.addi %scan3A_10, %scan3A_11 : i32
    %scan3A_13 = arith.constant 1 : i32
    scf.for %scan3A_34 = %scan3A_10 to %scan3A_12 step %scan3A_13  : i32 {
      %swap3A = arith.index_cast %scan3A_34 : i32 to index
      %swap3A_35 = arith.constant 0 : index
      %swap3A_36 = tpu.vector_load %arg6[%swap3A, %swap3A_35] {strides = array<i32>} : memref<64x16xf32, #tpu.memory_space<vmem>>, vector<1x16xf32>,
      %swap3A_37 = vector.shape_cast %swap3A_36 : vector<1x16xf32> to vector<16xf32>
      %swap3A_38 = vector.shape_cast %broadcast_in_dim3A_8 : vector<16xf32> to vector<1x16xf32>
      tpu.vector_store %arg6[%swap3A, %swap3A_35], %swap3A_38 {strides = array<i32>} : memref<64x16xf32, #tpu.memory_space<vmem>>, vector<1x16xf32>,
    }
    %scan3A_14 = arith.constant 64 : i32
    %scan3A_15 = arith.constant 0 : i32
    %scan3A_16 = arith.constant 0 : i32
    %scan3A_17 = arith.constant 10 : i32
    %scan3A_18 = arith.addi %scan3A_16, %scan3A_17 : i32
    %scan3A_19 = arith.constant 1 : i32
    scf.for %scan3A_34 = %scan3A_16 to %scan3A_18 step %scan3A_19  : i32 {
      %mul3A_35 = arith.constant 640 : i32
      %mul3A_36 = arith.muli %arg1, %mul3A_35 : i32
      %mul3A_37 = arith.constant 64 : i32
      %mul3A_38 = arith.muli %scan3A_34, %mul3A_37 : i32
      %add3A_39 = arith.addi %mul3A_36, %mul3A_38 : i32
      "tpu.region"() ({
        %run_scoped3A = tpu.sem_alloc : memref<!tpu.dma_semaphore, #tpu.memory_space<semaphore_mem>>
        %dma_start3A = arith.constant 0 : i32
        %dma_start3A_40 = tpu.memref_slice %arg7[%add3A_39, %dma_start3A] : memref<10240x16xf32, #tpu.memory_space<vmem_shared>> -> memref<64x16xf32, #tpu.memory_space<vmem_shared>>
        %dma_start3A_41 = arith.constant 0 : i32
        %dma_start3A_42 = tpu.memref_slice %arg7[%add3A_39, %dma_start3A_41] : memref<10240x16xf32, #tpu.memory_space<vmem_shared>> -> memref<64x16xf32, #tpu.memory_space<vmem_shared>>
        tpu.enqueue_dma source(%arg6 : memref<64x16xf32, #tpu.memory_space<vmem>>) target(%dma_start3A_42 : memref<64x16xf32, #tpu.memory_space<vmem_shared>>) target_semaphore(%run_scoped3A : memref<!tpu.dma_semaphore, #tpu.memory_space<semaphore_mem>>)
        %dma_wait3A = arith.constant 0 : i32
        %dma_wait3A_43 = tpu.memref_slice %arg7[%add3A_39, %dma_wait3A] : memref<10240x16xf32, #tpu.memory_space<vmem_shared>> -> memref<64x16xf32, #tpu.memory_space<vmem_shared>>
        %dma_wait3A_44 = arith.constant 0 : i32
        %dma_wait3A_45 = tpu.memref_slice %arg7[%add3A_39, %dma_wait3A_44] : memref<10240x16xf32, #tpu.memory_space<vmem_shared>> -> memref<64x16xf32, #tpu.memory_space<vmem_shared>>
        tpu.wait_dma2 semaphore(%run_scoped3A : memref<!tpu.dma_semaphore, #tpu.memory_space<semaphore_mem>>) src(%arg6 : memref<64x16xf32, #tpu.memory_space<vmem>>) dst(%dma_wait3A_45 : memref<64x16xf32, #tpu.memory_space<vmem_shared>>)
        tpu.yield
      }) : () -> ()
    }
    %scan3A_20 = arith.constant 10 : i32
    %barrier3A = arith.constant 0 : index
    tpu.barrier barrier_id(%barrier3A)
    %mul3A_21 = arith.constant 10368 : i32
    %mul3A_22 = arith.muli %add3A, %mul3A_21 : i32
    %scan3A_23 = arith.constant 0 : i32
    %scan3A_24 = arith.constant 0 : i32
    %scan3A_25 = arith.constant 81 : i32
    %scan3A_26 = arith.addi %scan3A_24, %scan3A_25 : i32
    %scan3A_27 = arith.constant 1 : i32
    scf.for %scan3A_34 = %scan3A_24 to %scan3A_26 step %scan3A_27  : i32 {
      %mul3A_35 = arith.constant 128 : i32
      %mul3A_36 = arith.muli %scan3A_34, %mul3A_35 : i32
      %add3A_37 = arith.addi %mul3A_22, %mul3A_36 : i32
      "tpu.region"() ({
        %run_scoped3A = tpu.sem_alloc : memref<!tpu.dma_semaphore, #tpu.memory_space<semaphore_mem>>
        %dma_start3A = tpu.memref_slice %arg2[%add3A_37] : memref<331776xi32, #tpu.memory_space<hbm>> -> memref<128xi32, #tpu.memory_space<hbm>>
        %dma_start3A_38 = tpu.memref_slice %arg2[%add3A_37] : memref<331776xi32, #tpu.memory_space<hbm>> -> memref<128xi32, #tpu.memory_space<hbm>>
        tpu.enqueue_dma source(%dma_start3A_38 : memref<128xi32, #tpu.memory_space<hbm>>) target(%arg4 : memref<128xi32, #tpu.memory_space<vmem>>) target_semaphore(%run_scoped3A : memref<!tpu.dma_semaphore, #tpu.memory_space<semaphore_mem>>)
        %dma_wait3A = tpu.memref_slice %arg2[%add3A_37] : memref<331776xi32, #tpu.memory_space<hbm>> -> memref<128xi32, #tpu.memory_space<hbm>>
        %dma_wait3A_39 = tpu.memref_slice %arg2[%add3A_37] : memref<331776xi32, #tpu.memory_space<hbm>> -> memref<128xi32, #tpu.memory_space<hbm>>
        tpu.wait_dma2 semaphore(%run_scoped3A : memref<!tpu.dma_semaphore, #tpu.memory_space<semaphore_mem>>) src(%dma_wait3A_39 : memref<128xi32, #tpu.memory_space<hbm>>) dst(%arg4 : memref<128xi32, #tpu.memory_space<vmem>>)
        tpu.yield
      }) : () -> ()
      "tpu.region"() ({
        %run_scoped3A = tpu.sem_alloc : memref<!tpu.dma_semaphore, #tpu.memory_space<semaphore_mem>>
        %dma_start3A = arith.constant 0 : i32
        %dma_start3A_38 = arith.constant 0 : i32
        %dma_start3A_39 = tpu.memref_slice %arg7[%dma_start3A, %dma_start3A_38] : memref<10240x16xf32, #tpu.memory_space<vmem_shared>> -> memref<10240x16xf32, #tpu.memory_space<vmem_shared>>
        tpu.enqueue_indirect_dma source(%arg5 : memref<128x16xf32, #tpu.memory_space<vmem>>) target(%dma_start3A_39 : memref<10240x16xf32, #tpu.memory_space<vmem_shared>>) offsets(%arg4 : memref<128xi32, #tpu.memory_space<vmem>>) semaphore(%run_scoped3A : memref<!tpu.dma_semaphore, #tpu.memory_space<semaphore_mem>>) {add = true}
        %dma_wait3A = arith.constant 0 : i32
        %dma_wait3A_40 = arith.constant 0 : i32
        %dma_wait3A_41 = tpu.memref_slice %arg7[%dma_wait3A, %dma_wait3A_40] : memref<10240x16xf32, #tpu.memory_space<vmem_shared>> -> memref<10240x16xf32, #tpu.memory_space<vmem_shared>>
        tpu.wait_indirect_dma semaphore(%run_scoped3A : memref<!tpu.dma_semaphore, #tpu.memory_space<semaphore_mem>>) src(%arg5 : memref<128x16xf32, #tpu.memory_space<vmem>>) dst(%dma_wait3A_41 : memref<10240x16xf32, #tpu.memory_space<vmem_shared>>)
        tpu.yield
      }) : () -> ()
    }
    %scan3A_28 = arith.constant 81 : i32
    %barrier3A_29 = arith.constant 0 : index
    tpu.barrier barrier_id(%barrier3A_29)
    %mul3A_30 = arith.constant 640 : i32
    %mul3A_31 = arith.muli %arg1, %mul3A_30 : i32
    %mul3A_32 = arith.constant 640 : i32
    %mul3A_33 = arith.muli %arg1, %mul3A_32 : i32
    "tpu.region"() ({
      %run_scoped3A = tpu.sem_alloc : memref<!tpu.dma_semaphore, #tpu.memory_space<semaphore_mem>>
      %dma_start3A = arith.constant 0 : i32
      %dma_start3A_34 = tpu.memref_slice %arg3[%arg0, %mul3A_33, %dma_start3A] : memref<2x10240x16xf32, #tpu.memory_space<hbm>> -> memref<1x640x16xf32, #tpu.memory_space<hbm>>
      %dma_start3A_35 = tpu.memref_squeeze %dma_start3A_34 : memref<1x640x16xf32, #tpu.memory_space<hbm>> -> memref<640x16xf32, #tpu.memory_space<hbm>>
      %dma_start3A_36 = arith.constant 0 : i32
      %dma_start3A_37 = tpu.memref_slice %arg7[%mul3A_31, %dma_start3A_36] : memref<10240x16xf32, #tpu.memory_space<vmem_shared>> -> memref<640x16xf32, #tpu.memory_space<vmem_shared>>
      tpu.enqueue_dma source(%dma_start3A_37 : memref<640x16xf32, #tpu.memory_space<vmem_shared>>) target(%dma_start3A_35 : memref<640x16xf32, #tpu.memory_space<hbm>>) target_semaphore(%run_scoped3A : memref<!tpu.dma_semaphore, #tpu.memory_space<semaphore_mem>>)
      %dma_wait3A = arith.constant 0 : i32
      %dma_wait3A_38 = tpu.memref_slice %arg3[%arg0, %mul3A_33, %dma_wait3A] : memref<2x10240x16xf32, #tpu.memory_space<hbm>> -> memref<1x640x16xf32, #tpu.memory_space<hbm>>
      %dma_wait3A_39 = tpu.memref_squeeze %dma_wait3A_38 : memref<1x640x16xf32, #tpu.memory_space<hbm>> -> memref<640x16xf32, #tpu.memory_space<hbm>>
      %dma_wait3A_40 = arith.constant 0 : i32
      %dma_wait3A_41 = tpu.memref_slice %arg7[%mul3A_31, %dma_wait3A_40] : memref<10240x16xf32, #tpu.memory_space<vmem_shared>> -> memref<640x16xf32, #tpu.memory_space<vmem_shared>>
      tpu.wait_dma2 semaphore(%run_scoped3A : memref<!tpu.dma_semaphore, #tpu.memory_space<semaphore_mem>>) src(%dma_wait3A_41 : memref<640x16xf32, #tpu.memory_space<vmem_shared>>) dst(%dma_wait3A_39 : memref<640x16xf32, #tpu.memory_space<hbm>>)
      tpu.yield
    }) : () -> ()
    return
  }
}

#map = affine_map<(d0, d1) -> (0, 0)>
#map1 = affine_map<(d0, d1) -> (0)>
#map2 = affine_map<(d0, d1) -> (0, 0, 0)>
module attributes {stable_mosaic.version = 14 : i64} {
  func.func @_agg_body(%arg0: i32, %arg1: i32, %arg2: memref<10240x128xf32, #tpu.memory_space<hbm>>, %arg3: memref<331776xi32, #tpu.memory_space<hbm>>, %arg4: memref<331776xi32, #tpu.memory_space<hbm>>, %arg5: memref<2x10240x128xf32, #tpu.memory_space<hbm>>, %arg6: memref<128xi32, #tpu.memory_space<vmem>>, %arg7: memref<128xi32, #tpu.memory_space<vmem>>, %arg8: memref<128x128xf32, #tpu.memory_space<vmem>>, %arg9: memref<64x128xf32, #tpu.memory_space<vmem>>, %arg10: memref<10240x128xf32, #tpu.memory_space<vmem_shared>>, %arg11: memref<!tpu.dma_semaphore, #tpu.memory_space<semaphore_mem>>) attributes {dimension_semantics = [#tpu.dimension_semantics<core_parallel>, #tpu.dimension_semantics<subcore_parallel>], iteration_bounds = array<i64: 2, 16>, scalar_prefetch = 0 : i64, scratch_operands = 6 : i64, tpu.core_type = #tpu.core_type<sc_vector_subcore>, window_params = [{transform_indices = #map}, {transform_indices = #map1}, {transform_indices = #map1}, {transform_indices = #map2}]} {
    %mul3A = arith.constant 16 : i32
    %mul3A_0 = arith.muli %arg0, %mul3A : i32
    %add3A = arith.addi %mul3A_0, %arg1 : i32
    %broadcast_in_dim3A = arith.constant 0.000000e+00 : f32
    %broadcast_in_dim3A_1 = vector.broadcast %broadcast_in_dim3A : f32 to vector<16xf32>
    %scan3A = arith.constant 0 : i32
    %scan3A_2 = arith.constant 0 : i32
    %scan3A_3 = arith.constant 64 : i32
    %scan3A_4 = arith.addi %scan3A_2, %scan3A_3 : i32
    %scan3A_5 = arith.constant 1 : i32
    scf.for %scan3A_26 = %scan3A_2 to %scan3A_4 step %scan3A_5  : i32 {
      %swap3A = arith.index_cast %scan3A_26 : i32 to index
      %swap3A_27 = arith.constant 0 : index
      %swap3A_28 = tpu.vector_load %arg9[%swap3A, %swap3A_27] {strides = array<i32>} : memref<64x128xf32, #tpu.memory_space<vmem>>, vector<1x16xf32>,
      %swap3A_29 = vector.shape_cast %swap3A_28 : vector<1x16xf32> to vector<16xf32>
      %swap3A_30 = vector.shape_cast %broadcast_in_dim3A_1 : vector<16xf32> to vector<1x16xf32>
      tpu.vector_store %arg9[%swap3A, %swap3A_27], %swap3A_30 {strides = array<i32>} : memref<64x128xf32, #tpu.memory_space<vmem>>, vector<1x16xf32>,
      %swap3A_31 = arith.index_cast %scan3A_26 : i32 to index
      %swap3A_32 = arith.constant 16 : index
      %swap3A_33 = tpu.vector_load %arg9[%swap3A_31, %swap3A_32] {strides = array<i32>} : memref<64x128xf32, #tpu.memory_space<vmem>>, vector<1x16xf32>,
      %swap3A_34 = vector.shape_cast %swap3A_33 : vector<1x16xf32> to vector<16xf32>
      %swap3A_35 = vector.shape_cast %broadcast_in_dim3A_1 : vector<16xf32> to vector<1x16xf32>
      tpu.vector_store %arg9[%swap3A_31, %swap3A_32], %swap3A_35 {strides = array<i32>} : memref<64x128xf32, #tpu.memory_space<vmem>>, vector<1x16xf32>,
      %swap3A_36 = arith.index_cast %scan3A_26 : i32 to index
      %swap3A_37 = arith.constant 32 : index
      %swap3A_38 = tpu.vector_load %arg9[%swap3A_36, %swap3A_37] {strides = array<i32>} : memref<64x128xf32, #tpu.memory_space<vmem>>, vector<1x16xf32>,
      %swap3A_39 = vector.shape_cast %swap3A_38 : vector<1x16xf32> to vector<16xf32>
      %swap3A_40 = vector.shape_cast %broadcast_in_dim3A_1 : vector<16xf32> to vector<1x16xf32>
      tpu.vector_store %arg9[%swap3A_36, %swap3A_37], %swap3A_40 {strides = array<i32>} : memref<64x128xf32, #tpu.memory_space<vmem>>, vector<1x16xf32>,
      %swap3A_41 = arith.index_cast %scan3A_26 : i32 to index
      %swap3A_42 = arith.constant 48 : index
      %swap3A_43 = tpu.vector_load %arg9[%swap3A_41, %swap3A_42] {strides = array<i32>} : memref<64x128xf32, #tpu.memory_space<vmem>>, vector<1x16xf32>,
      %swap3A_44 = vector.shape_cast %swap3A_43 : vector<1x16xf32> to vector<16xf32>
      %swap3A_45 = vector.shape_cast %broadcast_in_dim3A_1 : vector<16xf32> to vector<1x16xf32>
      tpu.vector_store %arg9[%swap3A_41, %swap3A_42], %swap3A_45 {strides = array<i32>} : memref<64x128xf32, #tpu.memory_space<vmem>>, vector<1x16xf32>,
      %swap3A_46 = arith.index_cast %scan3A_26 : i32 to index
      %swap3A_47 = arith.constant 64 : index
      %swap3A_48 = tpu.vector_load %arg9[%swap3A_46, %swap3A_47] {strides = array<i32>} : memref<64x128xf32, #tpu.memory_space<vmem>>, vector<1x16xf32>,
      %swap3A_49 = vector.shape_cast %swap3A_48 : vector<1x16xf32> to vector<16xf32>
      %swap3A_50 = vector.shape_cast %broadcast_in_dim3A_1 : vector<16xf32> to vector<1x16xf32>
      tpu.vector_store %arg9[%swap3A_46, %swap3A_47], %swap3A_50 {strides = array<i32>} : memref<64x128xf32, #tpu.memory_space<vmem>>, vector<1x16xf32>,
      %swap3A_51 = arith.index_cast %scan3A_26 : i32 to index
      %swap3A_52 = arith.constant 80 : index
      %swap3A_53 = tpu.vector_load %arg9[%swap3A_51, %swap3A_52] {strides = array<i32>} : memref<64x128xf32, #tpu.memory_space<vmem>>, vector<1x16xf32>,
      %swap3A_54 = vector.shape_cast %swap3A_53 : vector<1x16xf32> to vector<16xf32>
      %swap3A_55 = vector.shape_cast %broadcast_in_dim3A_1 : vector<16xf32> to vector<1x16xf32>
      tpu.vector_store %arg9[%swap3A_51, %swap3A_52], %swap3A_55 {strides = array<i32>} : memref<64x128xf32, #tpu.memory_space<vmem>>, vector<1x16xf32>,
      %swap3A_56 = arith.index_cast %scan3A_26 : i32 to index
      %swap3A_57 = arith.constant 96 : index
      %swap3A_58 = tpu.vector_load %arg9[%swap3A_56, %swap3A_57] {strides = array<i32>} : memref<64x128xf32, #tpu.memory_space<vmem>>, vector<1x16xf32>,
      %swap3A_59 = vector.shape_cast %swap3A_58 : vector<1x16xf32> to vector<16xf32>
      %swap3A_60 = vector.shape_cast %broadcast_in_dim3A_1 : vector<16xf32> to vector<1x16xf32>
      tpu.vector_store %arg9[%swap3A_56, %swap3A_57], %swap3A_60 {strides = array<i32>} : memref<64x128xf32, #tpu.memory_space<vmem>>, vector<1x16xf32>,
      %swap3A_61 = arith.index_cast %scan3A_26 : i32 to index
      %swap3A_62 = arith.constant 112 : index
      %swap3A_63 = tpu.vector_load %arg9[%swap3A_61, %swap3A_62] {strides = array<i32>} : memref<64x128xf32, #tpu.memory_space<vmem>>, vector<1x16xf32>,
      %swap3A_64 = vector.shape_cast %swap3A_63 : vector<1x16xf32> to vector<16xf32>
      %swap3A_65 = vector.shape_cast %broadcast_in_dim3A_1 : vector<16xf32> to vector<1x16xf32>
      tpu.vector_store %arg9[%swap3A_61, %swap3A_62], %swap3A_65 {strides = array<i32>} : memref<64x128xf32, #tpu.memory_space<vmem>>, vector<1x16xf32>,
    }
    %scan3A_6 = arith.constant 64 : i32
    %scan3A_7 = arith.constant 0 : i32
    %scan3A_8 = arith.constant 0 : i32
    %scan3A_9 = arith.constant 10 : i32
    %scan3A_10 = arith.addi %scan3A_8, %scan3A_9 : i32
    %scan3A_11 = arith.constant 1 : i32
    scf.for %scan3A_26 = %scan3A_8 to %scan3A_10 step %scan3A_11  : i32 {
      %mul3A_27 = arith.constant 640 : i32
      %mul3A_28 = arith.muli %arg1, %mul3A_27 : i32
      %mul3A_29 = arith.constant 64 : i32
      %mul3A_30 = arith.muli %scan3A_26, %mul3A_29 : i32
      %add3A_31 = arith.addi %mul3A_28, %mul3A_30 : i32
      "tpu.region"() ({
        %run_scoped3A = tpu.sem_alloc : memref<!tpu.dma_semaphore, #tpu.memory_space<semaphore_mem>>
        %dma_start3A = arith.constant 0 : i32
        %dma_start3A_32 = tpu.memref_slice %arg10[%add3A_31, %dma_start3A] : memref<10240x128xf32, #tpu.memory_space<vmem_shared>> -> memref<64x128xf32, #tpu.memory_space<vmem_shared>>
        %dma_start3A_33 = arith.constant 0 : i32
        %dma_start3A_34 = tpu.memref_slice %arg10[%add3A_31, %dma_start3A_33] : memref<10240x128xf32, #tpu.memory_space<vmem_shared>> -> memref<64x128xf32, #tpu.memory_space<vmem_shared>>
        tpu.enqueue_dma source(%arg9 : memref<64x128xf32, #tpu.memory_space<vmem>>) target(%dma_start3A_34 : memref<64x128xf32, #tpu.memory_space<vmem_shared>>) target_semaphore(%run_scoped3A : memref<!tpu.dma_semaphore, #tpu.memory_space<semaphore_mem>>)
        %dma_wait3A = arith.constant 0 : i32
        %dma_wait3A_35 = tpu.memref_slice %arg10[%add3A_31, %dma_wait3A] : memref<10240x128xf32, #tpu.memory_space<vmem_shared>> -> memref<64x128xf32, #tpu.memory_space<vmem_shared>>
        %dma_wait3A_36 = arith.constant 0 : i32
        %dma_wait3A_37 = tpu.memref_slice %arg10[%add3A_31, %dma_wait3A_36] : memref<10240x128xf32, #tpu.memory_space<vmem_shared>> -> memref<64x128xf32, #tpu.memory_space<vmem_shared>>
        tpu.wait_dma2 semaphore(%run_scoped3A : memref<!tpu.dma_semaphore, #tpu.memory_space<semaphore_mem>>) src(%arg9 : memref<64x128xf32, #tpu.memory_space<vmem>>) dst(%dma_wait3A_37 : memref<64x128xf32, #tpu.memory_space<vmem_shared>>)
        tpu.yield
      }) : () -> ()
    }
    %scan3A_12 = arith.constant 10 : i32
    %barrier3A = arith.constant 0 : index
    tpu.barrier barrier_id(%barrier3A)
    %mul3A_13 = arith.constant 10368 : i32
    %mul3A_14 = arith.muli %add3A, %mul3A_13 : i32
    %scan3A_15 = arith.constant 0 : i32
    %scan3A_16 = arith.constant 0 : i32
    %scan3A_17 = arith.constant 81 : i32
    %scan3A_18 = arith.addi %scan3A_16, %scan3A_17 : i32
    %scan3A_19 = arith.constant 1 : i32
    scf.for %scan3A_26 = %scan3A_16 to %scan3A_18 step %scan3A_19  : i32 {
      %mul3A_27 = arith.constant 128 : i32
      %mul3A_28 = arith.muli %scan3A_26, %mul3A_27 : i32
      %add3A_29 = arith.addi %mul3A_14, %mul3A_28 : i32
      "tpu.region"() ({
        %run_scoped3A = tpu.sem_alloc : memref<!tpu.dma_semaphore, #tpu.memory_space<semaphore_mem>>
        %dma_start3A_34 = tpu.memref_slice %arg3[%add3A_29] : memref<331776xi32, #tpu.memory_space<hbm>> -> memref<128xi32, #tpu.memory_space<hbm>>
        %dma_start3A_35 = tpu.memref_slice %arg3[%add3A_29] : memref<331776xi32, #tpu.memory_space<hbm>> -> memref<128xi32, #tpu.memory_space<hbm>>
        tpu.enqueue_dma source(%dma_start3A_35 : memref<128xi32, #tpu.memory_space<hbm>>) target(%arg6 : memref<128xi32, #tpu.memory_space<vmem>>) target_semaphore(%run_scoped3A : memref<!tpu.dma_semaphore, #tpu.memory_space<semaphore_mem>>)
        %dma_wait3A_36 = tpu.memref_slice %arg3[%add3A_29] : memref<331776xi32, #tpu.memory_space<hbm>> -> memref<128xi32, #tpu.memory_space<hbm>>
        %dma_wait3A_37 = tpu.memref_slice %arg3[%add3A_29] : memref<331776xi32, #tpu.memory_space<hbm>> -> memref<128xi32, #tpu.memory_space<hbm>>
        tpu.wait_dma2 semaphore(%run_scoped3A : memref<!tpu.dma_semaphore, #tpu.memory_space<semaphore_mem>>) src(%dma_wait3A_37 : memref<128xi32, #tpu.memory_space<hbm>>) dst(%arg6 : memref<128xi32, #tpu.memory_space<vmem>>)
        tpu.yield
      }) : () -> ()
      "tpu.region"() ({
        %run_scoped3A = tpu.sem_alloc : memref<!tpu.dma_semaphore, #tpu.memory_space<semaphore_mem>>
        %dma_start3A_34 = tpu.memref_slice %arg4[%add3A_29] : memref<331776xi32, #tpu.memory_space<hbm>> -> memref<128xi32, #tpu.memory_space<hbm>>
        %dma_start3A_35 = tpu.memref_slice %arg4[%add3A_29] : memref<331776xi32, #tpu.memory_space<hbm>> -> memref<128xi32, #tpu.memory_space<hbm>>
        tpu.enqueue_dma source(%dma_start3A_35 : memref<128xi32, #tpu.memory_space<hbm>>) target(%arg7 : memref<128xi32, #tpu.memory_space<vmem>>) target_semaphore(%run_scoped3A : memref<!tpu.dma_semaphore, #tpu.memory_space<semaphore_mem>>)
        %dma_wait3A_36 = tpu.memref_slice %arg4[%add3A_29] : memref<331776xi32, #tpu.memory_space<hbm>> -> memref<128xi32, #tpu.memory_space<hbm>>
        %dma_wait3A_37 = tpu.memref_slice %arg4[%add3A_29] : memref<331776xi32, #tpu.memory_space<hbm>> -> memref<128xi32, #tpu.memory_space<hbm>>
        tpu.wait_dma2 semaphore(%run_scoped3A : memref<!tpu.dma_semaphore, #tpu.memory_space<semaphore_mem>>) src(%dma_wait3A_37 : memref<128xi32, #tpu.memory_space<hbm>>) dst(%arg7 : memref<128xi32, #tpu.memory_space<vmem>>)
        tpu.yield
      }) : () -> ()
      %dma_start3A = arith.constant 0 : i32
      %dma_start3A_30 = arith.constant 0 : i32
      %dma_start3A_31 = tpu.memref_slice %arg2[%dma_start3A, %dma_start3A_30] : memref<10240x128xf32, #tpu.memory_space<hbm>> -> memref<10240x128xf32, #tpu.memory_space<hbm>>
      tpu.enqueue_indirect_dma source(%dma_start3A_31 : memref<10240x128xf32, #tpu.memory_space<hbm>>) target(%arg8 : memref<128x128xf32, #tpu.memory_space<vmem>>) offsets(%arg6 : memref<128xi32, #tpu.memory_space<vmem>>) semaphore(%arg11 : memref<!tpu.dma_semaphore, #tpu.memory_space<semaphore_mem>>)
      %dma_wait3A = arith.constant 0 : i32
      %dma_wait3A_32 = arith.constant 0 : i32
      %dma_wait3A_33 = tpu.memref_slice %arg2[%dma_wait3A, %dma_wait3A_32] : memref<10240x128xf32, #tpu.memory_space<hbm>> -> memref<10240x128xf32, #tpu.memory_space<hbm>>
      tpu.wait_indirect_dma semaphore(%arg11 : memref<!tpu.dma_semaphore, #tpu.memory_space<semaphore_mem>>) src(%dma_wait3A_33 : memref<10240x128xf32, #tpu.memory_space<hbm>>) dst(%arg8 : memref<128x128xf32, #tpu.memory_space<vmem>>)
      "tpu.region"() ({
        %run_scoped3A = tpu.sem_alloc : memref<!tpu.dma_semaphore, #tpu.memory_space<semaphore_mem>>
        %dma_start3A_34 = arith.constant 0 : i32
        %dma_start3A_35 = arith.constant 0 : i32
        %dma_start3A_36 = tpu.memref_slice %arg10[%dma_start3A_34, %dma_start3A_35] : memref<10240x128xf32, #tpu.memory_space<vmem_shared>> -> memref<10240x128xf32, #tpu.memory_space<vmem_shared>>
        tpu.enqueue_indirect_dma source(%arg8 : memref<128x128xf32, #tpu.memory_space<vmem>>) target(%dma_start3A_36 : memref<10240x128xf32, #tpu.memory_space<vmem_shared>>) offsets(%arg7 : memref<128xi32, #tpu.memory_space<vmem>>) semaphore(%run_scoped3A : memref<!tpu.dma_semaphore, #tpu.memory_space<semaphore_mem>>) {add = true}
        %dma_wait3A_37 = arith.constant 0 : i32
        %dma_wait3A_38 = arith.constant 0 : i32
        %dma_wait3A_39 = tpu.memref_slice %arg10[%dma_wait3A_37, %dma_wait3A_38] : memref<10240x128xf32, #tpu.memory_space<vmem_shared>> -> memref<10240x128xf32, #tpu.memory_space<vmem_shared>>
        tpu.wait_indirect_dma semaphore(%run_scoped3A : memref<!tpu.dma_semaphore, #tpu.memory_space<semaphore_mem>>) src(%arg8 : memref<128x128xf32, #tpu.memory_space<vmem>>) dst(%dma_wait3A_39 : memref<10240x128xf32, #tpu.memory_space<vmem_shared>>)
        tpu.yield
      }) : () -> ()
    }
    %scan3A_20 = arith.constant 81 : i32
    %barrier3A_21 = arith.constant 0 : index
    tpu.barrier barrier_id(%barrier3A_21)
    %mul3A_22 = arith.constant 640 : i32
    %mul3A_23 = arith.muli %arg1, %mul3A_22 : i32
    %mul3A_24 = arith.constant 640 : i32
    %mul3A_25 = arith.muli %arg1, %mul3A_24 : i32
    "tpu.region"() ({
      %run_scoped3A = tpu.sem_alloc : memref<!tpu.dma_semaphore, #tpu.memory_space<semaphore_mem>>
      %dma_start3A = arith.constant 0 : i32
      %dma_start3A_26 = tpu.memref_slice %arg5[%arg0, %mul3A_25, %dma_start3A] : memref<2x10240x128xf32, #tpu.memory_space<hbm>> -> memref<1x640x128xf32, #tpu.memory_space<hbm>>
      %dma_start3A_27 = tpu.memref_squeeze %dma_start3A_26 : memref<1x640x128xf32, #tpu.memory_space<hbm>> -> memref<640x128xf32, #tpu.memory_space<hbm>>
      %dma_start3A_28 = arith.constant 0 : i32
      %dma_start3A_29 = tpu.memref_slice %arg10[%mul3A_23, %dma_start3A_28] : memref<10240x128xf32, #tpu.memory_space<vmem_shared>> -> memref<640x128xf32, #tpu.memory_space<vmem_shared>>
      tpu.enqueue_dma source(%dma_start3A_29 : memref<640x128xf32, #tpu.memory_space<vmem_shared>>) target(%dma_start3A_27 : memref<640x128xf32, #tpu.memory_space<hbm>>) target_semaphore(%run_scoped3A : memref<!tpu.dma_semaphore, #tpu.memory_space<semaphore_mem>>)
      %dma_wait3A = arith.constant 0 : i32
      %dma_wait3A_30 = tpu.memref_slice %arg5[%arg0, %mul3A_25, %dma_wait3A] : memref<2x10240x128xf32, #tpu.memory_space<hbm>> -> memref<1x640x128xf32, #tpu.memory_space<hbm>>
      %dma_wait3A_31 = tpu.memref_squeeze %dma_wait3A_30 : memref<1x640x128xf32, #tpu.memory_space<hbm>> -> memref<640x128xf32, #tpu.memory_space<hbm>>
      %dma_wait3A_32 = arith.constant 0 : i32
      %dma_wait3A_33 = tpu.memref_slice %arg10[%mul3A_23, %dma_wait3A_32] : memref<10240x128xf32, #tpu.memory_space<vmem_shared>> -> memref<640x128xf32, #tpu.memory_space<vmem_shared>>
      tpu.wait_dma2 semaphore(%run_scoped3A : memref<!tpu.dma_semaphore, #tpu.memory_space<semaphore_mem>>) src(%dma_wait3A_33 : memref<640x128xf32, #tpu.memory_space<vmem_shared>>) dst(%dma_wait3A_31 : memref<640x128xf32, #tpu.memory_space<hbm>>)
      tpu.yield
    }) : () -> ()
    return
  }
}

#map = affine_map<(d0, d1) -> (0, 0)>
#map1 = affine_map<(d0, d1) -> (0)>
#map2 = affine_map<(d0, d1) -> (0, 0, 0)>
module attributes {stable_mosaic.version = 14 : i64} {
  func.func @_agg_body(%arg0: i32, %arg1: i32, %arg2: memref<10240x128xf32, #tpu.memory_space<hbm>>, %arg3: memref<331776xi32, #tpu.memory_space<hbm>>, %arg4: memref<331776xi32, #tpu.memory_space<hbm>>, %arg5: memref<2x10240x128xf32, #tpu.memory_space<hbm>>, %arg6: memref<128xi32, #tpu.memory_space<vmem>>, %arg7: memref<128xi32, #tpu.memory_space<vmem>>, %arg8: memref<128x128xf32, #tpu.memory_space<vmem>>, %arg9: memref<64x128xf32, #tpu.memory_space<vmem>>, %arg10: memref<10240x128xf32, #tpu.memory_space<vmem_shared>>, %arg11: memref<!tpu.dma_semaphore, #tpu.memory_space<semaphore_mem>>) attributes {dimension_semantics = [#tpu.dimension_semantics<core_parallel>, #tpu.dimension_semantics<subcore_parallel>], iteration_bounds = array<i64: 2, 16>, scalar_prefetch = 0 : i64, scratch_operands = 6 : i64, tpu.core_type = #tpu.core_type<sc_vector_subcore>, window_params = [{transform_indices = #map}, {transform_indices = #map1}, {transform_indices = #map1}, {transform_indices = #map2}]} {
    %mul3A = arith.constant 16 : i32
    %mul3A_0 = arith.muli %arg0, %mul3A : i32
    %add3A = arith.addi %mul3A_0, %arg1 : i32
    %broadcast_in_dim3A = arith.constant 0.000000e+00 : f32
    %broadcast_in_dim3A_1 = vector.broadcast %broadcast_in_dim3A : f32 to vector<16xf32>
    %scan3A = arith.constant 0 : i32
    %scan3A_2 = arith.constant 0 : i32
    %scan3A_3 = arith.constant 64 : i32
    %scan3A_4 = arith.addi %scan3A_2, %scan3A_3 : i32
    %scan3A_5 = arith.constant 1 : i32
    scf.for %scan3A_26 = %scan3A_2 to %scan3A_4 step %scan3A_5  : i32 {
      %swap3A = arith.index_cast %scan3A_26 : i32 to index
      %swap3A_27 = arith.constant 0 : index
      %swap3A_28 = tpu.vector_load %arg9[%swap3A, %swap3A_27] {strides = array<i32>} : memref<64x128xf32, #tpu.memory_space<vmem>>, vector<1x16xf32>,
      %swap3A_29 = vector.shape_cast %swap3A_28 : vector<1x16xf32> to vector<16xf32>
      %swap3A_30 = vector.shape_cast %broadcast_in_dim3A_1 : vector<16xf32> to vector<1x16xf32>
      tpu.vector_store %arg9[%swap3A, %swap3A_27], %swap3A_30 {strides = array<i32>} : memref<64x128xf32, #tpu.memory_space<vmem>>, vector<1x16xf32>,
      %swap3A_31 = arith.index_cast %scan3A_26 : i32 to index
      %swap3A_32 = arith.constant 16 : index
      %swap3A_33 = tpu.vector_load %arg9[%swap3A_31, %swap3A_32] {strides = array<i32>} : memref<64x128xf32, #tpu.memory_space<vmem>>, vector<1x16xf32>,
      %swap3A_34 = vector.shape_cast %swap3A_33 : vector<1x16xf32> to vector<16xf32>
      %swap3A_35 = vector.shape_cast %broadcast_in_dim3A_1 : vector<16xf32> to vector<1x16xf32>
      tpu.vector_store %arg9[%swap3A_31, %swap3A_32], %swap3A_35 {strides = array<i32>} : memref<64x128xf32, #tpu.memory_space<vmem>>, vector<1x16xf32>,
      %swap3A_36 = arith.index_cast %scan3A_26 : i32 to index
      %swap3A_37 = arith.constant 32 : index
      %swap3A_38 = tpu.vector_load %arg9[%swap3A_36, %swap3A_37] {strides = array<i32>} : memref<64x128xf32, #tpu.memory_space<vmem>>, vector<1x16xf32>,
      %swap3A_39 = vector.shape_cast %swap3A_38 : vector<1x16xf32> to vector<16xf32>
      %swap3A_40 = vector.shape_cast %broadcast_in_dim3A_1 : vector<16xf32> to vector<1x16xf32>
      tpu.vector_store %arg9[%swap3A_36, %swap3A_37], %swap3A_40 {strides = array<i32>} : memref<64x128xf32, #tpu.memory_space<vmem>>, vector<1x16xf32>,
      %swap3A_41 = arith.index_cast %scan3A_26 : i32 to index
      %swap3A_42 = arith.constant 48 : index
      %swap3A_43 = tpu.vector_load %arg9[%swap3A_41, %swap3A_42] {strides = array<i32>} : memref<64x128xf32, #tpu.memory_space<vmem>>, vector<1x16xf32>,
      %swap3A_44 = vector.shape_cast %swap3A_43 : vector<1x16xf32> to vector<16xf32>
      %swap3A_45 = vector.shape_cast %broadcast_in_dim3A_1 : vector<16xf32> to vector<1x16xf32>
      tpu.vector_store %arg9[%swap3A_41, %swap3A_42], %swap3A_45 {strides = array<i32>} : memref<64x128xf32, #tpu.memory_space<vmem>>, vector<1x16xf32>,
      %swap3A_46 = arith.index_cast %scan3A_26 : i32 to index
      %swap3A_47 = arith.constant 64 : index
      %swap3A_48 = tpu.vector_load %arg9[%swap3A_46, %swap3A_47] {strides = array<i32>} : memref<64x128xf32, #tpu.memory_space<vmem>>, vector<1x16xf32>,
      %swap3A_49 = vector.shape_cast %swap3A_48 : vector<1x16xf32> to vector<16xf32>
      %swap3A_50 = vector.shape_cast %broadcast_in_dim3A_1 : vector<16xf32> to vector<1x16xf32>
      tpu.vector_store %arg9[%swap3A_46, %swap3A_47], %swap3A_50 {strides = array<i32>} : memref<64x128xf32, #tpu.memory_space<vmem>>, vector<1x16xf32>,
      %swap3A_51 = arith.index_cast %scan3A_26 : i32 to index
      %swap3A_52 = arith.constant 80 : index
      %swap3A_53 = tpu.vector_load %arg9[%swap3A_51, %swap3A_52] {strides = array<i32>} : memref<64x128xf32, #tpu.memory_space<vmem>>, vector<1x16xf32>,
      %swap3A_54 = vector.shape_cast %swap3A_53 : vector<1x16xf32> to vector<16xf32>
      %swap3A_55 = vector.shape_cast %broadcast_in_dim3A_1 : vector<16xf32> to vector<1x16xf32>
      tpu.vector_store %arg9[%swap3A_51, %swap3A_52], %swap3A_55 {strides = array<i32>} : memref<64x128xf32, #tpu.memory_space<vmem>>, vector<1x16xf32>,
      %swap3A_56 = arith.index_cast %scan3A_26 : i32 to index
      %swap3A_57 = arith.constant 96 : index
      %swap3A_58 = tpu.vector_load %arg9[%swap3A_56, %swap3A_57] {strides = array<i32>} : memref<64x128xf32, #tpu.memory_space<vmem>>, vector<1x16xf32>,
      %swap3A_59 = vector.shape_cast %swap3A_58 : vector<1x16xf32> to vector<16xf32>
      %swap3A_60 = vector.shape_cast %broadcast_in_dim3A_1 : vector<16xf32> to vector<1x16xf32>
      tpu.vector_store %arg9[%swap3A_56, %swap3A_57], %swap3A_60 {strides = array<i32>} : memref<64x128xf32, #tpu.memory_space<vmem>>, vector<1x16xf32>,
      %swap3A_61 = arith.index_cast %scan3A_26 : i32 to index
      %swap3A_62 = arith.constant 112 : index
      %swap3A_63 = tpu.vector_load %arg9[%swap3A_61, %swap3A_62] {strides = array<i32>} : memref<64x128xf32, #tpu.memory_space<vmem>>, vector<1x16xf32>,
      %swap3A_64 = vector.shape_cast %swap3A_63 : vector<1x16xf32> to vector<16xf32>
      %swap3A_65 = vector.shape_cast %broadcast_in_dim3A_1 : vector<16xf32> to vector<1x16xf32>
      tpu.vector_store %arg9[%swap3A_61, %swap3A_62], %swap3A_65 {strides = array<i32>} : memref<64x128xf32, #tpu.memory_space<vmem>>, vector<1x16xf32>,
    }
    %scan3A_6 = arith.constant 64 : i32
    %scan3A_7 = arith.constant 0 : i32
    %scan3A_8 = arith.constant 0 : i32
    %scan3A_9 = arith.constant 10 : i32
    %scan3A_10 = arith.addi %scan3A_8, %scan3A_9 : i32
    %scan3A_11 = arith.constant 1 : i32
    scf.for %scan3A_26 = %scan3A_8 to %scan3A_10 step %scan3A_11  : i32 {
      %mul3A_27 = arith.constant 640 : i32
      %mul3A_28 = arith.muli %arg1, %mul3A_27 : i32
      %mul3A_29 = arith.constant 64 : i32
      %mul3A_30 = arith.muli %scan3A_26, %mul3A_29 : i32
      %add3A_31 = arith.addi %mul3A_28, %mul3A_30 : i32
      "tpu.region"() ({
        %run_scoped3A = tpu.sem_alloc : memref<!tpu.dma_semaphore, #tpu.memory_space<semaphore_mem>>
        %dma_start3A = arith.constant 0 : i32
        %dma_start3A_32 = tpu.memref_slice %arg10[%add3A_31, %dma_start3A] : memref<10240x128xf32, #tpu.memory_space<vmem_shared>> -> memref<64x128xf32, #tpu.memory_space<vmem_shared>>
        %dma_start3A_33 = arith.constant 0 : i32
        %dma_start3A_34 = tpu.memref_slice %arg10[%add3A_31, %dma_start3A_33] : memref<10240x128xf32, #tpu.memory_space<vmem_shared>> -> memref<64x128xf32, #tpu.memory_space<vmem_shared>>
        tpu.enqueue_dma source(%arg9 : memref<64x128xf32, #tpu.memory_space<vmem>>) target(%dma_start3A_34 : memref<64x128xf32, #tpu.memory_space<vmem_shared>>) target_semaphore(%run_scoped3A : memref<!tpu.dma_semaphore, #tpu.memory_space<semaphore_mem>>)
        %dma_wait3A = arith.constant 0 : i32
        %dma_wait3A_35 = tpu.memref_slice %arg10[%add3A_31, %dma_wait3A] : memref<10240x128xf32, #tpu.memory_space<vmem_shared>> -> memref<64x128xf32, #tpu.memory_space<vmem_shared>>
        %dma_wait3A_36 = arith.constant 0 : i32
        %dma_wait3A_37 = tpu.memref_slice %arg10[%add3A_31, %dma_wait3A_36] : memref<10240x128xf32, #tpu.memory_space<vmem_shared>> -> memref<64x128xf32, #tpu.memory_space<vmem_shared>>
        tpu.wait_dma2 semaphore(%run_scoped3A : memref<!tpu.dma_semaphore, #tpu.memory_space<semaphore_mem>>) src(%arg9 : memref<64x128xf32, #tpu.memory_space<vmem>>) dst(%dma_wait3A_37 : memref<64x128xf32, #tpu.memory_space<vmem_shared>>)
        tpu.yield
      }) : () -> ()
    }
    %scan3A_12 = arith.constant 10 : i32
    %barrier3A = arith.constant 0 : index
    tpu.barrier barrier_id(%barrier3A)
    %mul3A_13 = arith.constant 10368 : i32
    %mul3A_14 = arith.muli %add3A, %mul3A_13 : i32
    %scan3A_15 = arith.constant 0 : i32
    %scan3A_16 = arith.constant 0 : i32
    %scan3A_17 = arith.constant 81 : i32
    %scan3A_18 = arith.addi %scan3A_16, %scan3A_17 : i32
    %scan3A_19 = arith.constant 1 : i32
    scf.for %scan3A_26 = %scan3A_16 to %scan3A_18 step %scan3A_19  : i32 {
      %mul3A_27 = arith.constant 128 : i32
      %mul3A_28 = arith.muli %scan3A_26, %mul3A_27 : i32
      %add3A_29 = arith.addi %mul3A_14, %mul3A_28 : i32
      "tpu.region"() ({
        %run_scoped3A = tpu.sem_alloc : memref<!tpu.dma_semaphore, #tpu.memory_space<semaphore_mem>>
        %dma_start3A_34 = tpu.memref_slice %arg3[%add3A_29] : memref<331776xi32, #tpu.memory_space<hbm>> -> memref<128xi32, #tpu.memory_space<hbm>>
        %dma_start3A_35 = tpu.memref_slice %arg3[%add3A_29] : memref<331776xi32, #tpu.memory_space<hbm>> -> memref<128xi32, #tpu.memory_space<hbm>>
        tpu.enqueue_dma source(%dma_start3A_35 : memref<128xi32, #tpu.memory_space<hbm>>) target(%arg6 : memref<128xi32, #tpu.memory_space<vmem>>) target_semaphore(%run_scoped3A : memref<!tpu.dma_semaphore, #tpu.memory_space<semaphore_mem>>)
        %dma_wait3A_36 = tpu.memref_slice %arg3[%add3A_29] : memref<331776xi32, #tpu.memory_space<hbm>> -> memref<128xi32, #tpu.memory_space<hbm>>
        %dma_wait3A_37 = tpu.memref_slice %arg3[%add3A_29] : memref<331776xi32, #tpu.memory_space<hbm>> -> memref<128xi32, #tpu.memory_space<hbm>>
        tpu.wait_dma2 semaphore(%run_scoped3A : memref<!tpu.dma_semaphore, #tpu.memory_space<semaphore_mem>>) src(%dma_wait3A_37 : memref<128xi32, #tpu.memory_space<hbm>>) dst(%arg6 : memref<128xi32, #tpu.memory_space<vmem>>)
        tpu.yield
      }) : () -> ()
      "tpu.region"() ({
        %run_scoped3A = tpu.sem_alloc : memref<!tpu.dma_semaphore, #tpu.memory_space<semaphore_mem>>
        %dma_start3A_34 = tpu.memref_slice %arg4[%add3A_29] : memref<331776xi32, #tpu.memory_space<hbm>> -> memref<128xi32, #tpu.memory_space<hbm>>
        %dma_start3A_35 = tpu.memref_slice %arg4[%add3A_29] : memref<331776xi32, #tpu.memory_space<hbm>> -> memref<128xi32, #tpu.memory_space<hbm>>
        tpu.enqueue_dma source(%dma_start3A_35 : memref<128xi32, #tpu.memory_space<hbm>>) target(%arg7 : memref<128xi32, #tpu.memory_space<vmem>>) target_semaphore(%run_scoped3A : memref<!tpu.dma_semaphore, #tpu.memory_space<semaphore_mem>>)
        %dma_wait3A_36 = tpu.memref_slice %arg4[%add3A_29] : memref<331776xi32, #tpu.memory_space<hbm>> -> memref<128xi32, #tpu.memory_space<hbm>>
        %dma_wait3A_37 = tpu.memref_slice %arg4[%add3A_29] : memref<331776xi32, #tpu.memory_space<hbm>> -> memref<128xi32, #tpu.memory_space<hbm>>
        tpu.wait_dma2 semaphore(%run_scoped3A : memref<!tpu.dma_semaphore, #tpu.memory_space<semaphore_mem>>) src(%dma_wait3A_37 : memref<128xi32, #tpu.memory_space<hbm>>) dst(%arg7 : memref<128xi32, #tpu.memory_space<vmem>>)
        tpu.yield
      }) : () -> ()
      %dma_start3A = arith.constant 0 : i32
      %dma_start3A_30 = arith.constant 0 : i32
      %dma_start3A_31 = tpu.memref_slice %arg2[%dma_start3A, %dma_start3A_30] : memref<10240x128xf32, #tpu.memory_space<hbm>> -> memref<10240x128xf32, #tpu.memory_space<hbm>>
      tpu.enqueue_indirect_dma source(%dma_start3A_31 : memref<10240x128xf32, #tpu.memory_space<hbm>>) target(%arg8 : memref<128x128xf32, #tpu.memory_space<vmem>>) offsets(%arg6 : memref<128xi32, #tpu.memory_space<vmem>>) semaphore(%arg11 : memref<!tpu.dma_semaphore, #tpu.memory_space<semaphore_mem>>)
      %dma_wait3A = arith.constant 0 : i32
      %dma_wait3A_32 = arith.constant 0 : i32
      %dma_wait3A_33 = tpu.memref_slice %arg2[%dma_wait3A, %dma_wait3A_32] : memref<10240x128xf32, #tpu.memory_space<hbm>> -> memref<10240x128xf32, #tpu.memory_space<hbm>>
      tpu.wait_indirect_dma semaphore(%arg11 : memref<!tpu.dma_semaphore, #tpu.memory_space<semaphore_mem>>) src(%dma_wait3A_33 : memref<10240x128xf32, #tpu.memory_space<hbm>>) dst(%arg8 : memref<128x128xf32, #tpu.memory_space<vmem>>)
      "tpu.region"() ({
        %run_scoped3A = tpu.sem_alloc : memref<!tpu.dma_semaphore, #tpu.memory_space<semaphore_mem>>
        %dma_start3A_34 = arith.constant 0 : i32
        %dma_start3A_35 = arith.constant 0 : i32
        %dma_start3A_36 = tpu.memref_slice %arg10[%dma_start3A_34, %dma_start3A_35] : memref<10240x128xf32, #tpu.memory_space<vmem_shared>> -> memref<10240x128xf32, #tpu.memory_space<vmem_shared>>
        tpu.enqueue_indirect_dma source(%arg8 : memref<128x128xf32, #tpu.memory_space<vmem>>) target(%dma_start3A_36 : memref<10240x128xf32, #tpu.memory_space<vmem_shared>>) offsets(%arg7 : memref<128xi32, #tpu.memory_space<vmem>>) semaphore(%run_scoped3A : memref<!tpu.dma_semaphore, #tpu.memory_space<semaphore_mem>>) {add = true}
        %dma_wait3A_37 = arith.constant 0 : i32
        %dma_wait3A_38 = arith.constant 0 : i32
        %dma_wait3A_39 = tpu.memref_slice %arg10[%dma_wait3A_37, %dma_wait3A_38] : memref<10240x128xf32, #tpu.memory_space<vmem_shared>> -> memref<10240x128xf32, #tpu.memory_space<vmem_shared>>
        tpu.wait_indirect_dma semaphore(%run_scoped3A : memref<!tpu.dma_semaphore, #tpu.memory_space<semaphore_mem>>) src(%arg8 : memref<128x128xf32, #tpu.memory_space<vmem>>) dst(%dma_wait3A_39 : memref<10240x128xf32, #tpu.memory_space<vmem_shared>>)
        tpu.yield
      }) : () -> ()
    }
    %scan3A_20 = arith.constant 81 : i32
    %barrier3A_21 = arith.constant 0 : index
    tpu.barrier barrier_id(%barrier3A_21)
    %mul3A_22 = arith.constant 640 : i32
    %mul3A_23 = arith.muli %arg1, %mul3A_22 : i32
    %mul3A_24 = arith.constant 640 : i32
    %mul3A_25 = arith.muli %arg1, %mul3A_24 : i32
    "tpu.region"() ({
      %run_scoped3A = tpu.sem_alloc : memref<!tpu.dma_semaphore, #tpu.memory_space<semaphore_mem>>
      %dma_start3A = arith.constant 0 : i32
      %dma_start3A_26 = tpu.memref_slice %arg5[%arg0, %mul3A_25, %dma_start3A] : memref<2x10240x128xf32, #tpu.memory_space<hbm>> -> memref<1x640x128xf32, #tpu.memory_space<hbm>>
      %dma_start3A_27 = tpu.memref_squeeze %dma_start3A_26 : memref<1x640x128xf32, #tpu.memory_space<hbm>> -> memref<640x128xf32, #tpu.memory_space<hbm>>
      %dma_start3A_28 = arith.constant 0 : i32
      %dma_start3A_29 = tpu.memref_slice %arg10[%mul3A_23, %dma_start3A_28] : memref<10240x128xf32, #tpu.memory_space<vmem_shared>> -> memref<640x128xf32, #tpu.memory_space<vmem_shared>>
      tpu.enqueue_dma source(%dma_start3A_29 : memref<640x128xf32, #tpu.memory_space<vmem_shared>>) target(%dma_start3A_27 : memref<640x128xf32, #tpu.memory_space<hbm>>) target_semaphore(%run_scoped3A : memref<!tpu.dma_semaphore, #tpu.memory_space<semaphore_mem>>)
      %dma_wait3A = arith.constant 0 : i32
      %dma_wait3A_30 = tpu.memref_slice %arg5[%arg0, %mul3A_25, %dma_wait3A] : memref<2x10240x128xf32, #tpu.memory_space<hbm>> -> memref<1x640x128xf32, #tpu.memory_space<hbm>>
      %dma_wait3A_31 = tpu.memref_squeeze %dma_wait3A_30 : memref<1x640x128xf32, #tpu.memory_space<hbm>> -> memref<640x128xf32, #tpu.memory_space<hbm>>
      %dma_wait3A_32 = arith.constant 0 : i32
      %dma_wait3A_33 = tpu.memref_slice %arg10[%mul3A_23, %dma_wait3A_32] : memref<10240x128xf32, #tpu.memory_space<vmem_shared>> -> memref<640x128xf32, #tpu.memory_space<vmem_shared>>
      tpu.wait_dma2 semaphore(%run_scoped3A : memref<!tpu.dma_semaphore, #tpu.memory_space<semaphore_mem>>) src(%dma_wait3A_33 : memref<640x128xf32, #tpu.memory_space<vmem_shared>>) dst(%dma_wait3A_31 : memref<640x128xf32, #tpu.memory_space<hbm>>)
      tpu.yield
    }) : () -> ()
    return
  }
}

#map = affine_map<(d0, d1) -> (0, 0)>
#map1 = affine_map<(d0, d1) -> (0)>
#map2 = affine_map<(d0, d1) -> (0, 0, 0)>
module attributes {stable_mosaic.version = 14 : i64} {
  func.func @_agg_body(%arg0: i32, %arg1: i32, %arg2: memref<10240x128xf32, #tpu.memory_space<hbm>>, %arg3: memref<331776xi32, #tpu.memory_space<hbm>>, %arg4: memref<331776xi32, #tpu.memory_space<hbm>>, %arg5: memref<2x10240x128xf32, #tpu.memory_space<hbm>>, %arg6: memref<128xi32, #tpu.memory_space<vmem>>, %arg7: memref<128xi32, #tpu.memory_space<vmem>>, %arg8: memref<128x128xf32, #tpu.memory_space<vmem>>, %arg9: memref<64x128xf32, #tpu.memory_space<vmem>>, %arg10: memref<10240x128xf32, #tpu.memory_space<vmem_shared>>, %arg11: memref<!tpu.dma_semaphore, #tpu.memory_space<semaphore_mem>>) attributes {dimension_semantics = [#tpu.dimension_semantics<core_parallel>, #tpu.dimension_semantics<subcore_parallel>], iteration_bounds = array<i64: 2, 16>, scalar_prefetch = 0 : i64, scratch_operands = 6 : i64, tpu.core_type = #tpu.core_type<sc_vector_subcore>, window_params = [{transform_indices = #map}, {transform_indices = #map1}, {transform_indices = #map1}, {transform_indices = #map2}]} {
    %mul3A = arith.constant 16 : i32
    %mul3A_0 = arith.muli %arg0, %mul3A : i32
    %add3A = arith.addi %mul3A_0, %arg1 : i32
    %broadcast_in_dim3A = arith.constant 0.000000e+00 : f32
    %broadcast_in_dim3A_1 = vector.broadcast %broadcast_in_dim3A : f32 to vector<16xf32>
    %scan3A = arith.constant 0 : i32
    %scan3A_2 = arith.constant 0 : i32
    %scan3A_3 = arith.constant 64 : i32
    %scan3A_4 = arith.addi %scan3A_2, %scan3A_3 : i32
    %scan3A_5 = arith.constant 1 : i32
    scf.for %scan3A_26 = %scan3A_2 to %scan3A_4 step %scan3A_5  : i32 {
      %swap3A = arith.index_cast %scan3A_26 : i32 to index
      %swap3A_27 = arith.constant 0 : index
      %swap3A_28 = tpu.vector_load %arg9[%swap3A, %swap3A_27] {strides = array<i32>} : memref<64x128xf32, #tpu.memory_space<vmem>>, vector<1x16xf32>,
      %swap3A_29 = vector.shape_cast %swap3A_28 : vector<1x16xf32> to vector<16xf32>
      %swap3A_30 = vector.shape_cast %broadcast_in_dim3A_1 : vector<16xf32> to vector<1x16xf32>
      tpu.vector_store %arg9[%swap3A, %swap3A_27], %swap3A_30 {strides = array<i32>} : memref<64x128xf32, #tpu.memory_space<vmem>>, vector<1x16xf32>,
      %swap3A_31 = arith.index_cast %scan3A_26 : i32 to index
      %swap3A_32 = arith.constant 16 : index
      %swap3A_33 = tpu.vector_load %arg9[%swap3A_31, %swap3A_32] {strides = array<i32>} : memref<64x128xf32, #tpu.memory_space<vmem>>, vector<1x16xf32>,
      %swap3A_34 = vector.shape_cast %swap3A_33 : vector<1x16xf32> to vector<16xf32>
      %swap3A_35 = vector.shape_cast %broadcast_in_dim3A_1 : vector<16xf32> to vector<1x16xf32>
      tpu.vector_store %arg9[%swap3A_31, %swap3A_32], %swap3A_35 {strides = array<i32>} : memref<64x128xf32, #tpu.memory_space<vmem>>, vector<1x16xf32>,
      %swap3A_36 = arith.index_cast %scan3A_26 : i32 to index
      %swap3A_37 = arith.constant 32 : index
      %swap3A_38 = tpu.vector_load %arg9[%swap3A_36, %swap3A_37] {strides = array<i32>} : memref<64x128xf32, #tpu.memory_space<vmem>>, vector<1x16xf32>,
      %swap3A_39 = vector.shape_cast %swap3A_38 : vector<1x16xf32> to vector<16xf32>
      %swap3A_40 = vector.shape_cast %broadcast_in_dim3A_1 : vector<16xf32> to vector<1x16xf32>
      tpu.vector_store %arg9[%swap3A_36, %swap3A_37], %swap3A_40 {strides = array<i32>} : memref<64x128xf32, #tpu.memory_space<vmem>>, vector<1x16xf32>,
      %swap3A_41 = arith.index_cast %scan3A_26 : i32 to index
      %swap3A_42 = arith.constant 48 : index
      %swap3A_43 = tpu.vector_load %arg9[%swap3A_41, %swap3A_42] {strides = array<i32>} : memref<64x128xf32, #tpu.memory_space<vmem>>, vector<1x16xf32>,
      %swap3A_44 = vector.shape_cast %swap3A_43 : vector<1x16xf32> to vector<16xf32>
      %swap3A_45 = vector.shape_cast %broadcast_in_dim3A_1 : vector<16xf32> to vector<1x16xf32>
      tpu.vector_store %arg9[%swap3A_41, %swap3A_42], %swap3A_45 {strides = array<i32>} : memref<64x128xf32, #tpu.memory_space<vmem>>, vector<1x16xf32>,
      %swap3A_46 = arith.index_cast %scan3A_26 : i32 to index
      %swap3A_47 = arith.constant 64 : index
      %swap3A_48 = tpu.vector_load %arg9[%swap3A_46, %swap3A_47] {strides = array<i32>} : memref<64x128xf32, #tpu.memory_space<vmem>>, vector<1x16xf32>,
      %swap3A_49 = vector.shape_cast %swap3A_48 : vector<1x16xf32> to vector<16xf32>
      %swap3A_50 = vector.shape_cast %broadcast_in_dim3A_1 : vector<16xf32> to vector<1x16xf32>
      tpu.vector_store %arg9[%swap3A_46, %swap3A_47], %swap3A_50 {strides = array<i32>} : memref<64x128xf32, #tpu.memory_space<vmem>>, vector<1x16xf32>,
      %swap3A_51 = arith.index_cast %scan3A_26 : i32 to index
      %swap3A_52 = arith.constant 80 : index
      %swap3A_53 = tpu.vector_load %arg9[%swap3A_51, %swap3A_52] {strides = array<i32>} : memref<64x128xf32, #tpu.memory_space<vmem>>, vector<1x16xf32>,
      %swap3A_54 = vector.shape_cast %swap3A_53 : vector<1x16xf32> to vector<16xf32>
      %swap3A_55 = vector.shape_cast %broadcast_in_dim3A_1 : vector<16xf32> to vector<1x16xf32>
      tpu.vector_store %arg9[%swap3A_51, %swap3A_52], %swap3A_55 {strides = array<i32>} : memref<64x128xf32, #tpu.memory_space<vmem>>, vector<1x16xf32>,
      %swap3A_56 = arith.index_cast %scan3A_26 : i32 to index
      %swap3A_57 = arith.constant 96 : index
      %swap3A_58 = tpu.vector_load %arg9[%swap3A_56, %swap3A_57] {strides = array<i32>} : memref<64x128xf32, #tpu.memory_space<vmem>>, vector<1x16xf32>,
      %swap3A_59 = vector.shape_cast %swap3A_58 : vector<1x16xf32> to vector<16xf32>
      %swap3A_60 = vector.shape_cast %broadcast_in_dim3A_1 : vector<16xf32> to vector<1x16xf32>
      tpu.vector_store %arg9[%swap3A_56, %swap3A_57], %swap3A_60 {strides = array<i32>} : memref<64x128xf32, #tpu.memory_space<vmem>>, vector<1x16xf32>,
      %swap3A_61 = arith.index_cast %scan3A_26 : i32 to index
      %swap3A_62 = arith.constant 112 : index
      %swap3A_63 = tpu.vector_load %arg9[%swap3A_61, %swap3A_62] {strides = array<i32>} : memref<64x128xf32, #tpu.memory_space<vmem>>, vector<1x16xf32>,
      %swap3A_64 = vector.shape_cast %swap3A_63 : vector<1x16xf32> to vector<16xf32>
      %swap3A_65 = vector.shape_cast %broadcast_in_dim3A_1 : vector<16xf32> to vector<1x16xf32>
      tpu.vector_store %arg9[%swap3A_61, %swap3A_62], %swap3A_65 {strides = array<i32>} : memref<64x128xf32, #tpu.memory_space<vmem>>, vector<1x16xf32>,
    }
    %scan3A_6 = arith.constant 64 : i32
    %scan3A_7 = arith.constant 0 : i32
    %scan3A_8 = arith.constant 0 : i32
    %scan3A_9 = arith.constant 10 : i32
    %scan3A_10 = arith.addi %scan3A_8, %scan3A_9 : i32
    %scan3A_11 = arith.constant 1 : i32
    scf.for %scan3A_26 = %scan3A_8 to %scan3A_10 step %scan3A_11  : i32 {
      %mul3A_27 = arith.constant 640 : i32
      %mul3A_28 = arith.muli %arg1, %mul3A_27 : i32
      %mul3A_29 = arith.constant 64 : i32
      %mul3A_30 = arith.muli %scan3A_26, %mul3A_29 : i32
      %add3A_31 = arith.addi %mul3A_28, %mul3A_30 : i32
      "tpu.region"() ({
        %run_scoped3A = tpu.sem_alloc : memref<!tpu.dma_semaphore, #tpu.memory_space<semaphore_mem>>
        %dma_start3A = arith.constant 0 : i32
        %dma_start3A_32 = tpu.memref_slice %arg10[%add3A_31, %dma_start3A] : memref<10240x128xf32, #tpu.memory_space<vmem_shared>> -> memref<64x128xf32, #tpu.memory_space<vmem_shared>>
        %dma_start3A_33 = arith.constant 0 : i32
        %dma_start3A_34 = tpu.memref_slice %arg10[%add3A_31, %dma_start3A_33] : memref<10240x128xf32, #tpu.memory_space<vmem_shared>> -> memref<64x128xf32, #tpu.memory_space<vmem_shared>>
        tpu.enqueue_dma source(%arg9 : memref<64x128xf32, #tpu.memory_space<vmem>>) target(%dma_start3A_34 : memref<64x128xf32, #tpu.memory_space<vmem_shared>>) target_semaphore(%run_scoped3A : memref<!tpu.dma_semaphore, #tpu.memory_space<semaphore_mem>>)
        %dma_wait3A = arith.constant 0 : i32
        %dma_wait3A_35 = tpu.memref_slice %arg10[%add3A_31, %dma_wait3A] : memref<10240x128xf32, #tpu.memory_space<vmem_shared>> -> memref<64x128xf32, #tpu.memory_space<vmem_shared>>
        %dma_wait3A_36 = arith.constant 0 : i32
        %dma_wait3A_37 = tpu.memref_slice %arg10[%add3A_31, %dma_wait3A_36] : memref<10240x128xf32, #tpu.memory_space<vmem_shared>> -> memref<64x128xf32, #tpu.memory_space<vmem_shared>>
        tpu.wait_dma2 semaphore(%run_scoped3A : memref<!tpu.dma_semaphore, #tpu.memory_space<semaphore_mem>>) src(%arg9 : memref<64x128xf32, #tpu.memory_space<vmem>>) dst(%dma_wait3A_37 : memref<64x128xf32, #tpu.memory_space<vmem_shared>>)
        tpu.yield
      }) : () -> ()
    }
    %scan3A_12 = arith.constant 10 : i32
    %barrier3A = arith.constant 0 : index
    tpu.barrier barrier_id(%barrier3A)
    %mul3A_13 = arith.constant 10368 : i32
    %mul3A_14 = arith.muli %add3A, %mul3A_13 : i32
    %scan3A_15 = arith.constant 0 : i32
    %scan3A_16 = arith.constant 0 : i32
    %scan3A_17 = arith.constant 81 : i32
    %scan3A_18 = arith.addi %scan3A_16, %scan3A_17 : i32
    %scan3A_19 = arith.constant 1 : i32
    scf.for %scan3A_26 = %scan3A_16 to %scan3A_18 step %scan3A_19  : i32 {
      %mul3A_27 = arith.constant 128 : i32
      %mul3A_28 = arith.muli %scan3A_26, %mul3A_27 : i32
      %add3A_29 = arith.addi %mul3A_14, %mul3A_28 : i32
      "tpu.region"() ({
        %run_scoped3A = tpu.sem_alloc : memref<!tpu.dma_semaphore, #tpu.memory_space<semaphore_mem>>
        %dma_start3A_34 = tpu.memref_slice %arg3[%add3A_29] : memref<331776xi32, #tpu.memory_space<hbm>> -> memref<128xi32, #tpu.memory_space<hbm>>
        %dma_start3A_35 = tpu.memref_slice %arg3[%add3A_29] : memref<331776xi32, #tpu.memory_space<hbm>> -> memref<128xi32, #tpu.memory_space<hbm>>
        tpu.enqueue_dma source(%dma_start3A_35 : memref<128xi32, #tpu.memory_space<hbm>>) target(%arg6 : memref<128xi32, #tpu.memory_space<vmem>>) target_semaphore(%run_scoped3A : memref<!tpu.dma_semaphore, #tpu.memory_space<semaphore_mem>>)
        %dma_wait3A_36 = tpu.memref_slice %arg3[%add3A_29] : memref<331776xi32, #tpu.memory_space<hbm>> -> memref<128xi32, #tpu.memory_space<hbm>>
        %dma_wait3A_37 = tpu.memref_slice %arg3[%add3A_29] : memref<331776xi32, #tpu.memory_space<hbm>> -> memref<128xi32, #tpu.memory_space<hbm>>
        tpu.wait_dma2 semaphore(%run_scoped3A : memref<!tpu.dma_semaphore, #tpu.memory_space<semaphore_mem>>) src(%dma_wait3A_37 : memref<128xi32, #tpu.memory_space<hbm>>) dst(%arg6 : memref<128xi32, #tpu.memory_space<vmem>>)
        tpu.yield
      }) : () -> ()
      "tpu.region"() ({
        %run_scoped3A = tpu.sem_alloc : memref<!tpu.dma_semaphore, #tpu.memory_space<semaphore_mem>>
        %dma_start3A_34 = tpu.memref_slice %arg4[%add3A_29] : memref<331776xi32, #tpu.memory_space<hbm>> -> memref<128xi32, #tpu.memory_space<hbm>>
        %dma_start3A_35 = tpu.memref_slice %arg4[%add3A_29] : memref<331776xi32, #tpu.memory_space<hbm>> -> memref<128xi32, #tpu.memory_space<hbm>>
        tpu.enqueue_dma source(%dma_start3A_35 : memref<128xi32, #tpu.memory_space<hbm>>) target(%arg7 : memref<128xi32, #tpu.memory_space<vmem>>) target_semaphore(%run_scoped3A : memref<!tpu.dma_semaphore, #tpu.memory_space<semaphore_mem>>)
        %dma_wait3A_36 = tpu.memref_slice %arg4[%add3A_29] : memref<331776xi32, #tpu.memory_space<hbm>> -> memref<128xi32, #tpu.memory_space<hbm>>
        %dma_wait3A_37 = tpu.memref_slice %arg4[%add3A_29] : memref<331776xi32, #tpu.memory_space<hbm>> -> memref<128xi32, #tpu.memory_space<hbm>>
        tpu.wait_dma2 semaphore(%run_scoped3A : memref<!tpu.dma_semaphore, #tpu.memory_space<semaphore_mem>>) src(%dma_wait3A_37 : memref<128xi32, #tpu.memory_space<hbm>>) dst(%arg7 : memref<128xi32, #tpu.memory_space<vmem>>)
        tpu.yield
      }) : () -> ()
      %dma_start3A = arith.constant 0 : i32
      %dma_start3A_30 = arith.constant 0 : i32
      %dma_start3A_31 = tpu.memref_slice %arg2[%dma_start3A, %dma_start3A_30] : memref<10240x128xf32, #tpu.memory_space<hbm>> -> memref<10240x128xf32, #tpu.memory_space<hbm>>
      tpu.enqueue_indirect_dma source(%dma_start3A_31 : memref<10240x128xf32, #tpu.memory_space<hbm>>) target(%arg8 : memref<128x128xf32, #tpu.memory_space<vmem>>) offsets(%arg6 : memref<128xi32, #tpu.memory_space<vmem>>) semaphore(%arg11 : memref<!tpu.dma_semaphore, #tpu.memory_space<semaphore_mem>>)
      %dma_wait3A = arith.constant 0 : i32
      %dma_wait3A_32 = arith.constant 0 : i32
      %dma_wait3A_33 = tpu.memref_slice %arg2[%dma_wait3A, %dma_wait3A_32] : memref<10240x128xf32, #tpu.memory_space<hbm>> -> memref<10240x128xf32, #tpu.memory_space<hbm>>
      tpu.wait_indirect_dma semaphore(%arg11 : memref<!tpu.dma_semaphore, #tpu.memory_space<semaphore_mem>>) src(%dma_wait3A_33 : memref<10240x128xf32, #tpu.memory_space<hbm>>) dst(%arg8 : memref<128x128xf32, #tpu.memory_space<vmem>>)
      "tpu.region"() ({
        %run_scoped3A = tpu.sem_alloc : memref<!tpu.dma_semaphore, #tpu.memory_space<semaphore_mem>>
        %dma_start3A_34 = arith.constant 0 : i32
        %dma_start3A_35 = arith.constant 0 : i32
        %dma_start3A_36 = tpu.memref_slice %arg10[%dma_start3A_34, %dma_start3A_35] : memref<10240x128xf32, #tpu.memory_space<vmem_shared>> -> memref<10240x128xf32, #tpu.memory_space<vmem_shared>>
        tpu.enqueue_indirect_dma source(%arg8 : memref<128x128xf32, #tpu.memory_space<vmem>>) target(%dma_start3A_36 : memref<10240x128xf32, #tpu.memory_space<vmem_shared>>) offsets(%arg7 : memref<128xi32, #tpu.memory_space<vmem>>) semaphore(%run_scoped3A : memref<!tpu.dma_semaphore, #tpu.memory_space<semaphore_mem>>) {add = true}
        %dma_wait3A_37 = arith.constant 0 : i32
        %dma_wait3A_38 = arith.constant 0 : i32
        %dma_wait3A_39 = tpu.memref_slice %arg10[%dma_wait3A_37, %dma_wait3A_38] : memref<10240x128xf32, #tpu.memory_space<vmem_shared>> -> memref<10240x128xf32, #tpu.memory_space<vmem_shared>>
        tpu.wait_indirect_dma semaphore(%run_scoped3A : memref<!tpu.dma_semaphore, #tpu.memory_space<semaphore_mem>>) src(%arg8 : memref<128x128xf32, #tpu.memory_space<vmem>>) dst(%dma_wait3A_39 : memref<10240x128xf32, #tpu.memory_space<vmem_shared>>)
        tpu.yield
      }) : () -> ()
    }
    %scan3A_20 = arith.constant 81 : i32
    %barrier3A_21 = arith.constant 0 : index
    tpu.barrier barrier_id(%barrier3A_21)
    %mul3A_22 = arith.constant 640 : i32
    %mul3A_23 = arith.muli %arg1, %mul3A_22 : i32
    %mul3A_24 = arith.constant 640 : i32
    %mul3A_25 = arith.muli %arg1, %mul3A_24 : i32
    "tpu.region"() ({
      %run_scoped3A = tpu.sem_alloc : memref<!tpu.dma_semaphore, #tpu.memory_space<semaphore_mem>>
      %dma_start3A = arith.constant 0 : i32
      %dma_start3A_26 = tpu.memref_slice %arg5[%arg0, %mul3A_25, %dma_start3A] : memref<2x10240x128xf32, #tpu.memory_space<hbm>> -> memref<1x640x128xf32, #tpu.memory_space<hbm>>
      %dma_start3A_27 = tpu.memref_squeeze %dma_start3A_26 : memref<1x640x128xf32, #tpu.memory_space<hbm>> -> memref<640x128xf32, #tpu.memory_space<hbm>>
      %dma_start3A_28 = arith.constant 0 : i32
      %dma_start3A_29 = tpu.memref_slice %arg10[%mul3A_23, %dma_start3A_28] : memref<10240x128xf32, #tpu.memory_space<vmem_shared>> -> memref<640x128xf32, #tpu.memory_space<vmem_shared>>
      tpu.enqueue_dma source(%dma_start3A_29 : memref<640x128xf32, #tpu.memory_space<vmem_shared>>) target(%dma_start3A_27 : memref<640x128xf32, #tpu.memory_space<hbm>>) target_semaphore(%run_scoped3A : memref<!tpu.dma_semaphore, #tpu.memory_space<semaphore_mem>>)
      %dma_wait3A = arith.constant 0 : i32
      %dma_wait3A_30 = tpu.memref_slice %arg5[%arg0, %mul3A_25, %dma_wait3A] : memref<2x10240x128xf32, #tpu.memory_space<hbm>> -> memref<1x640x128xf32, #tpu.memory_space<hbm>>
      %dma_wait3A_31 = tpu.memref_squeeze %dma_wait3A_30 : memref<1x640x128xf32, #tpu.memory_space<hbm>> -> memref<640x128xf32, #tpu.memory_space<hbm>>
      %dma_wait3A_32 = arith.constant 0 : i32
      %dma_wait3A_33 = tpu.memref_slice %arg10[%mul3A_23, %dma_wait3A_32] : memref<10240x128xf32, #tpu.memory_space<vmem_shared>> -> memref<640x128xf32, #tpu.memory_space<vmem_shared>>
      tpu.wait_dma2 semaphore(%run_scoped3A : memref<!tpu.dma_semaphore, #tpu.memory_space<semaphore_mem>>) src(%dma_wait3A_33 : memref<640x128xf32, #tpu.memory_space<vmem_shared>>) dst(%dma_wait3A_31 : memref<640x128xf32, #tpu.memory_space<hbm>>)
      tpu.yield
    }) : () -> ()
    return
  }
}

#map = affine_map<(d0, d1) -> (0, 0)>
#map1 = affine_map<(d0, d1) -> (0)>
#map2 = affine_map<(d0, d1) -> (0, 0, 0)>
module attributes {stable_mosaic.version = 14 : i64} {
  func.func @_agg_body(%arg0: i32, %arg1: i32, %arg2: memref<10240x128xf32, #tpu.memory_space<hbm>>, %arg3: memref<331776xi32, #tpu.memory_space<hbm>>, %arg4: memref<331776xi32, #tpu.memory_space<hbm>>, %arg5: memref<2x10240x128xf32, #tpu.memory_space<hbm>>, %arg6: memref<128xi32, #tpu.memory_space<vmem>>, %arg7: memref<128xi32, #tpu.memory_space<vmem>>, %arg8: memref<128x128xf32, #tpu.memory_space<vmem>>, %arg9: memref<64x128xf32, #tpu.memory_space<vmem>>, %arg10: memref<10240x128xf32, #tpu.memory_space<vmem_shared>>, %arg11: memref<!tpu.dma_semaphore, #tpu.memory_space<semaphore_mem>>) attributes {dimension_semantics = [#tpu.dimension_semantics<core_parallel>, #tpu.dimension_semantics<subcore_parallel>], iteration_bounds = array<i64: 2, 16>, scalar_prefetch = 0 : i64, scratch_operands = 6 : i64, tpu.core_type = #tpu.core_type<sc_vector_subcore>, window_params = [{transform_indices = #map}, {transform_indices = #map1}, {transform_indices = #map1}, {transform_indices = #map2}]} {
    %mul3A = arith.constant 16 : i32
    %mul3A_0 = arith.muli %arg0, %mul3A : i32
    %add3A = arith.addi %mul3A_0, %arg1 : i32
    %broadcast_in_dim3A = arith.constant 0.000000e+00 : f32
    %broadcast_in_dim3A_1 = vector.broadcast %broadcast_in_dim3A : f32 to vector<16xf32>
    %scan3A = arith.constant 0 : i32
    %scan3A_2 = arith.constant 0 : i32
    %scan3A_3 = arith.constant 64 : i32
    %scan3A_4 = arith.addi %scan3A_2, %scan3A_3 : i32
    %scan3A_5 = arith.constant 1 : i32
    scf.for %scan3A_26 = %scan3A_2 to %scan3A_4 step %scan3A_5  : i32 {
      %swap3A = arith.index_cast %scan3A_26 : i32 to index
      %swap3A_27 = arith.constant 0 : index
      %swap3A_28 = tpu.vector_load %arg9[%swap3A, %swap3A_27] {strides = array<i32>} : memref<64x128xf32, #tpu.memory_space<vmem>>, vector<1x16xf32>,
      %swap3A_29 = vector.shape_cast %swap3A_28 : vector<1x16xf32> to vector<16xf32>
      %swap3A_30 = vector.shape_cast %broadcast_in_dim3A_1 : vector<16xf32> to vector<1x16xf32>
      tpu.vector_store %arg9[%swap3A, %swap3A_27], %swap3A_30 {strides = array<i32>} : memref<64x128xf32, #tpu.memory_space<vmem>>, vector<1x16xf32>,
      %swap3A_31 = arith.index_cast %scan3A_26 : i32 to index
      %swap3A_32 = arith.constant 16 : index
      %swap3A_33 = tpu.vector_load %arg9[%swap3A_31, %swap3A_32] {strides = array<i32>} : memref<64x128xf32, #tpu.memory_space<vmem>>, vector<1x16xf32>,
      %swap3A_34 = vector.shape_cast %swap3A_33 : vector<1x16xf32> to vector<16xf32>
      %swap3A_35 = vector.shape_cast %broadcast_in_dim3A_1 : vector<16xf32> to vector<1x16xf32>
      tpu.vector_store %arg9[%swap3A_31, %swap3A_32], %swap3A_35 {strides = array<i32>} : memref<64x128xf32, #tpu.memory_space<vmem>>, vector<1x16xf32>,
      %swap3A_36 = arith.index_cast %scan3A_26 : i32 to index
      %swap3A_37 = arith.constant 32 : index
      %swap3A_38 = tpu.vector_load %arg9[%swap3A_36, %swap3A_37] {strides = array<i32>} : memref<64x128xf32, #tpu.memory_space<vmem>>, vector<1x16xf32>,
      %swap3A_39 = vector.shape_cast %swap3A_38 : vector<1x16xf32> to vector<16xf32>
      %swap3A_40 = vector.shape_cast %broadcast_in_dim3A_1 : vector<16xf32> to vector<1x16xf32>
      tpu.vector_store %arg9[%swap3A_36, %swap3A_37], %swap3A_40 {strides = array<i32>} : memref<64x128xf32, #tpu.memory_space<vmem>>, vector<1x16xf32>,
      %swap3A_41 = arith.index_cast %scan3A_26 : i32 to index
      %swap3A_42 = arith.constant 48 : index
      %swap3A_43 = tpu.vector_load %arg9[%swap3A_41, %swap3A_42] {strides = array<i32>} : memref<64x128xf32, #tpu.memory_space<vmem>>, vector<1x16xf32>,
      %swap3A_44 = vector.shape_cast %swap3A_43 : vector<1x16xf32> to vector<16xf32>
      %swap3A_45 = vector.shape_cast %broadcast_in_dim3A_1 : vector<16xf32> to vector<1x16xf32>
      tpu.vector_store %arg9[%swap3A_41, %swap3A_42], %swap3A_45 {strides = array<i32>} : memref<64x128xf32, #tpu.memory_space<vmem>>, vector<1x16xf32>,
      %swap3A_46 = arith.index_cast %scan3A_26 : i32 to index
      %swap3A_47 = arith.constant 64 : index
      %swap3A_48 = tpu.vector_load %arg9[%swap3A_46, %swap3A_47] {strides = array<i32>} : memref<64x128xf32, #tpu.memory_space<vmem>>, vector<1x16xf32>,
      %swap3A_49 = vector.shape_cast %swap3A_48 : vector<1x16xf32> to vector<16xf32>
      %swap3A_50 = vector.shape_cast %broadcast_in_dim3A_1 : vector<16xf32> to vector<1x16xf32>
      tpu.vector_store %arg9[%swap3A_46, %swap3A_47], %swap3A_50 {strides = array<i32>} : memref<64x128xf32, #tpu.memory_space<vmem>>, vector<1x16xf32>,
      %swap3A_51 = arith.index_cast %scan3A_26 : i32 to index
      %swap3A_52 = arith.constant 80 : index
      %swap3A_53 = tpu.vector_load %arg9[%swap3A_51, %swap3A_52] {strides = array<i32>} : memref<64x128xf32, #tpu.memory_space<vmem>>, vector<1x16xf32>,
      %swap3A_54 = vector.shape_cast %swap3A_53 : vector<1x16xf32> to vector<16xf32>
      %swap3A_55 = vector.shape_cast %broadcast_in_dim3A_1 : vector<16xf32> to vector<1x16xf32>
      tpu.vector_store %arg9[%swap3A_51, %swap3A_52], %swap3A_55 {strides = array<i32>} : memref<64x128xf32, #tpu.memory_space<vmem>>, vector<1x16xf32>,
      %swap3A_56 = arith.index_cast %scan3A_26 : i32 to index
      %swap3A_57 = arith.constant 96 : index
      %swap3A_58 = tpu.vector_load %arg9[%swap3A_56, %swap3A_57] {strides = array<i32>} : memref<64x128xf32, #tpu.memory_space<vmem>>, vector<1x16xf32>,
      %swap3A_59 = vector.shape_cast %swap3A_58 : vector<1x16xf32> to vector<16xf32>
      %swap3A_60 = vector.shape_cast %broadcast_in_dim3A_1 : vector<16xf32> to vector<1x16xf32>
      tpu.vector_store %arg9[%swap3A_56, %swap3A_57], %swap3A_60 {strides = array<i32>} : memref<64x128xf32, #tpu.memory_space<vmem>>, vector<1x16xf32>,
      %swap3A_61 = arith.index_cast %scan3A_26 : i32 to index
      %swap3A_62 = arith.constant 112 : index
      %swap3A_63 = tpu.vector_load %arg9[%swap3A_61, %swap3A_62] {strides = array<i32>} : memref<64x128xf32, #tpu.memory_space<vmem>>, vector<1x16xf32>,
      %swap3A_64 = vector.shape_cast %swap3A_63 : vector<1x16xf32> to vector<16xf32>
      %swap3A_65 = vector.shape_cast %broadcast_in_dim3A_1 : vector<16xf32> to vector<1x16xf32>
      tpu.vector_store %arg9[%swap3A_61, %swap3A_62], %swap3A_65 {strides = array<i32>} : memref<64x128xf32, #tpu.memory_space<vmem>>, vector<1x16xf32>,
    }
    %scan3A_6 = arith.constant 64 : i32
    %scan3A_7 = arith.constant 0 : i32
    %scan3A_8 = arith.constant 0 : i32
    %scan3A_9 = arith.constant 10 : i32
    %scan3A_10 = arith.addi %scan3A_8, %scan3A_9 : i32
    %scan3A_11 = arith.constant 1 : i32
    scf.for %scan3A_26 = %scan3A_8 to %scan3A_10 step %scan3A_11  : i32 {
      %mul3A_27 = arith.constant 640 : i32
      %mul3A_28 = arith.muli %arg1, %mul3A_27 : i32
      %mul3A_29 = arith.constant 64 : i32
      %mul3A_30 = arith.muli %scan3A_26, %mul3A_29 : i32
      %add3A_31 = arith.addi %mul3A_28, %mul3A_30 : i32
      "tpu.region"() ({
        %run_scoped3A = tpu.sem_alloc : memref<!tpu.dma_semaphore, #tpu.memory_space<semaphore_mem>>
        %dma_start3A = arith.constant 0 : i32
        %dma_start3A_32 = tpu.memref_slice %arg10[%add3A_31, %dma_start3A] : memref<10240x128xf32, #tpu.memory_space<vmem_shared>> -> memref<64x128xf32, #tpu.memory_space<vmem_shared>>
        %dma_start3A_33 = arith.constant 0 : i32
        %dma_start3A_34 = tpu.memref_slice %arg10[%add3A_31, %dma_start3A_33] : memref<10240x128xf32, #tpu.memory_space<vmem_shared>> -> memref<64x128xf32, #tpu.memory_space<vmem_shared>>
        tpu.enqueue_dma source(%arg9 : memref<64x128xf32, #tpu.memory_space<vmem>>) target(%dma_start3A_34 : memref<64x128xf32, #tpu.memory_space<vmem_shared>>) target_semaphore(%run_scoped3A : memref<!tpu.dma_semaphore, #tpu.memory_space<semaphore_mem>>)
        %dma_wait3A = arith.constant 0 : i32
        %dma_wait3A_35 = tpu.memref_slice %arg10[%add3A_31, %dma_wait3A] : memref<10240x128xf32, #tpu.memory_space<vmem_shared>> -> memref<64x128xf32, #tpu.memory_space<vmem_shared>>
        %dma_wait3A_36 = arith.constant 0 : i32
        %dma_wait3A_37 = tpu.memref_slice %arg10[%add3A_31, %dma_wait3A_36] : memref<10240x128xf32, #tpu.memory_space<vmem_shared>> -> memref<64x128xf32, #tpu.memory_space<vmem_shared>>
        tpu.wait_dma2 semaphore(%run_scoped3A : memref<!tpu.dma_semaphore, #tpu.memory_space<semaphore_mem>>) src(%arg9 : memref<64x128xf32, #tpu.memory_space<vmem>>) dst(%dma_wait3A_37 : memref<64x128xf32, #tpu.memory_space<vmem_shared>>)
        tpu.yield
      }) : () -> ()
    }
    %scan3A_12 = arith.constant 10 : i32
    %barrier3A = arith.constant 0 : index
    tpu.barrier barrier_id(%barrier3A)
    %mul3A_13 = arith.constant 10368 : i32
    %mul3A_14 = arith.muli %add3A, %mul3A_13 : i32
    %scan3A_15 = arith.constant 0 : i32
    %scan3A_16 = arith.constant 0 : i32
    %scan3A_17 = arith.constant 81 : i32
    %scan3A_18 = arith.addi %scan3A_16, %scan3A_17 : i32
    %scan3A_19 = arith.constant 1 : i32
    scf.for %scan3A_26 = %scan3A_16 to %scan3A_18 step %scan3A_19  : i32 {
      %mul3A_27 = arith.constant 128 : i32
      %mul3A_28 = arith.muli %scan3A_26, %mul3A_27 : i32
      %add3A_29 = arith.addi %mul3A_14, %mul3A_28 : i32
      "tpu.region"() ({
        %run_scoped3A = tpu.sem_alloc : memref<!tpu.dma_semaphore, #tpu.memory_space<semaphore_mem>>
        %dma_start3A_34 = tpu.memref_slice %arg3[%add3A_29] : memref<331776xi32, #tpu.memory_space<hbm>> -> memref<128xi32, #tpu.memory_space<hbm>>
        %dma_start3A_35 = tpu.memref_slice %arg3[%add3A_29] : memref<331776xi32, #tpu.memory_space<hbm>> -> memref<128xi32, #tpu.memory_space<hbm>>
        tpu.enqueue_dma source(%dma_start3A_35 : memref<128xi32, #tpu.memory_space<hbm>>) target(%arg6 : memref<128xi32, #tpu.memory_space<vmem>>) target_semaphore(%run_scoped3A : memref<!tpu.dma_semaphore, #tpu.memory_space<semaphore_mem>>)
        %dma_wait3A_36 = tpu.memref_slice %arg3[%add3A_29] : memref<331776xi32, #tpu.memory_space<hbm>> -> memref<128xi32, #tpu.memory_space<hbm>>
        %dma_wait3A_37 = tpu.memref_slice %arg3[%add3A_29] : memref<331776xi32, #tpu.memory_space<hbm>> -> memref<128xi32, #tpu.memory_space<hbm>>
        tpu.wait_dma2 semaphore(%run_scoped3A : memref<!tpu.dma_semaphore, #tpu.memory_space<semaphore_mem>>) src(%dma_wait3A_37 : memref<128xi32, #tpu.memory_space<hbm>>) dst(%arg6 : memref<128xi32, #tpu.memory_space<vmem>>)
        tpu.yield
      }) : () -> ()
      "tpu.region"() ({
        %run_scoped3A = tpu.sem_alloc : memref<!tpu.dma_semaphore, #tpu.memory_space<semaphore_mem>>
        %dma_start3A_34 = tpu.memref_slice %arg4[%add3A_29] : memref<331776xi32, #tpu.memory_space<hbm>> -> memref<128xi32, #tpu.memory_space<hbm>>
        %dma_start3A_35 = tpu.memref_slice %arg4[%add3A_29] : memref<331776xi32, #tpu.memory_space<hbm>> -> memref<128xi32, #tpu.memory_space<hbm>>
        tpu.enqueue_dma source(%dma_start3A_35 : memref<128xi32, #tpu.memory_space<hbm>>) target(%arg7 : memref<128xi32, #tpu.memory_space<vmem>>) target_semaphore(%run_scoped3A : memref<!tpu.dma_semaphore, #tpu.memory_space<semaphore_mem>>)
        %dma_wait3A_36 = tpu.memref_slice %arg4[%add3A_29] : memref<331776xi32, #tpu.memory_space<hbm>> -> memref<128xi32, #tpu.memory_space<hbm>>
        %dma_wait3A_37 = tpu.memref_slice %arg4[%add3A_29] : memref<331776xi32, #tpu.memory_space<hbm>> -> memref<128xi32, #tpu.memory_space<hbm>>
        tpu.wait_dma2 semaphore(%run_scoped3A : memref<!tpu.dma_semaphore, #tpu.memory_space<semaphore_mem>>) src(%dma_wait3A_37 : memref<128xi32, #tpu.memory_space<hbm>>) dst(%arg7 : memref<128xi32, #tpu.memory_space<vmem>>)
        tpu.yield
      }) : () -> ()
      %dma_start3A = arith.constant 0 : i32
      %dma_start3A_30 = arith.constant 0 : i32
      %dma_start3A_31 = tpu.memref_slice %arg2[%dma_start3A, %dma_start3A_30] : memref<10240x128xf32, #tpu.memory_space<hbm>> -> memref<10240x128xf32, #tpu.memory_space<hbm>>
      tpu.enqueue_indirect_dma source(%dma_start3A_31 : memref<10240x128xf32, #tpu.memory_space<hbm>>) target(%arg8 : memref<128x128xf32, #tpu.memory_space<vmem>>) offsets(%arg6 : memref<128xi32, #tpu.memory_space<vmem>>) semaphore(%arg11 : memref<!tpu.dma_semaphore, #tpu.memory_space<semaphore_mem>>)
      %dma_wait3A = arith.constant 0 : i32
      %dma_wait3A_32 = arith.constant 0 : i32
      %dma_wait3A_33 = tpu.memref_slice %arg2[%dma_wait3A, %dma_wait3A_32] : memref<10240x128xf32, #tpu.memory_space<hbm>> -> memref<10240x128xf32, #tpu.memory_space<hbm>>
      tpu.wait_indirect_dma semaphore(%arg11 : memref<!tpu.dma_semaphore, #tpu.memory_space<semaphore_mem>>) src(%dma_wait3A_33 : memref<10240x128xf32, #tpu.memory_space<hbm>>) dst(%arg8 : memref<128x128xf32, #tpu.memory_space<vmem>>)
      "tpu.region"() ({
        %run_scoped3A = tpu.sem_alloc : memref<!tpu.dma_semaphore, #tpu.memory_space<semaphore_mem>>
        %dma_start3A_34 = arith.constant 0 : i32
        %dma_start3A_35 = arith.constant 0 : i32
        %dma_start3A_36 = tpu.memref_slice %arg10[%dma_start3A_34, %dma_start3A_35] : memref<10240x128xf32, #tpu.memory_space<vmem_shared>> -> memref<10240x128xf32, #tpu.memory_space<vmem_shared>>
        tpu.enqueue_indirect_dma source(%arg8 : memref<128x128xf32, #tpu.memory_space<vmem>>) target(%dma_start3A_36 : memref<10240x128xf32, #tpu.memory_space<vmem_shared>>) offsets(%arg7 : memref<128xi32, #tpu.memory_space<vmem>>) semaphore(%run_scoped3A : memref<!tpu.dma_semaphore, #tpu.memory_space<semaphore_mem>>) {add = true}
        %dma_wait3A_37 = arith.constant 0 : i32
        %dma_wait3A_38 = arith.constant 0 : i32
        %dma_wait3A_39 = tpu.memref_slice %arg10[%dma_wait3A_37, %dma_wait3A_38] : memref<10240x128xf32, #tpu.memory_space<vmem_shared>> -> memref<10240x128xf32, #tpu.memory_space<vmem_shared>>
        tpu.wait_indirect_dma semaphore(%run_scoped3A : memref<!tpu.dma_semaphore, #tpu.memory_space<semaphore_mem>>) src(%arg8 : memref<128x128xf32, #tpu.memory_space<vmem>>) dst(%dma_wait3A_39 : memref<10240x128xf32, #tpu.memory_space<vmem_shared>>)
        tpu.yield
      }) : () -> ()
    }
    %scan3A_20 = arith.constant 81 : i32
    %barrier3A_21 = arith.constant 0 : index
    tpu.barrier barrier_id(%barrier3A_21)
    %mul3A_22 = arith.constant 640 : i32
    %mul3A_23 = arith.muli %arg1, %mul3A_22 : i32
    %mul3A_24 = arith.constant 640 : i32
    %mul3A_25 = arith.muli %arg1, %mul3A_24 : i32
    "tpu.region"() ({
      %run_scoped3A = tpu.sem_alloc : memref<!tpu.dma_semaphore, #tpu.memory_space<semaphore_mem>>
      %dma_start3A = arith.constant 0 : i32
      %dma_start3A_26 = tpu.memref_slice %arg5[%arg0, %mul3A_25, %dma_start3A] : memref<2x10240x128xf32, #tpu.memory_space<hbm>> -> memref<1x640x128xf32, #tpu.memory_space<hbm>>
      %dma_start3A_27 = tpu.memref_squeeze %dma_start3A_26 : memref<1x640x128xf32, #tpu.memory_space<hbm>> -> memref<640x128xf32, #tpu.memory_space<hbm>>
      %dma_start3A_28 = arith.constant 0 : i32
      %dma_start3A_29 = tpu.memref_slice %arg10[%mul3A_23, %dma_start3A_28] : memref<10240x128xf32, #tpu.memory_space<vmem_shared>> -> memref<640x128xf32, #tpu.memory_space<vmem_shared>>
      tpu.enqueue_dma source(%dma_start3A_29 : memref<640x128xf32, #tpu.memory_space<vmem_shared>>) target(%dma_start3A_27 : memref<640x128xf32, #tpu.memory_space<hbm>>) target_semaphore(%run_scoped3A : memref<!tpu.dma_semaphore, #tpu.memory_space<semaphore_mem>>)
      %dma_wait3A = arith.constant 0 : i32
      %dma_wait3A_30 = tpu.memref_slice %arg5[%arg0, %mul3A_25, %dma_wait3A] : memref<2x10240x128xf32, #tpu.memory_space<hbm>> -> memref<1x640x128xf32, #tpu.memory_space<hbm>>
      %dma_wait3A_31 = tpu.memref_squeeze %dma_wait3A_30 : memref<1x640x128xf32, #tpu.memory_space<hbm>> -> memref<640x128xf32, #tpu.memory_space<hbm>>
      %dma_wait3A_32 = arith.constant 0 : i32
      %dma_wait3A_33 = tpu.memref_slice %arg10[%mul3A_23, %dma_wait3A_32] : memref<10240x128xf32, #tpu.memory_space<vmem_shared>> -> memref<640x128xf32, #tpu.memory_space<vmem_shared>>
      tpu.wait_dma2 semaphore(%run_scoped3A : memref<!tpu.dma_semaphore, #tpu.memory_space<semaphore_mem>>) src(%dma_wait3A_33 : memref<640x128xf32, #tpu.memory_space<vmem_shared>>) dst(%dma_wait3A_31 : memref<640x128xf32, #tpu.memory_space<hbm>>)
      tpu.yield
    }) : () -> ()
    return
  }
}

module attributes {stable_mosaic.version = 14 : i64} {
  func.func @_tcmid_body(%arg0: i32, %arg1: memref<2x256x128xf32, #tpu.memory_space<vmem>>, %arg2: memref<256x128xf32, #tpu.memory_space<vmem>>, %arg3: memref<1x128xf32, #tpu.memory_space<vmem>>, %arg4: memref<128x128xf32, #tpu.memory_space<vmem>>, %arg5: memref<256x128xf32, #tpu.memory_space<vmem>>) attributes {dimension_semantics = [#tpu.dimension_semantics<arbitrary>], iteration_bounds = array<i64: 40>, scalar_prefetch = 0 : i64, scratch_operands = 0 : i64, tpu.core_type = #tpu.core_type<tc>, window_params = [{transform_indices = @transform_0, window_bounds = array<i64: 2, 256, 128>}, {transform_indices = @transform_1, window_bounds = array<i64: 256, 128>}, {pipeline_mode = #tpu.pipeline_mode<synchronous>, transform_indices = @transform_2, window_bounds = array<i64: 1, 128>}, {pipeline_mode = #tpu.pipeline_mode<synchronous>, transform_indices = @transform_3, window_bounds = array<i64: 128, 128>}, {transform_indices = @transform_4, window_bounds = array<i64: 256, 128>}]} {
    %get3A = arith.constant 0 : index
    %get3A_0 = arith.constant 0 : index
    %get3A_1 = vector.load %arg2[%get3A, %get3A_0] : memref<256x128xf32, #tpu.memory_space<vmem>>, vector<256x128xf32>
    %get3A_2 = arith.constant 0 : index
    %get3A_3 = arith.constant 0 : index
    %get3A_4 = arith.constant 0 : index
    %get3A_5 = vector.load %arg1[%get3A_2, %get3A_3, %get3A_4] : memref<2x256x128xf32, #tpu.memory_space<vmem>>, vector<1x256x128xf32>
    %get3A_6 = vector.shape_cast %get3A_5 : vector<1x256x128xf32> to vector<256x128xf32>
    %get3A_7 = arith.constant 1 : index
    %get3A_8 = arith.constant 0 : index
    %get3A_9 = arith.constant 0 : index
    %get3A_10 = vector.load %arg1[%get3A_7, %get3A_8, %get3A_9] : memref<2x256x128xf32, #tpu.memory_space<vmem>>, vector<1x256x128xf32>
    %get3A_11 = vector.shape_cast %get3A_10 : vector<1x256x128xf32> to vector<256x128xf32>
    %add3A = arith.addf %get3A_6, %get3A_11 : vector<256x128xf32>
    %mul3A = arith.mulf %add3A, %get3A_1 : vector<256x128xf32>
    %get3A_12 = arith.constant 0 : index
    %get3A_13 = arith.constant 0 : index
    %get3A_14 = vector.load %arg3[%get3A_12, %get3A_13] : memref<1x128xf32, #tpu.memory_space<vmem>>, vector<1x128xf32>
    %add3A_15 = vector.broadcast %get3A_14 : vector<1x128xf32> to vector<256x128xf32>
    %add3A_16 = arith.addf %mul3A, %add3A_15 : vector<256x128xf32>
    %max3A = arith.constant 0.000000e+00 : f32
    %max3A_17 = vector.broadcast %max3A : f32 to vector<256x128xf32>
    %max3A_18 = arith.maximumf %add3A_16, %max3A_17 : vector<256x128xf32>
    %get3A_19 = arith.constant 0 : index
    %get3A_20 = arith.constant 0 : index
    %get3A_21 = vector.load %arg4[%get3A_19, %get3A_20] : memref<128x128xf32, #tpu.memory_space<vmem>>, vector<128x128xf32>
    %dot_general3A = arith.constant dense<0.000000e+00> : vector<256x128xf32>
    %dot_general3A_22 = tpu.matmul %max3A_18, %get3A_21, %dot_general3A {dimension_numbers = #tpu.dot_dimension_numbers<[1], [0], [0], [1], [0, 0, 1, 1], [], []>, precision = #tpu.contract_precision<fp32>, transpose_lhs_hint = false} : vector<256x128xf32>, vector<128x128xf32>, vector<256x128xf32> -> vector<256x128xf32>
    %mul3A_23 = arith.mulf %dot_general3A_22, %get3A_1 : vector<256x128xf32>
    %swap3A = arith.constant 0 : index
    %swap3A_24 = arith.constant 0 : index
    %swap3A_25 = vector.load %arg5[%swap3A, %swap3A_24] : memref<256x128xf32, #tpu.memory_space<vmem>>, vector<256x128xf32>
    tpu.vector_store %arg5[%swap3A, %swap3A_24], %mul3A_23 {strides = array<i32>} : memref<256x128xf32, #tpu.memory_space<vmem>>, vector<256x128xf32>,
    return
  }
  func.func @transform_0(%arg0: i32) -> (i32, i32, i32) {
    %c0_i32 = arith.constant 0 : i32
    %c0_i32_0 = arith.constant 0 : i32
    %c0_i32_1 = arith.constant 0 : i32
    return %c0_i32, %arg0, %c0_i32_0 : i32, i32, i32
  }
  func.func @transform_1(%arg0: i32) -> (i32, i32) {
    %c0_i32 = arith.constant 0 : i32
    %c0_i32_0 = arith.constant 0 : i32
    return %arg0, %c0_i32 : i32, i32
  }
  func.func @transform_2(%arg0: i32) -> (i32, i32) {
    %c0_i32 = arith.constant 0 : i32
    %c0_i32_0 = arith.constant 0 : i32
    %c0_i32_1 = arith.constant 0 : i32
    return %c0_i32, %c0_i32_0 : i32, i32
  }
  func.func @transform_3(%arg0: i32) -> (i32, i32) {
    %c0_i32 = arith.constant 0 : i32
    %c0_i32_0 = arith.constant 0 : i32
    %c0_i32_1 = arith.constant 0 : i32
    return %c0_i32, %c0_i32_0 : i32, i32
  }
  func.func @transform_4(%arg0: i32) -> (i32, i32) {
    %c0_i32 = arith.constant 0 : i32
    %c0_i32_0 = arith.constant 0 : i32
    return %arg0, %c0_i32 : i32, i32
  }
}

module attributes {stable_mosaic.version = 14 : i64} {
  func.func @_tc1_body(%arg0: i32, %arg1: memref<256x128xf32, #tpu.memory_space<vmem>>, %arg2: memref<2x256x16xf32, #tpu.memory_space<vmem>>, %arg3: memref<128x128xf32, #tpu.memory_space<vmem>>, %arg4: memref<256x128xf32, #tpu.memory_space<vmem>>, %arg5: memref<256x128xf32, #tpu.memory_space<vmem>>) attributes {dimension_semantics = [#tpu.dimension_semantics<arbitrary>], iteration_bounds = array<i64: 40>, scalar_prefetch = 0 : i64, scratch_operands = 0 : i64, tpu.core_type = #tpu.core_type<tc>, window_params = [{transform_indices = @transform_0, window_bounds = array<i64: 256, 128>}, {transform_indices = @transform_1, window_bounds = array<i64: 2, 256, 16>}, {pipeline_mode = #tpu.pipeline_mode<synchronous>, transform_indices = @transform_2, window_bounds = array<i64: 128, 128>}, {transform_indices = @transform_3, window_bounds = array<i64: 256, 128>}, {transform_indices = @transform_4, window_bounds = array<i64: 256, 128>}]} {
    %get3A = arith.constant 0 : index
    %get3A_0 = arith.constant 0 : index
    %get3A_1 = arith.constant 0 : index
    %get3A_2 = vector.load %arg2[%get3A, %get3A_0, %get3A_1] : memref<2x256x16xf32, #tpu.memory_space<vmem>>, vector<1x256x16xf32>
    %get3A_3 = vector.shape_cast %get3A_2 : vector<1x256x16xf32> to vector<256x16xf32>
    %get3A_4 = arith.constant 1 : index
    %get3A_5 = arith.constant 0 : index
    %get3A_6 = arith.constant 0 : index
    %get3A_7 = vector.load %arg2[%get3A_4, %get3A_5, %get3A_6] : memref<2x256x16xf32, #tpu.memory_space<vmem>>, vector<1x256x16xf32>
    %get3A_8 = vector.shape_cast %get3A_7 : vector<1x256x16xf32> to vector<256x16xf32>
    %add3A = arith.addf %get3A_3, %get3A_8 : vector<256x16xf32>
    %slice3A = vector.extract_strided_slice %add3A {offsets = [0, 0], sizes = [256, 1], strides = [1, 1]} : vector<256x16xf32> to vector<256x1xf32>
    %iota3A = tpu.iota {dimensions = array<i32: 0>} : vector<256x1xi32>
    %mul3A = arith.constant 256 : i32
    %mul3A_9 = arith.muli %arg0, %mul3A : i32
    %add3A_10 = vector.broadcast %mul3A_9 : i32 to vector<256x1xi32>
    %add3A_11 = arith.addi %iota3A, %add3A_10 : vector<256x1xi32>
    %lt3A = arith.constant 10000 : i32
    %lt3A_12 = vector.broadcast %lt3A : i32 to vector<256x1xi32>
    %lt3A_13 = arith.cmpi slt, %add3A_11, %lt3A_12 : vector<256x1xi32>
    %rsqrt3A = math.rsqrt %slice3A : vector<256x1xf32>
    %jit3A = arith.constant 0.000000e+00 : f32
    %broadcast_in_dim3A = vector.broadcast %jit3A : f32 to vector<256x1xf32>
    %select_n3A = arith.select %lt3A_13, %rsqrt3A, %broadcast_in_dim3A : vector<256x1xi1>, vector<256x1xf32>
    %broadcast_in_dim3A_14 = vector.shape_cast %select_n3A : vector<256x1xf32> to vector<256x1xf32>
    %broadcast_in_dim3A_15 = vector.broadcast %broadcast_in_dim3A_14 : vector<256x1xf32> to vector<256x128xf32>
    %get3A_16 = arith.constant 0 : index
    %get3A_17 = arith.constant 0 : index
    %get3A_18 = vector.load %arg1[%get3A_16, %get3A_17] : memref<256x128xf32, #tpu.memory_space<vmem>>, vector<256x128xf32>
    %get3A_19 = arith.constant 0 : index
    %get3A_20 = arith.constant 0 : index
    %get3A_21 = vector.load %arg3[%get3A_19, %get3A_20] : memref<128x128xf32, #tpu.memory_space<vmem>>, vector<128x128xf32>
    %dot_general3A = arith.constant dense<0.000000e+00> : vector<256x128xf32>
    %dot_general3A_22 = tpu.matmul %get3A_18, %get3A_21, %dot_general3A {dimension_numbers = #tpu.dot_dimension_numbers<[1], [0], [0], [1], [0, 0, 1, 1], [], []>, precision = #tpu.contract_precision<fp32>, transpose_lhs_hint = false} : vector<256x128xf32>, vector<128x128xf32>, vector<256x128xf32> -> vector<256x128xf32>
    %swap3A = arith.constant 0 : index
    %swap3A_23 = arith.constant 0 : index
    %swap3A_24 = vector.load %arg5[%swap3A, %swap3A_23] : memref<256x128xf32, #tpu.memory_space<vmem>>, vector<256x128xf32>
    tpu.vector_store %arg5[%swap3A, %swap3A_23], %broadcast_in_dim3A_15 {strides = array<i32>} : memref<256x128xf32, #tpu.memory_space<vmem>>, vector<256x128xf32>,
    %mul3A_25 = arith.mulf %dot_general3A_22, %broadcast_in_dim3A_15 : vector<256x128xf32>
    %swap3A_26 = arith.constant 0 : index
    %swap3A_27 = arith.constant 0 : index
    %swap3A_28 = vector.load %arg4[%swap3A_26, %swap3A_27] : memref<256x128xf32, #tpu.memory_space<vmem>>, vector<256x128xf32>
    tpu.vector_store %arg4[%swap3A_26, %swap3A_27], %mul3A_25 {strides = array<i32>} : memref<256x128xf32, #tpu.memory_space<vmem>>, vector<256x128xf32>,
    return
  }
  func.func @transform_0(%arg0: i32) -> (i32, i32) {
    %c0_i32 = arith.constant 0 : i32
    %c0_i32_0 = arith.constant 0 : i32
    return %arg0, %c0_i32 : i32, i32
  }
  func.func @transform_1(%arg0: i32) -> (i32, i32, i32) {
    %c0_i32 = arith.constant 0 : i32
    %c0_i32_0 = arith.constant 0 : i32
    %c0_i32_1 = arith.constant 0 : i32
    return %c0_i32, %arg0, %c0_i32_0 : i32, i32, i32
  }
  func.func @transform_2(%arg0: i32) -> (i32, i32) {
    %c0_i32 = arith.constant 0 : i32
    %c0_i32_0 = arith.constant 0 : i32
    %c0_i32_1 = arith.constant 0 : i32
    return %c0_i32, %c0_i32_0 : i32, i32
  }
  func.func @transform_3(%arg0: i32) -> (i32, i32) {
    %c0_i32 = arith.constant 0 : i32
    %c0_i32_0 = arith.constant 0 : i32
    return %arg0, %c0_i32 : i32, i32
  }
  func.func @transform_4(%arg0: i32) -> (i32, i32) {
    %c0_i32 = arith.constant 0 : i32
    %c0_i32_0 = arith.constant 0 : i32
    return %arg0, %c0_i32 : i32, i32
  }
}

module attributes {stable_mosaic.version = 14 : i64} {
  func.func @_tc5_body(%arg0: i32, %arg1: memref<2x256x128xf32, #tpu.memory_space<vmem>>, %arg2: memref<256x128xf32, #tpu.memory_space<vmem>>, %arg3: memref<1x128xf32, #tpu.memory_space<vmem>>, %arg4: memref<1x1x256xi32, #tpu.memory_space<vmem>>, %arg5: memref<128x128xf32, #tpu.memory_space<vmem>>, %arg6: memref<1x128xf32, #tpu.memory_space<vmem>>, %arg7: memref<64x128xf32, #tpu.memory_space<vmem>>, %arg8: memref<64x128xf32, #tpu.memory_space<vmem>>, %arg9: memref<64x128xf32, #tpu.memory_space<vmem>>) attributes {dimension_semantics = [#tpu.dimension_semantics<arbitrary>], iteration_bounds = array<i64: 40>, scalar_prefetch = 0 : i64, scratch_operands = 2 : i64, tpu.core_type = #tpu.core_type<tc>, window_params = [{transform_indices = @transform_0, window_bounds = array<i64: 2, 256, 128>}, {transform_indices = @transform_1, window_bounds = array<i64: 256, 128>}, {pipeline_mode = #tpu.pipeline_mode<synchronous>, transform_indices = @transform_2, window_bounds = array<i64: 1, 128>}, {transform_indices = @transform_3, window_bounds = array<i64: 1, 1, 256>}, {pipeline_mode = #tpu.pipeline_mode<synchronous>, transform_indices = @transform_4, window_bounds = array<i64: 128, 128>}, {pipeline_mode = #tpu.pipeline_mode<synchronous>, transform_indices = @transform_5, window_bounds = array<i64: 1, 128>}, {pipeline_mode = #tpu.pipeline_mode<synchronous>, transform_indices = @transform_6, window_bounds = array<i64: 64, 128>}]} {
    %get3A = arith.constant 0 : index
    %get3A_0 = arith.constant 0 : index
    %get3A_1 = arith.constant 0 : index
    %get3A_2 = vector.load %arg1[%get3A, %get3A_0, %get3A_1] : memref<2x256x128xf32, #tpu.memory_space<vmem>>, vector<1x256x128xf32>
    %get3A_3 = vector.shape_cast %get3A_2 : vector<1x256x128xf32> to vector<256x128xf32>
    %get3A_4 = arith.constant 1 : index
    %get3A_5 = arith.constant 0 : index
    %get3A_6 = arith.constant 0 : index
    %get3A_7 = vector.load %arg1[%get3A_4, %get3A_5, %get3A_6] : memref<2x256x128xf32, #tpu.memory_space<vmem>>, vector<1x256x128xf32>
    %get3A_8 = vector.shape_cast %get3A_7 : vector<1x256x128xf32> to vector<256x128xf32>
    %add3A = arith.addf %get3A_3, %get3A_8 : vector<256x128xf32>
    %get3A_9 = arith.constant 0 : index
    %get3A_10 = arith.constant 0 : index
    %get3A_11 = vector.load %arg2[%get3A_9, %get3A_10] : memref<256x128xf32, #tpu.memory_space<vmem>>, vector<256x128xf32>
    %mul3A = arith.mulf %add3A, %get3A_11 : vector<256x128xf32>
    %get3A_12 = arith.constant 0 : index
    %get3A_13 = arith.constant 0 : index
    %get3A_14 = vector.load %arg3[%get3A_12, %get3A_13] : memref<1x128xf32, #tpu.memory_space<vmem>>, vector<1x128xf32>
    %add3A_15 = vector.broadcast %get3A_14 : vector<1x128xf32> to vector<256x128xf32>
    %add3A_16 = arith.addf %mul3A, %add3A_15 : vector<256x128xf32>
    %get3A_17 = arith.constant 0 : index
    %get3A_18 = arith.constant 0 : index
    %get3A_19 = arith.constant 0 : index
    %get3A_20 = vector.load %arg4[%get3A_17, %get3A_18, %get3A_19] : memref<1x1x256xi32, #tpu.memory_space<vmem>>, vector<1x1x256xi32>
    %get3A_21 = vector.shape_cast %get3A_20 : vector<1x1x256xi32> to vector<1x256xi32>
    %iota3A = tpu.iota {dimensions = array<i32: 0>} : vector<64x256xi32>
    %broadcast_in_dim3A = vector.shape_cast %get3A_21 : vector<1x256xi32> to vector<1x256xi32>
    %broadcast_in_dim3A_22 = vector.broadcast %broadcast_in_dim3A : vector<1x256xi32> to vector<64x256xi32>
    %eq3A = arith.cmpi eq, %iota3A, %broadcast_in_dim3A_22 : vector<64x256xi32>
    %convert_element_type3A = arith.extui %eq3A : vector<64x256xi1> to vector<64x256xi32>
    %convert_element_type3A_23 = arith.sitofp %convert_element_type3A : vector<64x256xi32> to vector<64x256xf32>
    %dot_general3A = arith.constant dense<0.000000e+00> : vector<64x128xf32>
    %dot_general3A_24 = tpu.matmul %convert_element_type3A_23, %add3A_16, %dot_general3A {dimension_numbers = #tpu.dot_dimension_numbers<[1], [0], [0], [1], [0, 0, 1, 1], [], []>, precision = #tpu.contract_precision<fp32>, transpose_lhs_hint = false} : vector<64x256xf32>, vector<256x128xf32>, vector<64x128xf32> -> vector<64x128xf32>
    %broadcast_in_dim3A_25 = arith.constant 1.000000e+00 : f32
    %broadcast_in_dim3A_26 = vector.broadcast %broadcast_in_dim3A_25 : f32 to vector<256x128xf32>
    %dot_general3A_27 = arith.constant dense<0.000000e+00> : vector<64x128xf32>
    %dot_general3A_28 = tpu.matmul %convert_element_type3A_23, %broadcast_in_dim3A_26, %dot_general3A_27 {dimension_numbers = #tpu.dot_dimension_numbers<[1], [0], [0], [1], [0, 0, 1, 1], [], []>, precision = #tpu.contract_precision<fp32>, transpose_lhs_hint = false} : vector<64x256xf32>, vector<256x128xf32>, vector<64x128xf32> -> vector<64x128xf32>
    %eq3A_29 = arith.constant 0 : i32
    %eq3A_30 = arith.cmpi eq, %arg0, %eq3A_29 : i32
    %convert_element_type3A_31 = arith.extui %eq3A_30 : i1 to i32
    %cond3A = arith.constant 0 : i32
    %cond3A_32 = arith.cmpi ne, %convert_element_type3A_31, %cond3A : i32
    scf.if %cond3A_32 {
      %swap3A = arith.constant 0 : index
      %swap3A_42 = arith.constant 0 : index
      %swap3A_43 = vector.load %arg8[%swap3A, %swap3A_42] : memref<64x128xf32, #tpu.memory_space<vmem>>, vector<64x128xf32>
      tpu.vector_store %arg8[%swap3A, %swap3A_42], %dot_general3A_24 {strides = array<i32>} : memref<64x128xf32, #tpu.memory_space<vmem>>, vector<64x128xf32>,
      %swap3A_44 = arith.constant 0 : index
      %swap3A_45 = arith.constant 0 : index
      %swap3A_46 = vector.load %arg9[%swap3A_44, %swap3A_45] : memref<64x128xf32, #tpu.memory_space<vmem>>, vector<64x128xf32>
      tpu.vector_store %arg9[%swap3A_44, %swap3A_45], %dot_general3A_28 {strides = array<i32>} : memref<64x128xf32, #tpu.memory_space<vmem>>, vector<64x128xf32>,
    } else {
    }
    %gt3A = arith.constant 0 : i32
    %gt3A_33 = arith.cmpi sgt, %arg0, %gt3A : i32
    %convert_element_type3A_34 = arith.extui %gt3A_33 : i1 to i32
    %cond3A_35 = arith.constant 0 : i32
    %cond3A_36 = arith.cmpi ne, %convert_element_type3A_34, %cond3A_35 : i32
    scf.if %cond3A_36 {
      %get3A_42 = arith.constant 0 : index
      %get3A_43 = arith.constant 0 : index
      %get3A_44 = vector.load %arg8[%get3A_42, %get3A_43] : memref<64x128xf32, #tpu.memory_space<vmem>>, vector<64x128xf32>
      %add3A_45 = arith.addf %get3A_44, %dot_general3A_24 : vector<64x128xf32>
      %swap3A = arith.constant 0 : index
      %swap3A_46 = arith.constant 0 : index
      %swap3A_47 = vector.load %arg8[%swap3A, %swap3A_46] : memref<64x128xf32, #tpu.memory_space<vmem>>, vector<64x128xf32>
      tpu.vector_store %arg8[%swap3A, %swap3A_46], %add3A_45 {strides = array<i32>} : memref<64x128xf32, #tpu.memory_space<vmem>>, vector<64x128xf32>,
      %get3A_48 = arith.constant 0 : index
      %get3A_49 = arith.constant 0 : index
      %get3A_50 = vector.load %arg9[%get3A_48, %get3A_49] : memref<64x128xf32, #tpu.memory_space<vmem>>, vector<64x128xf32>
      %add3A_51 = arith.addf %get3A_50, %dot_general3A_28 : vector<64x128xf32>
      %swap3A_52 = arith.constant 0 : index
      %swap3A_53 = arith.constant 0 : index
      %swap3A_54 = vector.load %arg9[%swap3A_52, %swap3A_53] : memref<64x128xf32, #tpu.memory_space<vmem>>, vector<64x128xf32>
      tpu.vector_store %arg9[%swap3A_52, %swap3A_53], %add3A_51 {strides = array<i32>} : memref<64x128xf32, #tpu.memory_space<vmem>>, vector<64x128xf32>,
    } else {
    }
    %eq3A_37 = arith.constant 39 : i32
    %eq3A_38 = arith.cmpi eq, %arg0, %eq3A_37 : i32
    %convert_element_type3A_39 = arith.extui %eq3A_38 : i1 to i32
    %cond3A_40 = arith.constant 0 : i32
    %cond3A_41 = arith.cmpi ne, %convert_element_type3A_39, %cond3A_40 : i32
    scf.if %cond3A_41 {
      %get3A_42 = arith.constant 0 : index
      %get3A_43 = arith.constant 0 : index
      %get3A_44 = vector.load %arg8[%get3A_42, %get3A_43] : memref<64x128xf32, #tpu.memory_space<vmem>>, vector<64x128xf32>
      %get3A_45 = arith.constant 0 : index
      %get3A_46 = arith.constant 0 : index
      %get3A_47 = vector.load %arg9[%get3A_45, %get3A_46] : memref<64x128xf32, #tpu.memory_space<vmem>>, vector<64x128xf32>
      %max3A = arith.constant 1.000000e+00 : f32
      %max3A_48 = vector.broadcast %max3A : f32 to vector<64x128xf32>
      %max3A_49 = arith.maximumf %get3A_47, %max3A_48 : vector<64x128xf32>
      %div3A = arith.divf %get3A_44, %max3A_49 : vector<64x128xf32>
      %get3A_50 = arith.constant 0 : index
      %get3A_51 = arith.constant 0 : index
      %get3A_52 = vector.load %arg5[%get3A_50, %get3A_51] : memref<128x128xf32, #tpu.memory_space<vmem>>, vector<128x128xf32>
      %dot_general3A_53 = arith.constant dense<0.000000e+00> : vector<64x128xf32>
      %dot_general3A_54 = tpu.matmul %div3A, %get3A_52, %dot_general3A_53 {dimension_numbers = #tpu.dot_dimension_numbers<[1], [0], [0], [1], [0, 0, 1, 1], [], []>, precision = #tpu.contract_precision<fp32>, transpose_lhs_hint = false} : vector<64x128xf32>, vector<128x128xf32>, vector<64x128xf32> -> vector<64x128xf32>
      %get3A_55 = arith.constant 0 : index
      %get3A_56 = arith.constant 0 : index
      %get3A_57 = vector.load %arg6[%get3A_55, %get3A_56] : memref<1x128xf32, #tpu.memory_space<vmem>>, vector<1x128xf32>
      %add3A_58 = vector.broadcast %get3A_57 : vector<1x128xf32> to vector<64x128xf32>
      %add3A_59 = arith.addf %dot_general3A_54, %add3A_58 : vector<64x128xf32>
      %swap3A = arith.constant 0 : index
      %swap3A_60 = arith.constant 0 : index
      %swap3A_61 = vector.load %arg7[%swap3A, %swap3A_60] : memref<64x128xf32, #tpu.memory_space<vmem>>, vector<64x128xf32>
      tpu.vector_store %arg7[%swap3A, %swap3A_60], %add3A_59 {strides = array<i32>} : memref<64x128xf32, #tpu.memory_space<vmem>>, vector<64x128xf32>,
    } else {
    }
    return
  }
  func.func @transform_0(%arg0: i32) -> (i32, i32, i32) {
    %c0_i32 = arith.constant 0 : i32
    %c0_i32_0 = arith.constant 0 : i32
    %c0_i32_1 = arith.constant 0 : i32
    return %c0_i32, %arg0, %c0_i32_0 : i32, i32, i32
  }
  func.func @transform_1(%arg0: i32) -> (i32, i32) {
    %c0_i32 = arith.constant 0 : i32
    %c0_i32_0 = arith.constant 0 : i32
    return %arg0, %c0_i32 : i32, i32
  }
  func.func @transform_2(%arg0: i32) -> (i32, i32) {
    %c0_i32 = arith.constant 0 : i32
    %c0_i32_0 = arith.constant 0 : i32
    %c0_i32_1 = arith.constant 0 : i32
    return %c0_i32, %c0_i32_0 : i32, i32
  }
  func.func @transform_3(%arg0: i32) -> (i32, i32, i32) {
    %c0_i32 = arith.constant 0 : i32
    %c0_i32_0 = arith.constant 0 : i32
    %c0_i32_1 = arith.constant 0 : i32
    return %arg0, %c0_i32, %c0_i32_0 : i32, i32, i32
  }
  func.func @transform_4(%arg0: i32) -> (i32, i32) {
    %c0_i32 = arith.constant 0 : i32
    %c0_i32_0 = arith.constant 0 : i32
    %c0_i32_1 = arith.constant 0 : i32
    return %c0_i32, %c0_i32_0 : i32, i32
  }
  func.func @transform_5(%arg0: i32) -> (i32, i32) {
    %c0_i32 = arith.constant 0 : i32
    %c0_i32_0 = arith.constant 0 : i32
    %c0_i32_1 = arith.constant 0 : i32
    return %c0_i32, %c0_i32_0 : i32, i32
  }
  func.func @transform_6(%arg0: i32) -> (i32, i32) {
    %c0_i32 = arith.constant 0 : i32
    %c0_i32_0 = arith.constant 0 : i32
    %c0_i32_1 = arith.constant 0 : i32
    return %c0_i32, %c0_i32_0 : i32, i32
  }
}

</mosaic_0001>

<sc_bundles>
// kernel: kernel.12.cloned.1.call-start
scs
__scs_entry_jumppad:
0x0: {  	(pc) =	sbr.rel $0x88, $3  }
0x1: {  	(tag) =	ssettag $0x0;
	lr =	simm.s32 $0x1  }
0x2: {  	[smem:$0x3F94] =	sst lr;
	_ =	strace $0xD0000000  }
0x3: {  	_ = 	snop  }
0x4: {  	_ = 	snop  }
0x5: {  	_ = 	snop  }
0x6: {  	_ = 	snop  }
0x7: {  	_ = 	snop  }
__scs_overlays_trampoline_lowered:
0x8: {  	[smem:$0x3FA3] =	sst s0  }
0x9: {  	[smem:$0x3FA4] =	sst s1  }
0xa: {  	[smem:$0x3FA5] =	sst s2  }
0xb: {  	[smem:$0x3FA6] =	sst s3  }
0xc: {  	[smem:$0x3FA7] =	sst s4  }
0xd: {  	[smem:$0x3FA8] =	sst s5  }
0xe: {  	[smem:$0x3FA9] =	sst s6  }
0xf: {  	[smem:$0x3FAA] =	sst s7  }
0x10: {  	[smem:$0x3FAB] =	sst s8  }
0x11: {  	[smem:$0x3FAC] =	sst s9;
	s0 =	simm.s32 @!p0 $0x0  }
0x12: {  	s1 =	sld [smem:$0x3F92];
	s0 =	simm.s32 @p0 $0x1  }
0x13: {  	[smem:$0x3FAD] =	sst s0;
	s0 =	simm.s32 @!p1 $0x0  }
0x14: {  	s2 =	sld [smem:$0x3F91];
	s0 =	simm.s32 @p1 $0x1  }
0x15: {  	[smem:$0x3FAE] =	sst s0;
	s0 =	simm.s32 @!p2 $0x0  }
0x16: {  	s3 =	sld [smem:$0x3FDB];
	s0 =	simm.s32 @p2 $0x1  }
0x17: {  	s4 =	simm.s32 $0x1BF5;
	[smem:$0x3FB0] =	sst s0  }
0x18: {  	s0 =	sld [smem:$0x3F93];
	_ =	swait.ge [sflag:s4], $0x0  }
0x19: {  	s7 =	sld [smem:$0x3F94]  }
0x1a: {  	s8 =	sadd.s32 $0xFFFFE003, lr  }
0x1b: {  	s9 =	sadd.s32 $0xFFFFFEF7, lr;
	s5 =	simm.s32 $0xFFFFFFFF;
	p2 =	slt.u32 s8, $0xFFFFF086  }
0x1c: {  	p1 =	slt.u32 s9, $0xF7A;
	s5 =	simm.s32 @!p2 $0x0  }
0x1d: {  	s5 =	simm.s32 @p1 $0x1;
	p0 =	seq.s32 s7, s2  }
0x1e: {  	s7 =	smul.u32 @!p0 $0xF7A, s2;
	p2 =	seq.s32 @!p0 s5, $0x0  }
0x1f: {  	s9 =	smul.u32 $0xF7A, s1;
	s8 =	simm.s32 @!p0 $0x1BF5;
	p2 =	por !p2, p0  }
0x20: {  	[sflag:s8] =	ssyncset.s32 @!p0 $0xFFFFF086;
	s6 =	sadd.s32 @!p0 s3, s7;
	s7 =	simm.s32 @!p0 $0x108  }
0x21: {  	s3 =	sadd.s32 s3, s9;
	s6 =	sadd.s32 @!p0 $0x88, s6;
	s7 =	simm.s32 @p2 $0x1082  }
0x22: {  	[simem:s7], [sflag:s8] =	dma.local @!p0 [hbm:s6], $0xF7A  }
0x23: {  	s9 =	sor.u32 $0xD0000000, s2;
	s6 =	simm.s32 $0x108;
	_ =	swait.ge @!p0 [sflag:s8], $0x0  }
0x24: {  	s3 =	sadd.s32 $0x88, s3;
	s6 =	simm.s32 @!p1 $0x1082;
	[sflag:s4] =	ssyncset.s32 $0xFFFFF086  }
0x25: {  	[simem:s6], [sflag:s4] =	dma.local [hbm:s3], $0xF7A  }
0x26: {  	[smem:$0x3F94] =	sst s1;
	(tag) =	ssettag s2;
	_ =	strace s9  }
0x27: {  	s1 =	sld [smem:$0x3FA4]  }
0x28: {  	s2 =	sld [smem:$0x3FA5]  }
0x29: {  	s4 =	sld [smem:$0x3FA7]  }
0x2a: {  	p0 =	seq.s32 s5, $0x0;
	s5 =	sld [smem:$0x3FA8]  }
0x2b: {  	s6 =	sld [smem:$0x3FA9]  }
0x2c: {  	s7 =	sld [smem:$0x3FAA]  }
0x2d: {  	s3 =	simm.s32 $0x108;
	s8 =	sld [smem:$0x3FAB]  }
0x2e: {  	s3 =	simm.s32 @!p0 $0x1082;
	s9 =	sld [smem:$0x3FAC]  }
0x2f: {  	lr =	sadd.s32 s0, s3;
	s0 =	sld [smem:$0x3FA3]  }
0x30: {  	s3 =	sld [smem:$0x3FA6]  }
0x31: {  	[smem:$0x3FAF] =	sst s10  }
0x32: {  	s10 =	sld [smem:$0x3FAD];
	_ =	sdelay $0x3  }
0x33: {  	p0 =	seq.s32 s10, $0x1;
	s10 =	sld [smem:$0x3FAF];
	_ =	sdelay $0x3  }
0x34: {  	[smem:$0x3FAF] =	sst s10  }
0x35: {  	s10 =	sld [smem:$0x3FAE];
	_ =	sdelay $0x3  }
0x36: {  	p1 =	seq.s32 s10, $0x1;
	s10 =	sld [smem:$0x3FAF];
	_ =	sdelay $0x3  }
0x37: {  	[smem:$0x3FAF] =	sst s10  }
0x38: {  	s10 =	sld [smem:$0x3FB0]  }
0x39: {  	_ = 	snop;
	(pc) =	sbr.ind lr, $3  }
0x3a: {  	_ = 	snop  }
0x3b: {  	_ = 	snop  }
0x3c: {  	p2 =	seq.s32 s10, $0x1;
	s10 =	sld [smem:$0x3FAF]  }
0x3d: {  	_ =	shalt  }
0x3e: {  	_ =	shalt  }
0x3f: {  	_ =	shalt  }
0x40: {  	_ =	shalt  }
0x41: {  	_ =	shalt  }
0x42: {  	_ =	shalt  }
0x43: {  	_ =	shalt  }
0x44: {  	_ =	shalt  }
0x45: {  	_ =	shalt  }
0x46: {  	_ =	shalt  }
0x47: {  	_ =	shalt  }
0x48: {  	_ =	shalt  }
0x49: {  	_ =	shalt  }
0x4a: {  	_ =	shalt  }
0x4b: {  	_ =	shalt  }
0x4c: {  	_ =	shalt  }
0x4d: {  	_ =	shalt  }
0x4e: {  	_ =	shalt  }
0x4f: {  	_ =	shalt  }
0x50: {  	_ =	shalt  }
0x51: {  	_ =	shalt  }
0x52: {  	_ =	shalt  }
0x53: {  	_ =	shalt  }
0x54: {  	_ =	shalt  }
0x55: {  	_ =	shalt  }
0x56: {  	_ =	shalt  }
0x57: {  	_ =	shalt  }
0x58: {  	_ =	shalt  }
0x59: {  	_ =	shalt  }
0x5a: {  	_ =	shalt  }
0x5b: {  	_ =	shalt  }
0x5c: {  	_ =	shalt  }
0x5d: {  	_ =	shalt  }
0x5e: {  	_ =	shalt  }
0x5f: {  	_ =	shalt  }
0x60: {  	_ =	shalt  }
0x61: {  	_ =	shalt  }
0x62: {  	_ =	shalt  }
0x63: {  	_ =	shalt  }
0x64: {  	_ =	shalt  }
0x65: {  	_ =	shalt  }
0x66: {  	_ =	shalt  }
0x67: {  	_ =	shalt  }
0x68: {  	_ =	shalt  }
0x69: {  	_ =	shalt  }
0x6a: {  	_ =	shalt  }
0x6b: {  	_ =	shalt  }
0x6c: {  	_ =	shalt  }
0x6d: {  	_ =	shalt  }
0x6e: {  	_ =	shalt  }
0x6f: {  	_ =	shalt  }
0x70: {  	_ =	shalt  }
0x71: {  	_ =	shalt  }
0x72: {  	_ =	shalt  }
0x73: {  	_ =	shalt  }
0x74: {  	_ =	shalt  }
0x75: {  	_ =	shalt  }
0x76: {  	_ =	shalt  }
0x77: {  	_ =	shalt  }
0x78: {  	_ =	shalt  }
0x79: {  	_ =	shalt  }
0x7a: {  	_ =	shalt  }
0x7b: {  	_ =	shalt  }
0x7c: {  	_ =	shalt  }
0x7d: {  	_ =	shalt  }
0x7e: {  	_ =	shalt  }
0x7f: {  	_ =	shalt  }
0x80: {  	_ =	shalt  }
0x81: {  	_ =	shalt  }
0x82: {  	_ =	shalt  }
0x83: {  	_ =	shalt  }
0x84: {  	_ =	shalt  }
0x85: {  	_ =	shalt  }
0x86: {  	_ =	shalt  }
0x87: {  	_ =	shalt  }
.Lfunc_end0:
.L_simem_size_0:
called_computation_lowered:
.L_overlay_start_0:
0x88: {  	s2 =	sld [smem:$0x3FD9]  }
0x89: {  	s3 =	sld [smem:$0x3FFE];
	_ =	sdelay $0x1  }
0x8a: {  	s1 =	srdreg.scid  }
0x8b: {  	s0 =	sand.u32 $0x1, s1  }
0x8c: {  	s16 =	sshll.u32 s0, $0xA;
	s2 =	sadd.s32 s3, s2  }
0x8d: {  	s2 =	sadd.s32 s2, s16  }
0x8e: {  	[smem:$0x3FBB] =	sst s2  }
0x8f: {  	_ = 	snop  }
0x90: {  	(tm) =	ssettm $0x1  }
0x91: {  	s17 =	sld [smem:$0x3FFB];
	_ =	sdelay $0x3  }
0x92: {  	_ =	strace s17  }
0x93: {  	s2 =	sld [smem:$0x3FFC];
	_ =	sdelay $0x3  }
0x94: {  	_ =	strace s2  }
0x95: {  	s2 =	sld [smem:$0x3FFD];
	_ =	sdelay $0x3  }
0x96: {  	_ =	strace s2  }
0x97: {  	_ =	strace $0x8FFFFFFF  }
0x98: {  	s18 =	sld [smem:$0x3FDB];
	_ =	sdelay $0x1  }
0x99: {  	s19 =	simm.s32 $_scs_section_size  }
0x9a: {  	s4 =	simm.s32 $_size__tile_overlayer_lowered;
	s5 =	simm.s32 $_tile_overlayer_lowered  }
0x9b: {  	s22 =	simm.s32 $0x1BFF;
	s21 =	sshll.u32 s5, $0x1;
	s2 =	sadd.s32 s19, s18  }
0x9c: {  	s6 =	simm.s32 $0x0;
	s20 =	sshll.u32 s4, $0x1;
	s4 =	sadd.s32 s21, s2  }
0x9d: {  	[timem:s6], [sflag:s22] =	dma.local [hbm:s4], s20  }
0x9e: {  	_ =	swait.ge [sflag:s22], s20  }
0x9f: {  	s3 =	ssub.s32 $0x0, s20;
	[sflag:s22] =	ssyncset.done $0x0  }
0xa0: {  	[sflag:s22] =	ssyncadd.s32 s3;
	_ =	sdelay $0x1  }
0xa1: {  	s23 =	simm.s32 $0x1B8B  }
0xa2: {  	_ =	swait.ge [sflag:s23], $0x1  }
0xa3: {  	[sflag:s23] =	ssyncset.done $0x0  }
0xa4: {  	s25 =	simm.s32 $0x1B8E;
	s24 =	sld [smem:$0x3FFE];
	[sflag:s23] =	ssyncadd.s32 $0xFFFFFFFF  }
0xa5: {  	s26 =	simm.s32 $execute0_lowered;
	[smem:$0x3FD2] =	sst s25  }
0xa6: {  	s4 =	sshll.u32 s26, $0x1;
	_ =	strace $0x80000046;
	[dreg:$0x1] =	wrdreg $0xFFFFFFFF  }
0xa7: {  	s28 =	simm.s32 $_size_execute0_lowered;
	s2 =	sadd.s32 s2, s4;
	[dreg:$0x0] =	wrdreg $0x0  }
0xa8: {  	s4 =	sshll.u32 s28, $0x1;
	[dreg:$0x2] =	wrdreg s2  }
0xa9: {  	[dreg:$0x3] =	wrdreg s4  }
0xaa: {  	[dreg:$0x4] =	wrdreg $0xC0  }
0xab: {  	_ =	task [dreg:s6], $0x5FFFF  }
0xac: {  	[dreg:$0x1] =	wrdreg $0xFFFFFFFF  }
0xad: {  	[dreg:$0x0] =	wrdreg $0x60  }
0xae: {  	[dreg:$0x2] =	wrdreg s24  }
0xaf: {  	[dreg:$0x3] =	wrdreg $0x60800  }
0xb0: {  	[dreg:$0x4] =	wrdreg $0x9  }
0xb1: {  	_ =	task.clear_ibuf [dreg:s6], $0x5FFFF;
	_ =	strace $0x90000046  }
0xb2: {  	s29 =	simm.s32 $0x9;
	_ =	strace $0x80000048  }
0xb3: {  	_ =	swait.ge [sflag:s29], $0x1  }
0xb4: {  	[sflag:s29] =	ssyncadd.s32 $0xFFFFFFFF  }
0xb5: {  	_ =	strace $0x90000048  }
0xb6: {  	_ =	sfence  }
0xb7: {  	s30 =	sld [smem:$0x0];
	_ =	sdelay $0x2  }
0xb8: {  	s31 =	sshll.u32 s1, $0xD;
	s1 =	sshrl.u32 s1, $0x2  }
0xb9: {  	s3 =	sand.u32 $0x4000, s31;
	s1 =	sadd.s32 s1, s30  }
0xba: {  	s0 =	sor.u32 s3, s0;
	s1 =	sshll.u32 s1, $0x11  }
0xbb: {  	s0 =	sor.u32 s1, s0  }
0xbc: {  	s0 =	sadd.s32 $0x8F2B, s0  }
0xbd: {  	[sflag:s0] =	ssyncadd.remote.s32 $0x1  }
0xbe: {  	_ =	sfence.sel $0xFFFF  }
0xbf: {  	[dreg:$0x0] =	wrdreg $0xFFFFFFFF;
	(pc) =	sbr.abs _section_cstart, $3  }
0xc0: {  	[dreg:$0x1] =	wrdreg $0xFFFFFFFF  }
0xc1: {  	_ =	task.clear_ibuf [dreg:s6], $0x2FFFF;
	_ =	strace $0x9FFFFFFF  }
0xc2: {  	(tm) =	ssettm $0x7FFFFFFF  }
0xc3: {  	_ =	shalt  }
tec
execute0_lowered:
.L_overlay_start_1:
0x0: {  	(tag) =	ssettag $0x1  }
0x1: {  	s4 =	rddreg [dreg:$0x0]  }
0x2: {  	s1 =	rddreg [dreg:$0x1];
	s2 =	srdreg.scid  }
0x3: {  	s0 =	rddreg [dreg:$0x2];
	s3 =	simm.s32 $0x0;
	s5 =	sand.u32 $0x1, s2  }
0x4: {  	s17 =	simm.s32 $0x4080;
	s2 =	stileid.u32;
	s6 =	smul.u32 $0x140000, s5  }
0x5: {  	s18 =	simm.s32 $0x1;
	s19 =	simm.s32 $0x80;
	s7 =	smul.u32 $0x14000, s2  }
0x6: {  	s21 =	simm.s32 $0x0;
	[smem:$0x7FF] =	sst s3;
	s8 =	smul.u32 $0x5100, s5  }
0x7: {  	_ =	strace $0x80000047;
	s5 =	ssub.s32 $0x2, s5;
	s29 =	smul.u32 $0x50000, s2  }
0x8: {  	s15 =	smul.u32 $0x510, s2;
	s20 =	sshll.u32 s2, $0x6;
	s30 =	sshrl.u32 s5, $0x1  }
0x9: {  	s20 =	sor.u32 $0x1C01, s20;
	s6 =	sadd.s32 s7, s6;
	s14 =	sadd.s32 s8, s4  }
0xa: {  	s8 =	ssub.s32 s5, s30;
	s31 =	sshrl.u32 s29, $0x2;
	s6 =	sshrl.u32 s6, $0x3  }
0xb: {  	s16 =	sadd.s32 s15, s14;
	s6 =	sadd.s32 s6, s4;
	s4 =	sadd.s32 s31, s1  }
0xc: {  	s16 =	sadd.s32 $0x3C00, s16;
	s5 =	sadd.s32 $0xDE00, s6;
	s6 =	smax.u32 s8, $0x1  }
0xd: {  	s7 =	sadd.s32 $0x2000, s4;
	s8 =	sadd.s32 $0x4000, s4;
	s9 =	sadd.s32 $0x6000, s4  }
0xe: {  	s10 =	sadd.s32 $0x8000, s4;
	s11 =	sadd.s32 $0xA000, s4;
	s12 =	sadd.s32 $0xC000, s4  }
0xf: {  	v0 =	vimm.f32 $1.000000000e+00;
	v1 =	vimm.f32 $0.0e+00;
	s13 =	sadd.s32 $0xE000, s4;
	s14 =	sadd.s32 $0x10000, s4;
	s15 =	sadd.s32 $0x12000, s4  }
.LBB2_1:
0x10: {  	s22 =	simm.s32 $0x0  }
.LBB2_2:
0x11: {  	p0 =	sne.s32 s22, $0xFE00  }
.Ltmp0:
0x12: {  	_ = 	snop;
	(pc) =	sbr.rel @p0 .LBB2_2-.Ltmp0, $3  }
0x13: {  	_ =	sdelay $0x1  }
0x14: {  	s23 =	sshra.s32 s22, $0x2  }
0x15: {  	s22 =	sadd.s32 $0x200, s22;
	[tilespmem:s23+$0x80] =	vst v0  }
0x16: {  	s22 =	simm.s32 $0x200;
	s23 =	simm.s32 $0x0  }
.LBB2_4:
0x17: {  	p0 =	sne.s32 s22, $0x7E00;
	[tilespmem:s23+$0x4080] =	vst v1;
	s23 =	smov.u32 s22;
	s22 =	sadd.s32 $0x200, s22  }
.Ltmp1:
0x18: {  	(pc) =	sbr.rel @p0 .LBB2_4-.Ltmp1, $2  }
0x19: {  	_ =	sdelay $0x2  }
0x1a: {  	s23 =	sshra.s32 s23, $0x2  }
0x1b: {  	[tilespmem:s23+$0x4080] =	vst v1  }
0x1c: {  	[spmem:s4] =	stream.linear.scatter [tilespmem:s17], [sflag:$0x1], $0x2000, $0x38;
	[tilespmem:$0x8880] =	vst v63  }
0x1d: {  	_ =	swait.ge [sflag:s18], $0x2000  }
0x1e: {  	[sflag:s18] =	ssyncset.done $0x0  }
0x1f: {  	[sflag:s18] =	ssyncadd.s32 $0xFFFFE000  }
0x20: {  	[spmem:s7] =	stream.linear.scatter [tilespmem:s17], [sflag:$0x1], $0x2000, $0x38;
	[tilespmem:$0x8880] =	vst v63  }
0x21: {  	_ =	swait.ge [sflag:s18], $0x2000  }
0x22: {  	[sflag:s18] =	ssyncset.done $0x0  }
0x23: {  	[sflag:s18] =	ssyncadd.s32 $0xFFFFE000  }
0x24: {  	[spmem:s8] =	stream.linear.scatter [tilespmem:s17], [sflag:$0x1], $0x2000, $0x38;
	[tilespmem:$0x8880] =	vst v63  }
0x25: {  	_ =	swait.ge [sflag:s18], $0x2000  }
0x26: {  	[sflag:s18] =	ssyncset.done $0x0  }
0x27: {  	[sflag:s18] =	ssyncadd.s32 $0xFFFFE000  }
0x28: {  	[spmem:s9] =	stream.linear.scatter [tilespmem:s17], [sflag:$0x1], $0x2000, $0x38;
	[tilespmem:$0x8880] =	vst v63  }
0x29: {  	_ =	swait.ge [sflag:s18], $0x2000  }
0x2a: {  	[sflag:s18] =	ssyncset.done $0x0  }
0x2b: {  	[sflag:s18] =	ssyncadd.s32 $0xFFFFE000  }
0x2c: {  	[spmem:s10] =	stream.linear.scatter [tilespmem:s17], [sflag:$0x1], $0x2000, $0x38;
	[tilespmem:$0x8880] =	vst v63  }
0x2d: {  	_ =	swait.ge [sflag:s18], $0x2000  }
0x2e: {  	[sflag:s18] =	ssyncset.done $0x0  }
0x2f: {  	[sflag:s18] =	ssyncadd.s32 $0xFFFFE000  }
0x30: {  	[spmem:s11] =	stream.linear.scatter [tilespmem:s17], [sflag:$0x1], $0x2000, $0x38;
	[tilespmem:$0x8880] =	vst v63  }
0x31: {  	_ =	swait.ge [sflag:s18], $0x2000  }
0x32: {  	[sflag:s18] =	ssyncset.done $0x0  }
0x33: {  	[sflag:s18] =	ssyncadd.s32 $0xFFFFE000  }
0x34: {  	[spmem:s12] =	stream.linear.scatter [tilespmem:s17], [sflag:$0x1], $0x2000, $0x38;
	[tilespmem:$0x8880] =	vst v63  }
0x35: {  	_ =	swait.ge [sflag:s18], $0x2000  }
0x36: {  	[sflag:s18] =	ssyncset.done $0x0  }
0x37: {  	[sflag:s18] =	ssyncadd.s32 $0xFFFFE000  }
0x38: {  	[spmem:s13] =	stream.linear.scatter [tilespmem:s17], [sflag:$0x1], $0x2000, $0x38;
	[tilespmem:$0x8880] =	vst v63  }
0x39: {  	_ =	swait.ge [sflag:s18], $0x2000  }
0x3a: {  	[sflag:s18] =	ssyncset.done $0x0  }
0x3b: {  	[sflag:s18] =	ssyncadd.s32 $0xFFFFE000  }
0x3c: {  	[spmem:s14] =	stream.linear.scatter [tilespmem:s17], [sflag:$0x1], $0x2000, $0x38;
	[tilespmem:$0x8880] =	vst v63  }
0x3d: {  	_ =	swait.ge [sflag:s18], $0x2000  }
0x3e: {  	[sflag:s18] =	ssyncset.done $0x0  }
0x3f: {  	[sflag:s18] =	ssyncadd.s32 $0xFFFFE000  }
0x40: {  	[spmem:s15] =	stream.linear.scatter [tilespmem:s17], [sflag:$0x1], $0x2000, $0x38;
	[tilespmem:$0x8880] =	vst v63  }
0x41: {  	_ =	swait.ge [sflag:s18], $0x2000  }
0x42: {  	[sflag:s18] =	ssyncset.done $0x0  }
0x43: {  	[sflag:s18] =	ssyncadd.s32 $0xFFFFE000  }
0x44: {  	s22 =	sadd.s32 $0x0, s16;
	[bflag:$0x0] =	sbarrier.arrive $0xFFFF  }
0x45: {  	[tilespmem:s3], [sflag:$0x1] =	stream.linear.gather [hbm4b:s22+s3], $0x80, $0x38;
	[tilespmem:$0x8880] =	vst v63  }
0x46: {  	_ =	swait.ge [sflag:s18], $0x80  }
0x47: {  	[sflag:s18] =	ssyncset.done $0x0  }
0x48: {  	[sflag:s18] =	ssyncadd.s32 $0xFFFFFF80  }
0x49: {  	[spmem:s1] =	stream.indirect.scatter.add.f32 [tilespmem:s19], [sflag:$0x1], $0x10, s3, s19, $0xb8;
	[tilespmem:$0x8880] =	vst v63  }
0x4a: {  	_ =	swait.ge [sflag:s18], $0x800  }
0x4b: {  	s23 =	simm.s32 $0x20;
	s22 =	simm.s32 $0x10;
	[sflag:s18] =	ssyncset.done $0x0  }
.LBB2_6:
0x4c: {  	s24 =	sadd.s32 s22, s16  }
0x4d: {  	[sflag:s18] =	ssyncadd.s32 $0xFFFFF800;
	s22 =	smov.u32 s23;
	s25 =	sadd.s32 $0x10, s23  }
0x4e: {  	[tilespmem:s3], [sflag:$0x1] =	stream.linear.gather [hbm4b:s24+s3], $0x80, $0x38;
	[tilespmem:$0x8880] =	vst v63  }
0x4f: {  	p0 =	sne.s32 s23, $0x500;
	_ =	swait.ge [sflag:s18], $0x80  }
.Ltmp2:
0x50: {  	[sflag:s18] =	ssyncset.done $0x0;
	(pc) =	sbr.rel @p0 .LBB2_6-.Ltmp2, $4  }
0x51: {  	[sflag:s18] =	ssyncadd.s32 $0xFFFFFF80  }
0x52: {  	[spmem:s1] =	stream.indirect.scatter.add.f32 [tilespmem:s19], [sflag:$0x1], $0x10, s3, s19, $0xb8;
	[tilespmem:$0x8880] =	vst v63  }
0x53: {  	_ =	swait.ge [sflag:s18], $0x800  }
0x54: {  	s23 =	smov.u32 s25;
	[sflag:s18] =	ssyncset.done $0x0  }
0x55: {  	s22 =	sadd.s32 s22, s16;
	[sflag:s18] =	ssyncadd.s32 $0xFFFFF800  }
0x56: {  	[tilespmem:s3], [sflag:$0x1] =	stream.linear.gather [hbm4b:s22+s3], $0x80, $0x38;
	[tilespmem:$0x8880] =	vst v63  }
0x57: {  	_ =	swait.ge [sflag:s18], $0x80  }
0x58: {  	[sflag:s18] =	ssyncset.done $0x0  }
0x59: {  	[sflag:s18] =	ssyncadd.s32 $0xFFFFFF80  }
0x5a: {  	[spmem:s1] =	stream.indirect.scatter.add.f32 [tilespmem:s19], [sflag:$0x1], $0x10, s3, s19, $0xb8;
	[tilespmem:$0x8880] =	vst v63  }
0x5b: {  	_ =	swait.ge [sflag:s18], $0x800  }
0x5c: {  	s21 =	sadd.s32 $0x1, s21;
	[sflag:s18] =	ssyncset.done $0x0  }
0x5d: {  	p0 =	sne.s32 s21, s6;
	[sflag:s18] =	ssyncadd.s32 $0xFFFFF800  }
.Ltmp3:
0x5e: {  	s31 =	sshrl.u32 s4, $0x3;
	[bflag:$0x0] =	sbarrier.arrive $0xFFFF;
	(pc) =	sbr.rel @p0 .LBB2_1-.Ltmp3, $4  }
0x5f: {  	[hbm:s5], [sflag:s20] =	dma.local [spmem:s31], $0x2800  }
0x60: {  	_ =	swait.ge [sflag:s18], $0x2800  }
0x61: {  	[sflag:s18] =	ssyncset.done $0x0  }
0x62: {  	[sflag:s18] =	ssyncadd.s32 $0xFFFFD800  }
0x63: {  	_ =	sfence.sel $0x180000  }
0x64: {  	[bflag:$0x0] =	sbarrier.arrive $0xFFFF  }
0x65: {  	p0 =	sne.s32 s2, $0x0;
	_ =	strace $0x90000047  }
0x66: {  	s0 =	sadd.s32 @!p0 $0x100000, s0;
	[bflag:$0x2] =	sbarrier.arrive $0xFFFF  }
0x67: {  	[sflag:s0] =	ssyncadd.tile.s32 @!p0 $0x1;
	_ =	shalt  }
.Lfunc_end2:
_tile_overlayer_lowered:
.L_overlay_start_2:
0x68: {  	(tag) =	ssettag $0x2  }
0x69: {  	s0 =	rddreg [dreg:$0x0];
	s2 =	stileid.u32  }
0x6a: {  	s1 =	rddreg [dreg:$0x1];
	p0 =	sne.s32 s2, $0x0  }
0x6b: {  	s3 =	rddreg [dreg:$0x2];
	[bflag:$0x3] =	sbarrier.arrive $0xFFFF;
	s2 =	simm.s32 @!p0 $0x1C01  }
0x6c: {  	[timem:s3], [sflag:s2] =	dma.local @!p0 [hbm:s0], s1  }
0x6d: {  	s0 =	simm.s32 @!p0 $0x1  }
0x6e: {  	_ =	swait.ge @!p0 [sflag:s0], s1  }
0x6f: {  	s1 =	ssub.s32 @!p0 $0x0, s1;
	[sflag:s0] =	ssyncset.done @!p0 $0x0  }
0x70: {  	[sflag:s0] =	ssyncadd.s32 @!p0 s1  }
0x71: {  	[bflag:$0x3] =	sbarrier.arrive $0xFFFF  }
0x72: {  	_ =	shalt  }

// kernel: kernel.15.cloned.1.call-start
scs
__scs_entry_jumppad:
0x0: {  	(pc) =	sbr.rel $0x88, $3  }
0x1: {  	(tag) =	ssettag $0x0;
	lr =	simm.s32 $0x1  }
0x2: {  	[smem:$0x3F94] =	sst lr;
	_ =	strace $0xD0000000  }
0x3: {  	_ = 	snop  }
0x4: {  	_ = 	snop  }
0x5: {  	_ = 	snop  }
0x6: {  	_ = 	snop  }
0x7: {  	_ = 	snop  }
__scs_overlays_trampoline_lowered:
0x8: {  	[smem:$0x3FA3] =	sst s0  }
0x9: {  	[smem:$0x3FA4] =	sst s1  }
0xa: {  	[smem:$0x3FA5] =	sst s2  }
0xb: {  	[smem:$0x3FA6] =	sst s3  }
0xc: {  	[smem:$0x3FA7] =	sst s4  }
0xd: {  	[smem:$0x3FA8] =	sst s5  }
0xe: {  	[smem:$0x3FA9] =	sst s6  }
0xf: {  	[smem:$0x3FAA] =	sst s7  }
0x10: {  	[smem:$0x3FAB] =	sst s8  }
0x11: {  	[smem:$0x3FAC] =	sst s9;
	s0 =	simm.s32 @!p0 $0x0  }
0x12: {  	s1 =	sld [smem:$0x3F92];
	s0 =	simm.s32 @p0 $0x1  }
0x13: {  	[smem:$0x3FAD] =	sst s0;
	s0 =	simm.s32 @!p1 $0x0  }
0x14: {  	s2 =	sld [smem:$0x3F91];
	s0 =	simm.s32 @p1 $0x1  }
0x15: {  	[smem:$0x3FAE] =	sst s0;
	s0 =	simm.s32 @!p2 $0x0  }
0x16: {  	s3 =	sld [smem:$0x3FDB];
	s0 =	simm.s32 @p2 $0x1  }
0x17: {  	s4 =	simm.s32 $0x1BF5;
	[smem:$0x3FB0] =	sst s0  }
0x18: {  	s0 =	sld [smem:$0x3F93];
	_ =	swait.ge [sflag:s4], $0x0  }
0x19: {  	s7 =	sld [smem:$0x3F94]  }
0x1a: {  	s8 =	sadd.s32 $0xFFFFE003, lr  }
0x1b: {  	s9 =	sadd.s32 $0xFFFFFEF7, lr;
	s5 =	simm.s32 $0xFFFFFFFF;
	p2 =	slt.u32 s8, $0xFFFFF086  }
0x1c: {  	p1 =	slt.u32 s9, $0xF7A;
	s5 =	simm.s32 @!p2 $0x0  }
0x1d: {  	s5 =	simm.s32 @p1 $0x1;
	p0 =	seq.s32 s7, s2  }
0x1e: {  	s7 =	smul.u32 @!p0 $0xF7A, s2;
	p2 =	seq.s32 @!p0 s5, $0x0  }
0x1f: {  	s9 =	smul.u32 $0xF7A, s1;
	s8 =	simm.s32 @!p0 $0x1BF5;
	p2 =	por !p2, p0  }
0x20: {  	[sflag:s8] =	ssyncset.s32 @!p0 $0xFFFFF086;
	s6 =	sadd.s32 @!p0 s3, s7;
	s7 =	simm.s32 @!p0 $0x108  }
0x21: {  	s3 =	sadd.s32 s3, s9;
	s6 =	sadd.s32 @!p0 $0x88, s6;
	s7 =	simm.s32 @p2 $0x1082  }
0x22: {  	[simem:s7], [sflag:s8] =	dma.local @!p0 [hbm:s6], $0xF7A  }
0x23: {  	s9 =	sor.u32 $0xD0000000, s2;
	s6 =	simm.s32 $0x108;
	_ =	swait.ge @!p0 [sflag:s8], $0x0  }
0x24: {  	s3 =	sadd.s32 $0x88, s3;
	s6 =	simm.s32 @!p1 $0x1082;
	[sflag:s4] =	ssyncset.s32 $0xFFFFF086  }
0x25: {  	[simem:s6], [sflag:s4] =	dma.local [hbm:s3], $0xF7A  }
0x26: {  	[smem:$0x3F94] =	sst s1;
	(tag) =	ssettag s2;
	_ =	strace s9  }
0x27: {  	s1 =	sld [smem:$0x3FA4]  }
0x28: {  	s2 =	sld [smem:$0x3FA5]  }
0x29: {  	s4 =	sld [smem:$0x3FA7]  }
0x2a: {  	p0 =	seq.s32 s5, $0x0;
	s5 =	sld [smem:$0x3FA8]  }
0x2b: {  	s6 =	sld [smem:$0x3FA9]  }
0x2c: {  	s7 =	sld [smem:$0x3FAA]  }
0x2d: {  	s3 =	simm.s32 $0x108;
	s8 =	sld [smem:$0x3FAB]  }
0x2e: {  	s3 =	simm.s32 @!p0 $0x1082;
	s9 =	sld [smem:$0x3FAC]  }
0x2f: {  	lr =	sadd.s32 s0, s3;
	s0 =	sld [smem:$0x3FA3]  }
0x30: {  	s3 =	sld [smem:$0x3FA6]  }
0x31: {  	[smem:$0x3FAF] =	sst s10  }
0x32: {  	s10 =	sld [smem:$0x3FAD];
	_ =	sdelay $0x3  }
0x33: {  	p0 =	seq.s32 s10, $0x1;
	s10 =	sld [smem:$0x3FAF];
	_ =	sdelay $0x3  }
0x34: {  	[smem:$0x3FAF] =	sst s10  }
0x35: {  	s10 =	sld [smem:$0x3FAE];
	_ =	sdelay $0x3  }
0x36: {  	p1 =	seq.s32 s10, $0x1;
	s10 =	sld [smem:$0x3FAF];
	_ =	sdelay $0x3  }
0x37: {  	[smem:$0x3FAF] =	sst s10  }
0x38: {  	s10 =	sld [smem:$0x3FB0]  }
0x39: {  	_ = 	snop;
	(pc) =	sbr.ind lr, $3  }
0x3a: {  	_ = 	snop  }
0x3b: {  	_ = 	snop  }
0x3c: {  	p2 =	seq.s32 s10, $0x1;
	s10 =	sld [smem:$0x3FAF]  }
0x3d: {  	_ =	shalt  }
0x3e: {  	_ =	shalt  }
0x3f: {  	_ =	shalt  }
0x40: {  	_ =	shalt  }
0x41: {  	_ =	shalt  }
0x42: {  	_ =	shalt  }
0x43: {  	_ =	shalt  }
0x44: {  	_ =	shalt  }
0x45: {  	_ =	shalt  }
0x46: {  	_ =	shalt  }
0x47: {  	_ =	shalt  }
0x48: {  	_ =	shalt  }
0x49: {  	_ =	shalt  }
0x4a: {  	_ =	shalt  }
0x4b: {  	_ =	shalt  }
0x4c: {  	_ =	shalt  }
0x4d: {  	_ =	shalt  }
0x4e: {  	_ =	shalt  }
0x4f: {  	_ =	shalt  }
0x50: {  	_ =	shalt  }
0x51: {  	_ =	shalt  }
0x52: {  	_ =	shalt  }
0x53: {  	_ =	shalt  }
0x54: {  	_ =	shalt  }
0x55: {  	_ =	shalt  }
0x56: {  	_ =	shalt  }
0x57: {  	_ =	shalt  }
0x58: {  	_ =	shalt  }
0x59: {  	_ =	shalt  }
0x5a: {  	_ =	shalt  }
0x5b: {  	_ =	shalt  }
0x5c: {  	_ =	shalt  }
0x5d: {  	_ =	shalt  }
0x5e: {  	_ =	shalt  }
0x5f: {  	_ =	shalt  }
0x60: {  	_ =	shalt  }
0x61: {  	_ =	shalt  }
0x62: {  	_ =	shalt  }
0x63: {  	_ =	shalt  }
0x64: {  	_ =	shalt  }
0x65: {  	_ =	shalt  }
0x66: {  	_ =	shalt  }
0x67: {  	_ =	shalt  }
0x68: {  	_ =	shalt  }
0x69: {  	_ =	shalt  }
0x6a: {  	_ =	shalt  }
0x6b: {  	_ =	shalt  }
0x6c: {  	_ =	shalt  }
0x6d: {  	_ =	shalt  }
0x6e: {  	_ =	shalt  }
0x6f: {  	_ =	shalt  }
0x70: {  	_ =	shalt  }
0x71: {  	_ =	shalt  }
0x72: {  	_ =	shalt  }
0x73: {  	_ =	shalt  }
0x74: {  	_ =	shalt  }
0x75: {  	_ =	shalt  }
0x76: {  	_ =	shalt  }
0x77: {  	_ =	shalt  }
0x78: {  	_ =	shalt  }
0x79: {  	_ =	shalt  }
0x7a: {  	_ =	shalt  }
0x7b: {  	_ =	shalt  }
0x7c: {  	_ =	shalt  }
0x7d: {  	_ =	shalt  }
0x7e: {  	_ =	shalt  }
0x7f: {  	_ =	shalt  }
0x80: {  	_ =	shalt  }
0x81: {  	_ =	shalt  }
0x82: {  	_ =	shalt  }
0x83: {  	_ =	shalt  }
0x84: {  	_ =	shalt  }
0x85: {  	_ =	shalt  }
0x86: {  	_ =	shalt  }
0x87: {  	_ =	shalt  }
.Lfunc_end0:
.L_simem_size_0:
called_computation.1_lowered:
.L_overlay_start_0:
0x88: {  	s2 =	sld [smem:$0x3FD9]  }
0x89: {  	s3 =	sld [smem:$0x3FFE];
	_ =	sdelay $0x1  }
0x8a: {  	s1 =	srdreg.scid  }
0x8b: {  	s0 =	sand.u32 $0x1, s1  }
0x8c: {  	s16 =	sshll.u32 s0, $0xA;
	s2 =	sadd.s32 s3, s2  }
0x8d: {  	s2 =	sadd.s32 s2, s16  }
0x8e: {  	[smem:$0x3FBB] =	sst s2  }
0x8f: {  	_ = 	snop  }
0x90: {  	(tm) =	ssettm $0x1  }
0x91: {  	s17 =	sld [smem:$0x3FFB];
	_ =	sdelay $0x3  }
0x92: {  	_ =	strace s17  }
0x93: {  	s2 =	sld [smem:$0x3FFC];
	_ =	sdelay $0x3  }
0x94: {  	_ =	strace s2  }
0x95: {  	s2 =	sld [smem:$0x3FFD];
	_ =	sdelay $0x3  }
0x96: {  	_ =	strace s2  }
0x97: {  	_ =	strace $0x8FFFFFFF  }
0x98: {  	s18 =	sld [smem:$0x3FDB];
	_ =	sdelay $0x1  }
0x99: {  	s19 =	simm.s32 $_scs_section_size  }
0x9a: {  	s4 =	simm.s32 $_size__tile_overlayer_lowered;
	s5 =	simm.s32 $_tile_overlayer_lowered  }
0x9b: {  	s22 =	simm.s32 $0x1BFF;
	s21 =	sshll.u32 s5, $0x1;
	s2 =	sadd.s32 s19, s18  }
0x9c: {  	s6 =	simm.s32 $0x0;
	s20 =	sshll.u32 s4, $0x1;
	s4 =	sadd.s32 s21, s2  }
0x9d: {  	[timem:s6], [sflag:s22] =	dma.local [hbm:s4], s20  }
0x9e: {  	_ =	swait.ge [sflag:s22], s20  }
0x9f: {  	s3 =	ssub.s32 $0x0, s20;
	[sflag:s22] =	ssyncset.done $0x0  }
0xa0: {  	[sflag:s22] =	ssyncadd.s32 s3;
	_ =	sdelay $0x1  }
0xa1: {  	s23 =	simm.s32 $0x1B8B  }
0xa2: {  	_ =	swait.ge [sflag:s23], $0x1  }
0xa3: {  	[sflag:s23] =	ssyncset.done $0x0  }
0xa4: {  	s25 =	simm.s32 $0x1B8E;
	s24 =	sld [smem:$0x3FFE];
	[sflag:s23] =	ssyncadd.s32 $0xFFFFFFFF  }
0xa5: {  	s26 =	simm.s32 $execute0_lowered;
	[smem:$0x3FD2] =	sst s25  }
0xa6: {  	s4 =	sshll.u32 s26, $0x1;
	_ =	strace $0x80000049;
	[dreg:$0x1] =	wrdreg $0xFFFFFFFF  }
0xa7: {  	s28 =	simm.s32 $_size_execute0_lowered;
	s2 =	sadd.s32 s2, s4;
	[dreg:$0x0] =	wrdreg $0x0  }
0xa8: {  	s4 =	sshll.u32 s28, $0x1;
	[dreg:$0x2] =	wrdreg s2  }
0xa9: {  	[dreg:$0x3] =	wrdreg s4  }
0xaa: {  	[dreg:$0x4] =	wrdreg $0xC0  }
0xab: {  	_ =	task [dreg:s6], $0x5FFFF  }
0xac: {  	[dreg:$0x1] =	wrdreg $0xFFFFFFFF  }
0xad: {  	[dreg:$0x0] =	wrdreg $0x60  }
0xae: {  	[dreg:$0x2] =	wrdreg s24  }
0xaf: {  	[dreg:$0x3] =	wrdreg $0x61000  }
0xb0: {  	[dreg:$0x4] =	wrdreg $0x9  }
0xb1: {  	_ =	task.clear_ibuf [dreg:s6], $0x5FFFF;
	_ =	strace $0x90000049  }
0xb2: {  	s29 =	simm.s32 $0x9;
	_ =	strace $0x8000004B  }
0xb3: {  	_ =	swait.ge [sflag:s29], $0x1  }
0xb4: {  	[sflag:s29] =	ssyncadd.s32 $0xFFFFFFFF  }
0xb5: {  	_ =	strace $0x9000004B  }
0xb6: {  	_ =	sfence  }
0xb7: {  	s30 =	sld [smem:$0x0];
	_ =	sdelay $0x2  }
0xb8: {  	s31 =	sshll.u32 s1, $0xD;
	s1 =	sshrl.u32 s1, $0x2  }
0xb9: {  	s3 =	sand.u32 $0x4000, s31;
	s1 =	sadd.s32 s1, s30  }
0xba: {  	s0 =	sor.u32 s3, s0;
	s1 =	sshll.u32 s1, $0x11  }
0xbb: {  	s0 =	sor.u32 s1, s0  }
0xbc: {  	s0 =	sadd.s32 $0x8F2B, s0  }
0xbd: {  	[sflag:s0] =	ssyncadd.remote.s32 $0x1  }
0xbe: {  	_ =	sfence.sel $0xFFFF  }
0xbf: {  	[dreg:$0x0] =	wrdreg $0xFFFFFFFF;
	(pc) =	sbr.abs _section_cstart, $3  }
0xc0: {  	[dreg:$0x1] =	wrdreg $0xFFFFFFFF  }
0xc1: {  	_ =	task.clear_ibuf [dreg:s6], $0x2FFFF;
	_ =	strace $0x9FFFFFFF  }
0xc2: {  	(tm) =	ssettm $0x7FFFFFFF  }
0xc3: {  	_ =	shalt  }
tec
execute0_lowered:
.L_overlay_start_1:
0x0: {  	(tag) =	ssettag $0x1  }
0x1: {  	s5 =	rddreg [dreg:$0x0];
	s0 =	srdreg.scid  }
0x2: {  	s1 =	rddreg [dreg:$0x1];
	s3 =	simm.s32 $0x0;
	s2 =	stileid.u32  }
0x3: {  	s19 =	simm.s32 $0x4100;
	s20 =	simm.s32 $0x2;
	s21 =	simm.s32 $0x80  }
0x4: {  	s22 =	simm.s32 $0x100;
	s23 =	simm.s32 $0x1;
	s9 =	smul.u32 $0x14000, s2  }
0x5: {  	s6 =	sand.u32 $0x1, s0;
	s0 =	rddreg [dreg:$0x2];
	s10 =	smul.u32 $0x50000, s2  }
0x6: {  	s24 =	simm.s32 $0x0;
	[smem:$0x7FF] =	sst s3;
	s7 =	smul.u32 $0x5100, s6  }
0x7: {  	s4 =	sadd.s32 $0xDE00, s5;
	s8 =	smul.u32 $0x140000, s6;
	s6 =	ssub.s32 $0x2, s6  }
0x8: {  	s17 =	smul.u32 $0x510, s2;
	_ =	strace $0x8000004A;
	s30 =	sshrl.u32 s6, $0x1  }
0x9: {  	s31 =	sshrl.u32 s10, $0x2;
	s16 =	sadd.s32 s7, s5;
	s29 =	sadd.s32 s9, s8  }
0xa: {  	s8 =	ssub.s32 s6, s30;
	s7 =	sshrl.u32 s29, $0x3;
	s18 =	sadd.s32 s17, s16  }
0xb: {  	s7 =	sadd.s32 s7, s5;
	s5 =	sadd.s32 s31, s1;
	s17 =	sadd.s32 $0x3C00, s18  }
0xc: {  	s18 =	sadd.s32 $0x5DE00, s18;
	s6 =	sadd.s32 $0x68000, s7;
	s7 =	smax.u32 s8, $0x1  }
0xd: {  	s8 =	sadd.s32 $0x2000, s5;
	s9 =	sadd.s32 $0x4000, s5;
	s10 =	sadd.s32 $0x6000, s5  }
0xe: {  	s11 =	sadd.s32 $0x8000, s5;
	s12 =	sadd.s32 $0xA000, s5;
	s13 =	sadd.s32 $0xC000, s5  }
0xf: {  	v0 =	vimm.f32 $0.0e+00;
	s14 =	sadd.s32 $0xE000, s5;
	s15 =	sadd.s32 $0x10000, s5;
	s16 =	sadd.s32 $0x12000, s5  }
.LBB2_1:
0x10: {  	s25 =	simm.s32 $0x0;
	s26 =	simm.s32 $0x200  }
.LBB2_2:
0x11: {  	p0 =	sne.s32 s26, $0x7E00;
	[tilespmem:s25+$0x4170] =	vst v0  }
0x12: {  	[tilespmem:s25+$0x4100] =	vst v0  }
0x13: {  	[tilespmem:s25+$0x4110] =	vst v0  }
.Ltmp0:
0x14: {  	[tilespmem:s25+$0x4120] =	vst v0;
	(pc) =	sbr.rel @p0 .LBB2_2-.Ltmp0, $4  }
0x15: {  	[tilespmem:s25+$0x4130] =	vst v0  }
0x16: {  	[tilespmem:s25+$0x4140] =	vst v0  }
0x17: {  	[tilespmem:s25+$0x4150] =	vst v0  }
0x18: {  	[tilespmem:s25+$0x4160] =	vst v0;
	s25 =	sshra.s32 s26, $0x2;
	s26 =	sadd.s32 $0x200, s26  }
0x19: {  	[tilespmem:s25+$0x4170] =	vst v0  }
0x1a: {  	[tilespmem:s25+$0x4100] =	vst v0  }
0x1b: {  	[tilespmem:s25+$0x4110] =	vst v0  }
0x1c: {  	[tilespmem:s25+$0x4120] =	vst v0  }
0x1d: {  	[tilespmem:s25+$0x4130] =	vst v0  }
0x1e: {  	[tilespmem:s25+$0x4140] =	vst v0  }
0x1f: {  	[tilespmem:s25+$0x4150] =	vst v0  }
0x20: {  	[tilespmem:s25+$0x4160] =	vst v0  }
0x21: {  	[spmem:s5] =	stream.linear.scatter [tilespmem:s19], [sflag:$0x2], $0x2000, $0x38;
	[tilespmem:$0x1A100] =	vst v63  }
0x22: {  	_ =	swait.ge [sflag:s20], $0x2000  }
0x23: {  	[sflag:s20] =	ssyncset.done $0x0  }
0x24: {  	[sflag:s20] =	ssyncadd.s32 $0xFFFFE000  }
0x25: {  	[spmem:s8] =	stream.linear.scatter [tilespmem:s19], [sflag:$0x2], $0x2000, $0x38;
	[tilespmem:$0x1A100] =	vst v63  }
0x26: {  	_ =	swait.ge [sflag:s20], $0x2000  }
0x27: {  	[sflag:s20] =	ssyncset.done $0x0  }
0x28: {  	[sflag:s20] =	ssyncadd.s32 $0xFFFFE000  }
0x29: {  	[spmem:s9] =	stream.linear.scatter [tilespmem:s19], [sflag:$0x2], $0x2000, $0x38;
	[tilespmem:$0x1A100] =	vst v63  }
0x2a: {  	_ =	swait.ge [sflag:s20], $0x2000  }
0x2b: {  	[sflag:s20] =	ssyncset.done $0x0  }
0x2c: {  	[sflag:s20] =	ssyncadd.s32 $0xFFFFE000  }
0x2d: {  	[spmem:s10] =	stream.linear.scatter [tilespmem:s19], [sflag:$0x2], $0x2000, $0x38;
	[tilespmem:$0x1A100] =	vst v63  }
0x2e: {  	_ =	swait.ge [sflag:s20], $0x2000  }
0x2f: {  	[sflag:s20] =	ssyncset.done $0x0  }
0x30: {  	[sflag:s20] =	ssyncadd.s32 $0xFFFFE000  }
0x31: {  	[spmem:s11] =	stream.linear.scatter [tilespmem:s19], [sflag:$0x2], $0x2000, $0x38;
	[tilespmem:$0x1A100] =	vst v63  }
0x32: {  	_ =	swait.ge [sflag:s20], $0x2000  }
0x33: {  	[sflag:s20] =	ssyncset.done $0x0  }
0x34: {  	[sflag:s20] =	ssyncadd.s32 $0xFFFFE000  }
0x35: {  	[spmem:s12] =	stream.linear.scatter [tilespmem:s19], [sflag:$0x2], $0x2000, $0x38;
	[tilespmem:$0x1A100] =	vst v63  }
0x36: {  	_ =	swait.ge [sflag:s20], $0x2000  }
0x37: {  	[sflag:s20] =	ssyncset.done $0x0  }
0x38: {  	[sflag:s20] =	ssyncadd.s32 $0xFFFFE000  }
0x39: {  	[spmem:s13] =	stream.linear.scatter [tilespmem:s19], [sflag:$0x2], $0x2000, $0x38;
	[tilespmem:$0x1A100] =	vst v63  }
0x3a: {  	_ =	swait.ge [sflag:s20], $0x2000  }
0x3b: {  	[sflag:s20] =	ssyncset.done $0x0  }
0x3c: {  	[sflag:s20] =	ssyncadd.s32 $0xFFFFE000  }
0x3d: {  	[spmem:s14] =	stream.linear.scatter [tilespmem:s19], [sflag:$0x2], $0x2000, $0x38;
	[tilespmem:$0x1A100] =	vst v63  }
0x3e: {  	_ =	swait.ge [sflag:s20], $0x2000  }
0x3f: {  	[sflag:s20] =	ssyncset.done $0x0  }
0x40: {  	[sflag:s20] =	ssyncadd.s32 $0xFFFFE000  }
0x41: {  	[spmem:s15] =	stream.linear.scatter [tilespmem:s19], [sflag:$0x2], $0x2000, $0x38;
	[tilespmem:$0x1A100] =	vst v63  }
0x42: {  	_ =	swait.ge [sflag:s20], $0x2000  }
0x43: {  	[sflag:s20] =	ssyncset.done $0x0  }
0x44: {  	[sflag:s20] =	ssyncadd.s32 $0xFFFFE000  }
0x45: {  	[spmem:s16] =	stream.linear.scatter [tilespmem:s19], [sflag:$0x2], $0x2000, $0x38;
	[tilespmem:$0x1A100] =	vst v63  }
0x46: {  	_ =	swait.ge [sflag:s20], $0x2000  }
0x47: {  	[sflag:s20] =	ssyncset.done $0x0  }
0x48: {  	[sflag:s20] =	ssyncadd.s32 $0xFFFFE000  }
0x49: {  	s30 =	sadd.s32 $0x0, s18;
	[bflag:$0x0] =	sbarrier.arrive $0xFFFF  }
0x4a: {  	[tilespmem:s3], [sflag:$0x2] =	stream.linear.gather [hbm4b:s30+s3], $0x80, $0x38;
	[tilespmem:$0x1A100] =	vst v63  }
0x4b: {  	_ =	swait.ge [sflag:s20], $0x80  }
0x4c: {  	[sflag:s20] =	ssyncset.done $0x0  }
0x4d: {  	s31 =	sadd.s32 $0x0, s17;
	[sflag:s20] =	ssyncadd.s32 $0xFFFFFF80  }
0x4e: {  	[tilespmem:s21], [sflag:$0x2] =	stream.linear.gather [hbm4b:s31+s3], $0x80, $0x38;
	[tilespmem:$0x1A100] =	vst v63  }
0x4f: {  	_ =	swait.ge [sflag:s20], $0x80  }
0x50: {  	[sflag:s20] =	ssyncset.done $0x0  }
0x51: {  	[sflag:s20] =	ssyncadd.s32 $0xFFFFFF80  }
0x52: {  	[tilespmem:s22], [sflag:$0x1] =	stream.indirect.gather [hbm4b:s4+s21], $0x80, s3, s21, $0xb8;
	[tilespmem:$0x1A100] =	vst v63  }
0x53: {  	_ =	swait.ge [sflag:s23], $0x4000  }
0x54: {  	[sflag:s23] =	ssyncset.done $0x0  }
0x55: {  	[sflag:s23] =	ssyncadd.s32 $0xFFFFC000  }
0x56: {  	[spmem:s1] =	stream.indirect.scatter.add.f32 [tilespmem:s22], [sflag:$0x2], $0x80, s21, s21, $0xb8;
	[tilespmem:$0x1A100] =	vst v63  }
0x57: {  	_ =	swait.ge [sflag:s20], $0x4000  }
0x58: {  	s25 =	simm.s32 $0x10;
	s26 =	simm.s32 $0x20;
	[sflag:s20] =	ssyncset.done $0x0  }
.LBB2_4:
0x59: {  	s28 =	sadd.s32 s25, s18  }
0x5a: {  	[sflag:s20] =	ssyncadd.s32 $0xFFFFC000;
	s29 =	smov.u32 s26;
	s30 =	sadd.s32 $0x10, s26  }
0x5b: {  	[tilespmem:s3], [sflag:$0x2] =	stream.linear.gather [hbm4b:s28+s3], $0x80, $0x38;
	[tilespmem:$0x1A100] =	vst v63  }
0x5c: {  	p0 =	sne.s32 s26, $0x500;
	_ =	swait.ge [sflag:s20], $0x80  }
0x5d: {  	[sflag:s20] =	ssyncset.done $0x0  }
0x5e: {  	s26 =	sadd.s32 s25, s17;
	s25 =	smov.u32 s29;
	[sflag:s20] =	ssyncadd.s32 $0xFFFFFF80  }
0x5f: {  	[tilespmem:s21], [sflag:$0x2] =	stream.linear.gather [hbm4b:s26+s3], $0x80, $0x38;
	[tilespmem:$0x1A100] =	vst v63  }
0x60: {  	_ =	swait.ge [sflag:s20], $0x80  }
0x61: {  	[sflag:s20] =	ssyncset.done $0x0  }
0x62: {  	[sflag:s20] =	ssyncadd.s32 $0xFFFFFF80  }
0x63: {  	[tilespmem:s22], [sflag:$0x1] =	stream.indirect.gather [hbm4b:s4+s21], $0x80, s3, s21, $0xb8;
	[tilespmem:$0x1A100] =	vst v63  }
0x64: {  	_ =	swait.ge [sflag:s23], $0x4000  }
.Ltmp1:
0x65: {  	[sflag:s23] =	ssyncset.done $0x0;
	(pc) =	sbr.rel @p0 .LBB2_4-.Ltmp1, $4  }
0x66: {  	[sflag:s23] =	ssyncadd.s32 $0xFFFFC000  }
0x67: {  	[spmem:s1] =	stream.indirect.scatter.add.f32 [tilespmem:s22], [sflag:$0x2], $0x80, s21, s21, $0xb8;
	[tilespmem:$0x1A100] =	vst v63  }
0x68: {  	_ =	swait.ge [sflag:s20], $0x4000  }
0x69: {  	s26 =	smov.u32 s30;
	[sflag:s20] =	ssyncset.done $0x0  }
0x6a: {  	s26 =	sadd.s32 s25, s18;
	[sflag:s20] =	ssyncadd.s32 $0xFFFFC000  }
0x6b: {  	[tilespmem:s3], [sflag:$0x2] =	stream.linear.gather [hbm4b:s26+s3], $0x80, $0x38;
	[tilespmem:$0x1A100] =	vst v63  }
0x6c: {  	_ =	swait.ge [sflag:s20], $0x80  }
0x6d: {  	[sflag:s20] =	ssyncset.done $0x0  }
0x6e: {  	s29 =	sadd.s32 s25, s17;
	[sflag:s20] =	ssyncadd.s32 $0xFFFFFF80  }
0x6f: {  	[tilespmem:s21], [sflag:$0x2] =	stream.linear.gather [hbm4b:s29+s3], $0x80, $0x38;
	[tilespmem:$0x1A100] =	vst v63  }
0x70: {  	_ =	swait.ge [sflag:s20], $0x80  }
0x71: {  	[sflag:s20] =	ssyncset.done $0x0  }
0x72: {  	[sflag:s20] =	ssyncadd.s32 $0xFFFFFF80  }
0x73: {  	[tilespmem:s22], [sflag:$0x1] =	stream.indirect.gather [hbm4b:s4+s21], $0x80, s3, s21, $0xb8;
	[tilespmem:$0x1A100] =	vst v63  }
0x74: {  	_ =	swait.ge [sflag:s23], $0x4000  }
0x75: {  	[sflag:s23] =	ssyncset.done $0x0  }
0x76: {  	[sflag:s23] =	ssyncadd.s32 $0xFFFFC000  }
0x77: {  	[spmem:s1] =	stream.indirect.scatter.add.f32 [tilespmem:s22], [sflag:$0x2], $0x80, s21, s21, $0xb8;
	[tilespmem:$0x1A100] =	vst v63  }
0x78: {  	_ =	swait.ge [sflag:s20], $0x4000  }
0x79: {  	s30 =	sshll.u32 s2, $0x6;
	s24 =	sadd.s32 $0x1, s24;
	[sflag:s20] =	ssyncset.done $0x0  }
0x7a: {  	s31 =	sshrl.u32 s5, $0x3;
	p0 =	sne.s32 s24, s7;
	[sflag:s20] =	ssyncadd.s32 $0xFFFFC000  }
.Ltmp2:
0x7b: {  	s25 =	sor.u32 $0x1C02, s30;
	[bflag:$0x0] =	sbarrier.arrive $0xFFFF;
	(pc) =	sbr.rel @p0 .LBB2_1-.Ltmp2, $4  }
0x7c: {  	[hbm:s6], [sflag:s25] =	dma.local [spmem:s31], $0x2800  }
0x7d: {  	_ =	swait.ge [sflag:s20], $0x2800  }
0x7e: {  	[sflag:s20] =	ssyncset.done $0x0  }
0x7f: {  	[sflag:s20] =	ssyncadd.s32 $0xFFFFD800  }
0x80: {  	_ =	sfence.sel $0x180000  }
0x81: {  	[bflag:$0x0] =	sbarrier.arrive $0xFFFF  }
0x82: {  	p0 =	sne.s32 s2, $0x0;
	_ =	strace $0x9000004A  }
0x83: {  	s0 =	sadd.s32 @!p0 $0x100000, s0;
	[bflag:$0x2] =	sbarrier.arrive $0xFFFF  }
0x84: {  	[sflag:s0] =	ssyncadd.tile.s32 @!p0 $0x1;
	_ =	shalt  }
.Lfunc_end2:
_tile_overlayer_lowered:
.L_overlay_start_2:
0x85: {  	(tag) =	ssettag $0x2  }
0x86: {  	s0 =	rddreg [dreg:$0x0];
	s2 =	stileid.u32  }
0x87: {  	s1 =	rddreg [dreg:$0x1];
	p0 =	sne.s32 s2, $0x0  }
0x88: {  	s3 =	rddreg [dreg:$0x2];
	[bflag:$0x3] =	sbarrier.arrive $0xFFFF;
	s2 =	simm.s32 @!p0 $0x1C02  }
0x89: {  	[timem:s3], [sflag:s2] =	dma.local @!p0 [hbm:s0], s1  }
0x8a: {  	s0 =	simm.s32 @!p0 $0x2  }
0x8b: {  	_ =	swait.ge @!p0 [sflag:s0], s1  }
0x8c: {  	s1 =	ssub.s32 @!p0 $0x0, s1;
	[sflag:s0] =	ssyncset.done @!p0 $0x0  }
0x8d: {  	[sflag:s0] =	ssyncadd.s32 @!p0 s1  }
0x8e: {  	[bflag:$0x3] =	sbarrier.arrive $0xFFFF  }
0x8f: {  	_ =	shalt  }

// kernel: kernel.18.cloned.1.call-start
scs
__scs_entry_jumppad:
0x0: {  	(pc) =	sbr.rel $0x88, $3  }
0x1: {  	(tag) =	ssettag $0x0;
	lr =	simm.s32 $0x1  }
0x2: {  	[smem:$0x3F94] =	sst lr;
	_ =	strace $0xD0000000  }
0x3: {  	_ = 	snop  }
0x4: {  	_ = 	snop  }
0x5: {  	_ = 	snop  }
0x6: {  	_ = 	snop  }
0x7: {  	_ = 	snop  }
__scs_overlays_trampoline_lowered:
0x8: {  	[smem:$0x3FA3] =	sst s0  }
0x9: {  	[smem:$0x3FA4] =	sst s1  }
0xa: {  	[smem:$0x3FA5] =	sst s2  }
0xb: {  	[smem:$0x3FA6] =	sst s3  }
0xc: {  	[smem:$0x3FA7] =	sst s4  }
0xd: {  	[smem:$0x3FA8] =	sst s5  }
0xe: {  	[smem:$0x3FA9] =	sst s6  }
0xf: {  	[smem:$0x3FAA] =	sst s7  }
0x10: {  	[smem:$0x3FAB] =	sst s8  }
0x11: {  	[smem:$0x3FAC] =	sst s9;
	s0 =	simm.s32 @!p0 $0x0  }
0x12: {  	s1 =	sld [smem:$0x3F92];
	s0 =	simm.s32 @p0 $0x1  }
0x13: {  	[smem:$0x3FAD] =	sst s0;
	s0 =	simm.s32 @!p1 $0x0  }
0x14: {  	s2 =	sld [smem:$0x3F91];
	s0 =	simm.s32 @p1 $0x1  }
0x15: {  	[smem:$0x3FAE] =	sst s0;
	s0 =	simm.s32 @!p2 $0x0  }
0x16: {  	s3 =	sld [smem:$0x3FDB];
	s0 =	simm.s32 @p2 $0x1  }
0x17: {  	s4 =	simm.s32 $0x1BF5;
	[smem:$0x3FB0] =	sst s0  }
0x18: {  	s0 =	sld [smem:$0x3F93];
	_ =	swait.ge [sflag:s4], $0x0  }
0x19: {  	s7 =	sld [smem:$0x3F94]  }
0x1a: {  	s8 =	sadd.s32 $0xFFFFE003, lr  }
0x1b: {  	s9 =	sadd.s32 $0xFFFFFEF7, lr;
	s5 =	simm.s32 $0xFFFFFFFF;
	p2 =	slt.u32 s8, $0xFFFFF086  }
0x1c: {  	p1 =	slt.u32 s9, $0xF7A;
	s5 =	simm.s32 @!p2 $0x0  }
0x1d: {  	s5 =	simm.s32 @p1 $0x1;
	p0 =	seq.s32 s7, s2  }
0x1e: {  	s7 =	smul.u32 @!p0 $0xF7A, s2;
	p2 =	seq.s32 @!p0 s5, $0x0  }
0x1f: {  	s9 =	smul.u32 $0xF7A, s1;
	s8 =	simm.s32 @!p0 $0x1BF5;
	p2 =	por !p2, p0  }
0x20: {  	[sflag:s8] =	ssyncset.s32 @!p0 $0xFFFFF086;
	s6 =	sadd.s32 @!p0 s3, s7;
	s7 =	simm.s32 @!p0 $0x108  }
0x21: {  	s3 =	sadd.s32 s3, s9;
	s6 =	sadd.s32 @!p0 $0x88, s6;
	s7 =	simm.s32 @p2 $0x1082  }
0x22: {  	[simem:s7], [sflag:s8] =	dma.local @!p0 [hbm:s6], $0xF7A  }
0x23: {  	s9 =	sor.u32 $0xD0000000, s2;
	s6 =	simm.s32 $0x108;
	_ =	swait.ge @!p0 [sflag:s8], $0x0  }
0x24: {  	s3 =	sadd.s32 $0x88, s3;
	s6 =	simm.s32 @!p1 $0x1082;
	[sflag:s4] =	ssyncset.s32 $0xFFFFF086  }
0x25: {  	[simem:s6], [sflag:s4] =	dma.local [hbm:s3], $0xF7A  }
0x26: {  	[smem:$0x3F94] =	sst s1;
	(tag) =	ssettag s2;
	_ =	strace s9  }
0x27: {  	s1 =	sld [smem:$0x3FA4]  }
0x28: {  	s2 =	sld [smem:$0x3FA5]  }
0x29: {  	s4 =	sld [smem:$0x3FA7]  }
0x2a: {  	p0 =	seq.s32 s5, $0x0;
	s5 =	sld [smem:$0x3FA8]  }
0x2b: {  	s6 =	sld [smem:$0x3FA9]  }
0x2c: {  	s7 =	sld [smem:$0x3FAA]  }
0x2d: {  	s3 =	simm.s32 $0x108;
	s8 =	sld [smem:$0x3FAB]  }
0x2e: {  	s3 =	simm.s32 @!p0 $0x1082;
	s9 =	sld [smem:$0x3FAC]  }
0x2f: {  	lr =	sadd.s32 s0, s3;
	s0 =	sld [smem:$0x3FA3]  }
0x30: {  	s3 =	sld [smem:$0x3FA6]  }
0x31: {  	[smem:$0x3FAF] =	sst s10  }
0x32: {  	s10 =	sld [smem:$0x3FAD];
	_ =	sdelay $0x3  }
0x33: {  	p0 =	seq.s32 s10, $0x1;
	s10 =	sld [smem:$0x3FAF];
	_ =	sdelay $0x3  }
0x34: {  	[smem:$0x3FAF] =	sst s10  }
0x35: {  	s10 =	sld [smem:$0x3FAE];
	_ =	sdelay $0x3  }
0x36: {  	p1 =	seq.s32 s10, $0x1;
	s10 =	sld [smem:$0x3FAF];
	_ =	sdelay $0x3  }
0x37: {  	[smem:$0x3FAF] =	sst s10  }
0x38: {  	s10 =	sld [smem:$0x3FB0]  }
0x39: {  	_ = 	snop;
	(pc) =	sbr.ind lr, $3  }
0x3a: {  	_ = 	snop  }
0x3b: {  	_ = 	snop  }
0x3c: {  	p2 =	seq.s32 s10, $0x1;
	s10 =	sld [smem:$0x3FAF]  }
0x3d: {  	_ =	shalt  }
0x3e: {  	_ =	shalt  }
0x3f: {  	_ =	shalt  }
0x40: {  	_ =	shalt  }
0x41: {  	_ =	shalt  }
0x42: {  	_ =	shalt  }
0x43: {  	_ =	shalt  }
0x44: {  	_ =	shalt  }
0x45: {  	_ =	shalt  }
0x46: {  	_ =	shalt  }
0x47: {  	_ =	shalt  }
0x48: {  	_ =	shalt  }
0x49: {  	_ =	shalt  }
0x4a: {  	_ =	shalt  }
0x4b: {  	_ =	shalt  }
0x4c: {  	_ =	shalt  }
0x4d: {  	_ =	shalt  }
0x4e: {  	_ =	shalt  }
0x4f: {  	_ =	shalt  }
0x50: {  	_ =	shalt  }
0x51: {  	_ =	shalt  }
0x52: {  	_ =	shalt  }
0x53: {  	_ =	shalt  }
0x54: {  	_ =	shalt  }
0x55: {  	_ =	shalt  }
0x56: {  	_ =	shalt  }
0x57: {  	_ =	shalt  }
0x58: {  	_ =	shalt  }
0x59: {  	_ =	shalt  }
0x5a: {  	_ =	shalt  }
0x5b: {  	_ =	shalt  }
0x5c: {  	_ =	shalt  }
0x5d: {  	_ =	shalt  }
0x5e: {  	_ =	shalt  }
0x5f: {  	_ =	shalt  }
0x60: {  	_ =	shalt  }
0x61: {  	_ =	shalt  }
0x62: {  	_ =	shalt  }
0x63: {  	_ =	shalt  }
0x64: {  	_ =	shalt  }
0x65: {  	_ =	shalt  }
0x66: {  	_ =	shalt  }
0x67: {  	_ =	shalt  }
0x68: {  	_ =	shalt  }
0x69: {  	_ =	shalt  }
0x6a: {  	_ =	shalt  }
0x6b: {  	_ =	shalt  }
0x6c: {  	_ =	shalt  }
0x6d: {  	_ =	shalt  }
0x6e: {  	_ =	shalt  }
0x6f: {  	_ =	shalt  }
0x70: {  	_ =	shalt  }
0x71: {  	_ =	shalt  }
0x72: {  	_ =	shalt  }
0x73: {  	_ =	shalt  }
0x74: {  	_ =	shalt  }
0x75: {  	_ =	shalt  }
0x76: {  	_ =	shalt  }
0x77: {  	_ =	shalt  }
0x78: {  	_ =	shalt  }
0x79: {  	_ =	shalt  }
0x7a: {  	_ =	shalt  }
0x7b: {  	_ =	shalt  }
0x7c: {  	_ =	shalt  }
0x7d: {  	_ =	shalt  }
0x7e: {  	_ =	shalt  }
0x7f: {  	_ =	shalt  }
0x80: {  	_ =	shalt  }
0x81: {  	_ =	shalt  }
0x82: {  	_ =	shalt  }
0x83: {  	_ =	shalt  }
0x84: {  	_ =	shalt  }
0x85: {  	_ =	shalt  }
0x86: {  	_ =	shalt  }
0x87: {  	_ =	shalt  }
.Lfunc_end0:
.L_simem_size_0:
called_computation.2_lowered:
.L_overlay_start_0:
0x88: {  	s2 =	sld [smem:$0x3FD9]  }
0x89: {  	s3 =	sld [smem:$0x3FFE];
	_ =	sdelay $0x1  }
0x8a: {  	s1 =	srdreg.scid  }
0x8b: {  	s0 =	sand.u32 $0x1, s1  }
0x8c: {  	s16 =	sshll.u32 s0, $0xA;
	s2 =	sadd.s32 s3, s2  }
0x8d: {  	s2 =	sadd.s32 s2, s16  }
0x8e: {  	[smem:$0x3FBB] =	sst s2  }
0x8f: {  	_ = 	snop  }
0x90: {  	(tm) =	ssettm $0x1  }
0x91: {  	s17 =	sld [smem:$0x3FFB];
	_ =	sdelay $0x3  }
0x92: {  	_ =	strace s17  }
0x93: {  	s2 =	sld [smem:$0x3FFC];
	_ =	sdelay $0x3  }
0x94: {  	_ =	strace s2  }
0x95: {  	s2 =	sld [smem:$0x3FFD];
	_ =	sdelay $0x3  }
0x96: {  	_ =	strace s2  }
0x97: {  	_ =	strace $0x8FFFFFFF  }
0x98: {  	s18 =	sld [smem:$0x3FDB];
	_ =	sdelay $0x1  }
0x99: {  	s19 =	simm.s32 $_scs_section_size  }
0x9a: {  	s4 =	simm.s32 $_size__tile_overlayer_lowered;
	s5 =	simm.s32 $_tile_overlayer_lowered  }
0x9b: {  	s22 =	simm.s32 $0x1BFF;
	s21 =	sshll.u32 s5, $0x1;
	s2 =	sadd.s32 s19, s18  }
0x9c: {  	s6 =	simm.s32 $0x0;
	s20 =	sshll.u32 s4, $0x1;
	s4 =	sadd.s32 s21, s2  }
0x9d: {  	[timem:s6], [sflag:s22] =	dma.local [hbm:s4], s20  }
0x9e: {  	_ =	swait.ge [sflag:s22], s20  }
0x9f: {  	s3 =	ssub.s32 $0x0, s20;
	[sflag:s22] =	ssyncset.done $0x0  }
0xa0: {  	[sflag:s22] =	ssyncadd.s32 s3;
	_ =	sdelay $0x1  }
0xa1: {  	s23 =	simm.s32 $0x1B8B  }
0xa2: {  	_ =	swait.ge [sflag:s23], $0x1  }
0xa3: {  	[sflag:s23] =	ssyncset.done $0x0  }
0xa4: {  	s25 =	simm.s32 $0x1B8E;
	s24 =	sld [smem:$0x3FFE];
	[sflag:s23] =	ssyncadd.s32 $0xFFFFFFFF  }
0xa5: {  	s26 =	simm.s32 $execute0_lowered;
	[smem:$0x3FD2] =	sst s25  }
0xa6: {  	s4 =	sshll.u32 s26, $0x1;
	_ =	strace $0x8000004C;
	[dreg:$0x1] =	wrdreg $0xFFFFFFFF  }
0xa7: {  	s28 =	simm.s32 $_size_execute0_lowered;
	s2 =	sadd.s32 s2, s4;
	[dreg:$0x0] =	wrdreg $0x0  }
0xa8: {  	s4 =	sshll.u32 s28, $0x1;
	[dreg:$0x2] =	wrdreg s2  }
0xa9: {  	[dreg:$0x3] =	wrdreg s4  }
0xaa: {  	[dreg:$0x4] =	wrdreg $0xC0  }
0xab: {  	_ =	task [dreg:s6], $0x5FFFF  }
0xac: {  	[dreg:$0x1] =	wrdreg $0xFFFFFFFF  }
0xad: {  	[dreg:$0x0] =	wrdreg $0x60  }
0xae: {  	[dreg:$0x2] =	wrdreg s24  }
0xaf: {  	[dreg:$0x3] =	wrdreg $0x61000  }
0xb0: {  	[dreg:$0x4] =	wrdreg $0x9  }
0xb1: {  	_ =	task.clear_ibuf [dreg:s6], $0x5FFFF;
	_ =	strace $0x9000004C  }
0xb2: {  	s29 =	simm.s32 $0x9;
	_ =	strace $0x8000004E  }
0xb3: {  	_ =	swait.ge [sflag:s29], $0x1  }
0xb4: {  	[sflag:s29] =	ssyncadd.s32 $0xFFFFFFFF  }
0xb5: {  	_ =	strace $0x9000004E  }
0xb6: {  	_ =	sfence  }
0xb7: {  	s30 =	sld [smem:$0x0];
	_ =	sdelay $0x2  }
0xb8: {  	s31 =	sshll.u32 s1, $0xD;
	s1 =	sshrl.u32 s1, $0x2  }
0xb9: {  	s3 =	sand.u32 $0x4000, s31;
	s1 =	sadd.s32 s1, s30  }
0xba: {  	s0 =	sor.u32 s3, s0;
	s1 =	sshll.u32 s1, $0x11  }
0xbb: {  	s0 =	sor.u32 s1, s0  }
0xbc: {  	s0 =	sadd.s32 $0x8F2B, s0  }
0xbd: {  	[sflag:s0] =	ssyncadd.remote.s32 $0x1  }
0xbe: {  	_ =	sfence.sel $0xFFFF  }
0xbf: {  	[dreg:$0x0] =	wrdreg $0xFFFFFFFF;
	(pc) =	sbr.abs _section_cstart, $3  }
0xc0: {  	[dreg:$0x1] =	wrdreg $0xFFFFFFFF  }
0xc1: {  	_ =	task.clear_ibuf [dreg:s6], $0x2FFFF;
	_ =	strace $0x9FFFFFFF  }
0xc2: {  	(tm) =	ssettm $0x7FFFFFFF  }
0xc3: {  	_ =	shalt  }
tec
execute0_lowered:
.L_overlay_start_1:
0x0: {  	(tag) =	ssettag $0x1  }
0x1: {  	s5 =	rddreg [dreg:$0x0];
	s0 =	srdreg.scid  }
0x2: {  	s1 =	rddreg [dreg:$0x1];
	s3 =	simm.s32 $0x0;
	s2 =	stileid.u32  }
0x3: {  	s19 =	simm.s32 $0x4100;
	s20 =	simm.s32 $0x2;
	s21 =	simm.s32 $0x80  }
0x4: {  	s22 =	simm.s32 $0x100;
	s23 =	simm.s32 $0x1;
	s9 =	smul.u32 $0x14000, s2  }
0x5: {  	s6 =	sand.u32 $0x1, s0;
	s0 =	rddreg [dreg:$0x2];
	s10 =	smul.u32 $0x50000, s2  }
0x6: {  	s24 =	simm.s32 $0x0;
	[smem:$0x7FF] =	sst s3;
	s7 =	smul.u32 $0x5100, s6  }
0x7: {  	s4 =	sadd.s32 $0xDE00, s5;
	s8 =	smul.u32 $0x140000, s6;
	s6 =	ssub.s32 $0x2, s6  }
0x8: {  	s17 =	smul.u32 $0x510, s2;
	_ =	strace $0x8000004D;
	s30 =	sshrl.u32 s6, $0x1  }
0x9: {  	s31 =	sshrl.u32 s10, $0x2;
	s16 =	sadd.s32 s7, s5;
	s29 =	sadd.s32 s9, s8  }
0xa: {  	s8 =	ssub.s32 s6, s30;
	s7 =	sshrl.u32 s29, $0x3;
	s18 =	sadd.s32 s17, s16  }
0xb: {  	s7 =	sadd.s32 s7, s5;
	s5 =	sadd.s32 s31, s1;
	s17 =	sadd.s32 $0x3C00, s18  }
0xc: {  	s18 =	sadd.s32 $0x5DE00, s18;
	s6 =	sadd.s32 $0x68000, s7;
	s7 =	smax.u32 s8, $0x1  }
0xd: {  	s8 =	sadd.s32 $0x2000, s5;
	s9 =	sadd.s32 $0x4000, s5;
	s10 =	sadd.s32 $0x6000, s5  }
0xe: {  	s11 =	sadd.s32 $0x8000, s5;
	s12 =	sadd.s32 $0xA000, s5;
	s13 =	sadd.s32 $0xC000, s5  }
0xf: {  	v0 =	vimm.f32 $0.0e+00;
	s14 =	sadd.s32 $0xE000, s5;
	s15 =	sadd.s32 $0x10000, s5;
	s16 =	sadd.s32 $0x12000, s5  }
.LBB2_1:
0x10: {  	s25 =	simm.s32 $0x0;
	s26 =	simm.s32 $0x200  }
.LBB2_2:
0x11: {  	p0 =	sne.s32 s26, $0x7E00;
	[tilespmem:s25+$0x4170] =	vst v0  }
0x12: {  	[tilespmem:s25+$0x4100] =	vst v0  }
0x13: {  	[tilespmem:s25+$0x4110] =	vst v0  }
.Ltmp0:
0x14: {  	[tilespmem:s25+$0x4120] =	vst v0;
	(pc) =	sbr.rel @p0 .LBB2_2-.Ltmp0, $4  }
0x15: {  	[tilespmem:s25+$0x4130] =	vst v0  }
0x16: {  	[tilespmem:s25+$0x4140] =	vst v0  }
0x17: {  	[tilespmem:s25+$0x4150] =	vst v0  }
0x18: {  	[tilespmem:s25+$0x4160] =	vst v0;
	s25 =	sshra.s32 s26, $0x2;
	s26 =	sadd.s32 $0x200, s26  }
0x19: {  	[tilespmem:s25+$0x4170] =	vst v0  }
0x1a: {  	[tilespmem:s25+$0x4100] =	vst v0  }
0x1b: {  	[tilespmem:s25+$0x4110] =	vst v0  }
0x1c: {  	[tilespmem:s25+$0x4120] =	vst v0  }
0x1d: {  	[tilespmem:s25+$0x4130] =	vst v0  }
0x1e: {  	[tilespmem:s25+$0x4140] =	vst v0  }
0x1f: {  	[tilespmem:s25+$0x4150] =	vst v0  }
0x20: {  	[tilespmem:s25+$0x4160] =	vst v0  }
0x21: {  	[spmem:s5] =	stream.linear.scatter [tilespmem:s19], [sflag:$0x2], $0x2000, $0x38;
	[tilespmem:$0x1A100] =	vst v63  }
0x22: {  	_ =	swait.ge [sflag:s20], $0x2000  }
0x23: {  	[sflag:s20] =	ssyncset.done $0x0  }
0x24: {  	[sflag:s20] =	ssyncadd.s32 $0xFFFFE000  }
0x25: {  	[spmem:s8] =	stream.linear.scatter [tilespmem:s19], [sflag:$0x2], $0x2000, $0x38;
	[tilespmem:$0x1A100] =	vst v63  }
0x26: {  	_ =	swait.ge [sflag:s20], $0x2000  }
0x27: {  	[sflag:s20] =	ssyncset.done $0x0  }
0x28: {  	[sflag:s20] =	ssyncadd.s32 $0xFFFFE000  }
0x29: {  	[spmem:s9] =	stream.linear.scatter [tilespmem:s19], [sflag:$0x2], $0x2000, $0x38;
	[tilespmem:$0x1A100] =	vst v63  }
0x2a: {  	_ =	swait.ge [sflag:s20], $0x2000  }
0x2b: {  	[sflag:s20] =	ssyncset.done $0x0  }
0x2c: {  	[sflag:s20] =	ssyncadd.s32 $0xFFFFE000  }
0x2d: {  	[spmem:s10] =	stream.linear.scatter [tilespmem:s19], [sflag:$0x2], $0x2000, $0x38;
	[tilespmem:$0x1A100] =	vst v63  }
0x2e: {  	_ =	swait.ge [sflag:s20], $0x2000  }
0x2f: {  	[sflag:s20] =	ssyncset.done $0x0  }
0x30: {  	[sflag:s20] =	ssyncadd.s32 $0xFFFFE000  }
0x31: {  	[spmem:s11] =	stream.linear.scatter [tilespmem:s19], [sflag:$0x2], $0x2000, $0x38;
	[tilespmem:$0x1A100] =	vst v63  }
0x32: {  	_ =	swait.ge [sflag:s20], $0x2000  }
0x33: {  	[sflag:s20] =	ssyncset.done $0x0  }
0x34: {  	[sflag:s20] =	ssyncadd.s32 $0xFFFFE000  }
0x35: {  	[spmem:s12] =	stream.linear.scatter [tilespmem:s19], [sflag:$0x2], $0x2000, $0x38;
	[tilespmem:$0x1A100] =	vst v63  }
0x36: {  	_ =	swait.ge [sflag:s20], $0x2000  }
0x37: {  	[sflag:s20] =	ssyncset.done $0x0  }
0x38: {  	[sflag:s20] =	ssyncadd.s32 $0xFFFFE000  }
0x39: {  	[spmem:s13] =	stream.linear.scatter [tilespmem:s19], [sflag:$0x2], $0x2000, $0x38;
	[tilespmem:$0x1A100] =	vst v63  }
0x3a: {  	_ =	swait.ge [sflag:s20], $0x2000  }
0x3b: {  	[sflag:s20] =	ssyncset.done $0x0  }
0x3c: {  	[sflag:s20] =	ssyncadd.s32 $0xFFFFE000  }
0x3d: {  	[spmem:s14] =	stream.linear.scatter [tilespmem:s19], [sflag:$0x2], $0x2000, $0x38;
	[tilespmem:$0x1A100] =	vst v63  }
0x3e: {  	_ =	swait.ge [sflag:s20], $0x2000  }
0x3f: {  	[sflag:s20] =	ssyncset.done $0x0  }
0x40: {  	[sflag:s20] =	ssyncadd.s32 $0xFFFFE000  }
0x41: {  	[spmem:s15] =	stream.linear.scatter [tilespmem:s19], [sflag:$0x2], $0x2000, $0x38;
	[tilespmem:$0x1A100] =	vst v63  }
0x42: {  	_ =	swait.ge [sflag:s20], $0x2000  }
0x43: {  	[sflag:s20] =	ssyncset.done $0x0  }
0x44: {  	[sflag:s20] =	ssyncadd.s32 $0xFFFFE000  }
0x45: {  	[spmem:s16] =	stream.linear.scatter [tilespmem:s19], [sflag:$0x2], $0x2000, $0x38;
	[tilespmem:$0x1A100] =	vst v63  }
0x46: {  	_ =	swait.ge [sflag:s20], $0x2000  }
0x47: {  	[sflag:s20] =	ssyncset.done $0x0  }
0x48: {  	[sflag:s20] =	ssyncadd.s32 $0xFFFFE000  }
0x49: {  	s30 =	sadd.s32 $0x0, s18;
	[bflag:$0x0] =	sbarrier.arrive $0xFFFF  }
0x4a: {  	[tilespmem:s3], [sflag:$0x2] =	stream.linear.gather [hbm4b:s30+s3], $0x80, $0x38;
	[tilespmem:$0x1A100] =	vst v63  }
0x4b: {  	_ =	swait.ge [sflag:s20], $0x80  }
0x4c: {  	[sflag:s20] =	ssyncset.done $0x0  }
0x4d: {  	s31 =	sadd.s32 $0x0, s17;
	[sflag:s20] =	ssyncadd.s32 $0xFFFFFF80  }
0x4e: {  	[tilespmem:s21], [sflag:$0x2] =	stream.linear.gather [hbm4b:s31+s3], $0x80, $0x38;
	[tilespmem:$0x1A100] =	vst v63  }
0x4f: {  	_ =	swait.ge [sflag:s20], $0x80  }
0x50: {  	[sflag:s20] =	ssyncset.done $0x0  }
0x51: {  	[sflag:s20] =	ssyncadd.s32 $0xFFFFFF80  }
0x52: {  	[tilespmem:s22], [sflag:$0x1] =	stream.indirect.gather [hbm4b:s4+s21], $0x80, s3, s21, $0xb8;
	[tilespmem:$0x1A100] =	vst v63  }
0x53: {  	_ =	swait.ge [sflag:s23], $0x4000  }
0x54: {  	[sflag:s23] =	ssyncset.done $0x0  }
0x55: {  	[sflag:s23] =	ssyncadd.s32 $0xFFFFC000  }
0x56: {  	[spmem:s1] =	stream.indirect.scatter.add.f32 [tilespmem:s22], [sflag:$0x2], $0x80, s21, s21, $0xb8;
	[tilespmem:$0x1A100] =	vst v63  }
0x57: {  	_ =	swait.ge [sflag:s20], $0x4000  }
0x58: {  	s25 =	simm.s32 $0x10;
	s26 =	simm.s32 $0x20;
	[sflag:s20] =	ssyncset.done $0x0  }
.LBB2_4:
0x59: {  	s28 =	sadd.s32 s25, s18  }
0x5a: {  	[sflag:s20] =	ssyncadd.s32 $0xFFFFC000;
	s29 =	smov.u32 s26;
	s30 =	sadd.s32 $0x10, s26  }
0x5b: {  	[tilespmem:s3], [sflag:$0x2] =	stream.linear.gather [hbm4b:s28+s3], $0x80, $0x38;
	[tilespmem:$0x1A100] =	vst v63  }
0x5c: {  	p0 =	sne.s32 s26, $0x500;
	_ =	swait.ge [sflag:s20], $0x80  }
0x5d: {  	[sflag:s20] =	ssyncset.done $0x0  }
0x5e: {  	s26 =	sadd.s32 s25, s17;
	s25 =	smov.u32 s29;
	[sflag:s20] =	ssyncadd.s32 $0xFFFFFF80  }
0x5f: {  	[tilespmem:s21], [sflag:$0x2] =	stream.linear.gather [hbm4b:s26+s3], $0x80, $0x38;
	[tilespmem:$0x1A100] =	vst v63  }
0x60: {  	_ =	swait.ge [sflag:s20], $0x80  }
0x61: {  	[sflag:s20] =	ssyncset.done $0x0  }
0x62: {  	[sflag:s20] =	ssyncadd.s32 $0xFFFFFF80  }
0x63: {  	[tilespmem:s22], [sflag:$0x1] =	stream.indirect.gather [hbm4b:s4+s21], $0x80, s3, s21, $0xb8;
	[tilespmem:$0x1A100] =	vst v63  }
0x64: {  	_ =	swait.ge [sflag:s23], $0x4000  }
.Ltmp1:
0x65: {  	[sflag:s23] =	ssyncset.done $0x0;
	(pc) =	sbr.rel @p0 .LBB2_4-.Ltmp1, $4  }
0x66: {  	[sflag:s23] =	ssyncadd.s32 $0xFFFFC000  }
0x67: {  	[spmem:s1] =	stream.indirect.scatter.add.f32 [tilespmem:s22], [sflag:$0x2], $0x80, s21, s21, $0xb8;
	[tilespmem:$0x1A100] =	vst v63  }
0x68: {  	_ =	swait.ge [sflag:s20], $0x4000  }
0x69: {  	s26 =	smov.u32 s30;
	[sflag:s20] =	ssyncset.done $0x0  }
0x6a: {  	s26 =	sadd.s32 s25, s18;
	[sflag:s20] =	ssyncadd.s32 $0xFFFFC000  }
0x6b: {  	[tilespmem:s3], [sflag:$0x2] =	stream.linear.gather [hbm4b:s26+s3], $0x80, $0x38;
	[tilespmem:$0x1A100] =	vst v63  }
0x6c: {  	_ =	swait.ge [sflag:s20], $0x80  }
0x6d: {  	[sflag:s20] =	ssyncset.done $0x0  }
0x6e: {  	s29 =	sadd.s32 s25, s17;
	[sflag:s20] =	ssyncadd.s32 $0xFFFFFF80  }
0x6f: {  	[tilespmem:s21], [sflag:$0x2] =	stream.linear.gather [hbm4b:s29+s3], $0x80, $0x38;
	[tilespmem:$0x1A100] =	vst v63  }
0x70: {  	_ =	swait.ge [sflag:s20], $0x80  }
0x71: {  	[sflag:s20] =	ssyncset.done $0x0  }
0x72: {  	[sflag:s20] =	ssyncadd.s32 $0xFFFFFF80  }
0x73: {  	[tilespmem:s22], [sflag:$0x1] =	stream.indirect.gather [hbm4b:s4+s21], $0x80, s3, s21, $0xb8;
	[tilespmem:$0x1A100] =	vst v63  }
0x74: {  	_ =	swait.ge [sflag:s23], $0x4000  }
0x75: {  	[sflag:s23] =	ssyncset.done $0x0  }
0x76: {  	[sflag:s23] =	ssyncadd.s32 $0xFFFFC000  }
0x77: {  	[spmem:s1] =	stream.indirect.scatter.add.f32 [tilespmem:s22], [sflag:$0x2], $0x80, s21, s21, $0xb8;
	[tilespmem:$0x1A100] =	vst v63  }
0x78: {  	_ =	swait.ge [sflag:s20], $0x4000  }
0x79: {  	s30 =	sshll.u32 s2, $0x6;
	s24 =	sadd.s32 $0x1, s24;
	[sflag:s20] =	ssyncset.done $0x0  }
0x7a: {  	s31 =	sshrl.u32 s5, $0x3;
	p0 =	sne.s32 s24, s7;
	[sflag:s20] =	ssyncadd.s32 $0xFFFFC000  }
.Ltmp2:
0x7b: {  	s25 =	sor.u32 $0x1C02, s30;
	[bflag:$0x0] =	sbarrier.arrive $0xFFFF;
	(pc) =	sbr.rel @p0 .LBB2_1-.Ltmp2, $4  }
0x7c: {  	[hbm:s6], [sflag:s25] =	dma.local [spmem:s31], $0x2800  }
0x7d: {  	_ =	swait.ge [sflag:s20], $0x2800  }
0x7e: {  	[sflag:s20] =	ssyncset.done $0x0  }
0x7f: {  	[sflag:s20] =	ssyncadd.s32 $0xFFFFD800  }
0x80: {  	_ =	sfence.sel $0x180000  }
0x81: {  	[bflag:$0x0] =	sbarrier.arrive $0xFFFF  }
0x82: {  	p0 =	sne.s32 s2, $0x0;
	_ =	strace $0x9000004D  }
0x83: {  	s0 =	sadd.s32 @!p0 $0x100000, s0;
	[bflag:$0x2] =	sbarrier.arrive $0xFFFF  }
0x84: {  	[sflag:s0] =	ssyncadd.tile.s32 @!p0 $0x1;
	_ =	shalt  }
.Lfunc_end2:
_tile_overlayer_lowered:
.L_overlay_start_2:
0x85: {  	(tag) =	ssettag $0x2  }
0x86: {  	s0 =	rddreg [dreg:$0x0];
	s2 =	stileid.u32  }
0x87: {  	s1 =	rddreg [dreg:$0x1];
	p0 =	sne.s32 s2, $0x0  }
0x88: {  	s3 =	rddreg [dreg:$0x2];
	[bflag:$0x3] =	sbarrier.arrive $0xFFFF;
	s2 =	simm.s32 @!p0 $0x1C02  }
0x89: {  	[timem:s3], [sflag:s2] =	dma.local @!p0 [hbm:s0], s1  }
0x8a: {  	s0 =	simm.s32 @!p0 $0x2  }
0x8b: {  	_ =	swait.ge @!p0 [sflag:s0], s1  }
0x8c: {  	s1 =	ssub.s32 @!p0 $0x0, s1;
	[sflag:s0] =	ssyncset.done @!p0 $0x0  }
0x8d: {  	[sflag:s0] =	ssyncadd.s32 @!p0 s1  }
0x8e: {  	[bflag:$0x3] =	sbarrier.arrive $0xFFFF  }
0x8f: {  	_ =	shalt  }

// kernel: kernel.21.cloned.1.call-start
scs
__scs_entry_jumppad:
0x0: {  	(pc) =	sbr.rel $0x88, $3  }
0x1: {  	(tag) =	ssettag $0x0;
	lr =	simm.s32 $0x1  }
0x2: {  	[smem:$0x3F94] =	sst lr;
	_ =	strace $0xD0000000  }
0x3: {  	_ = 	snop  }
0x4: {  	_ = 	snop  }
0x5: {  	_ = 	snop  }
0x6: {  	_ = 	snop  }
0x7: {  	_ = 	snop  }
__scs_overlays_trampoline_lowered:
0x8: {  	[smem:$0x3FA3] =	sst s0  }
0x9: {  	[smem:$0x3FA4] =	sst s1  }
0xa: {  	[smem:$0x3FA5] =	sst s2  }
0xb: {  	[smem:$0x3FA6] =	sst s3  }
0xc: {  	[smem:$0x3FA7] =	sst s4  }
0xd: {  	[smem:$0x3FA8] =	sst s5  }
0xe: {  	[smem:$0x3FA9] =	sst s6  }
0xf: {  	[smem:$0x3FAA] =	sst s7  }
0x10: {  	[smem:$0x3FAB] =	sst s8  }
0x11: {  	[smem:$0x3FAC] =	sst s9;
	s0 =	simm.s32 @!p0 $0x0  }
0x12: {  	s1 =	sld [smem:$0x3F92];
	s0 =	simm.s32 @p0 $0x1  }
0x13: {  	[smem:$0x3FAD] =	sst s0;
	s0 =	simm.s32 @!p1 $0x0  }
0x14: {  	s2 =	sld [smem:$0x3F91];
	s0 =	simm.s32 @p1 $0x1  }
0x15: {  	[smem:$0x3FAE] =	sst s0;
	s0 =	simm.s32 @!p2 $0x0  }
0x16: {  	s3 =	sld [smem:$0x3FDB];
	s0 =	simm.s32 @p2 $0x1  }
0x17: {  	s4 =	simm.s32 $0x1BF5;
	[smem:$0x3FB0] =	sst s0  }
0x18: {  	s0 =	sld [smem:$0x3F93];
	_ =	swait.ge [sflag:s4], $0x0  }
0x19: {  	s7 =	sld [smem:$0x3F94]  }
0x1a: {  	s8 =	sadd.s32 $0xFFFFE003, lr  }
0x1b: {  	s9 =	sadd.s32 $0xFFFFFEF7, lr;
	s5 =	simm.s32 $0xFFFFFFFF;
	p2 =	slt.u32 s8, $0xFFFFF086  }
0x1c: {  	p1 =	slt.u32 s9, $0xF7A;
	s5 =	simm.s32 @!p2 $0x0  }
0x1d: {  	s5 =	simm.s32 @p1 $0x1;
	p0 =	seq.s32 s7, s2  }
0x1e: {  	s7 =	smul.u32 @!p0 $0xF7A, s2;
	p2 =	seq.s32 @!p0 s5, $0x0  }
0x1f: {  	s9 =	smul.u32 $0xF7A, s1;
	s8 =	simm.s32 @!p0 $0x1BF5;
	p2 =	por !p2, p0  }
0x20: {  	[sflag:s8] =	ssyncset.s32 @!p0 $0xFFFFF086;
	s6 =	sadd.s32 @!p0 s3, s7;
	s7 =	simm.s32 @!p0 $0x108  }
0x21: {  	s3 =	sadd.s32 s3, s9;
	s6 =	sadd.s32 @!p0 $0x88, s6;
	s7 =	simm.s32 @p2 $0x1082  }
0x22: {  	[simem:s7], [sflag:s8] =	dma.local @!p0 [hbm:s6], $0xF7A  }
0x23: {  	s9 =	sor.u32 $0xD0000000, s2;
	s6 =	simm.s32 $0x108;
	_ =	swait.ge @!p0 [sflag:s8], $0x0  }
0x24: {  	s3 =	sadd.s32 $0x88, s3;
	s6 =	simm.s32 @!p1 $0x1082;
	[sflag:s4] =	ssyncset.s32 $0xFFFFF086  }
0x25: {  	[simem:s6], [sflag:s4] =	dma.local [hbm:s3], $0xF7A  }
0x26: {  	[smem:$0x3F94] =	sst s1;
	(tag) =	ssettag s2;
	_ =	strace s9  }
0x27: {  	s1 =	sld [smem:$0x3FA4]  }
0x28: {  	s2 =	sld [smem:$0x3FA5]  }
0x29: {  	s4 =	sld [smem:$0x3FA7]  }
0x2a: {  	p0 =	seq.s32 s5, $0x0;
	s5 =	sld [smem:$0x3FA8]  }
0x2b: {  	s6 =	sld [smem:$0x3FA9]  }
0x2c: {  	s7 =	sld [smem:$0x3FAA]  }
0x2d: {  	s3 =	simm.s32 $0x108;
	s8 =	sld [smem:$0x3FAB]  }
0x2e: {  	s3 =	simm.s32 @!p0 $0x1082;
	s9 =	sld [smem:$0x3FAC]  }
0x2f: {  	lr =	sadd.s32 s0, s3;
	s0 =	sld [smem:$0x3FA3]  }
0x30: {  	s3 =	sld [smem:$0x3FA6]  }
0x31: {  	[smem:$0x3FAF] =	sst s10  }
0x32: {  	s10 =	sld [smem:$0x3FAD];
	_ =	sdelay $0x3  }
0x33: {  	p0 =	seq.s32 s10, $0x1;
	s10 =	sld [smem:$0x3FAF];
	_ =	sdelay $0x3  }
0x34: {  	[smem:$0x3FAF] =	sst s10  }
0x35: {  	s10 =	sld [smem:$0x3FAE];
	_ =	sdelay $0x3  }
0x36: {  	p1 =	seq.s32 s10, $0x1;
	s10 =	sld [smem:$0x3FAF];
	_ =	sdelay $0x3  }
0x37: {  	[smem:$0x3FAF] =	sst s10  }
0x38: {  	s10 =	sld [smem:$0x3FB0]  }
0x39: {  	_ = 	snop;
	(pc) =	sbr.ind lr, $3  }
0x3a: {  	_ = 	snop  }
0x3b: {  	_ = 	snop  }
0x3c: {  	p2 =	seq.s32 s10, $0x1;
	s10 =	sld [smem:$0x3FAF]  }
0x3d: {  	_ =	shalt  }
0x3e: {  	_ =	shalt  }
0x3f: {  	_ =	shalt  }
0x40: {  	_ =	shalt  }
0x41: {  	_ =	shalt  }
0x42: {  	_ =	shalt  }
0x43: {  	_ =	shalt  }
0x44: {  	_ =	shalt  }
0x45: {  	_ =	shalt  }
0x46: {  	_ =	shalt  }
0x47: {  	_ =	shalt  }
0x48: {  	_ =	shalt  }
0x49: {  	_ =	shalt  }
0x4a: {  	_ =	shalt  }
0x4b: {  	_ =	shalt  }
0x4c: {  	_ =	shalt  }
0x4d: {  	_ =	shalt  }
0x4e: {  	_ =	shalt  }
0x4f: {  	_ =	shalt  }
0x50: {  	_ =	shalt  }
0x51: {  	_ =	shalt  }
0x52: {  	_ =	shalt  }
0x53: {  	_ =	shalt  }
0x54: {  	_ =	shalt  }
0x55: {  	_ =	shalt  }
0x56: {  	_ =	shalt  }
0x57: {  	_ =	shalt  }
0x58: {  	_ =	shalt  }
0x59: {  	_ =	shalt  }
0x5a: {  	_ =	shalt  }
0x5b: {  	_ =	shalt  }
0x5c: {  	_ =	shalt  }
0x5d: {  	_ =	shalt  }
0x5e: {  	_ =	shalt  }
0x5f: {  	_ =	shalt  }
0x60: {  	_ =	shalt  }
0x61: {  	_ =	shalt  }
0x62: {  	_ =	shalt  }
0x63: {  	_ =	shalt  }
0x64: {  	_ =	shalt  }
0x65: {  	_ =	shalt  }
0x66: {  	_ =	shalt  }
0x67: {  	_ =	shalt  }
0x68: {  	_ =	shalt  }
0x69: {  	_ =	shalt  }
0x6a: {  	_ =	shalt  }
0x6b: {  	_ =	shalt  }
0x6c: {  	_ =	shalt  }
0x6d: {  	_ =	shalt  }
0x6e: {  	_ =	shalt  }
0x6f: {  	_ =	shalt  }
0x70: {  	_ =	shalt  }
0x71: {  	_ =	shalt  }
0x72: {  	_ =	shalt  }
0x73: {  	_ =	shalt  }
0x74: {  	_ =	shalt  }
0x75: {  	_ =	shalt  }
0x76: {  	_ =	shalt  }
0x77: {  	_ =	shalt  }
0x78: {  	_ =	shalt  }
0x79: {  	_ =	shalt  }
0x7a: {  	_ =	shalt  }
0x7b: {  	_ =	shalt  }
0x7c: {  	_ =	shalt  }
0x7d: {  	_ =	shalt  }
0x7e: {  	_ =	shalt  }
0x7f: {  	_ =	shalt  }
0x80: {  	_ =	shalt  }
0x81: {  	_ =	shalt  }
0x82: {  	_ =	shalt  }
0x83: {  	_ =	shalt  }
0x84: {  	_ =	shalt  }
0x85: {  	_ =	shalt  }
0x86: {  	_ =	shalt  }
0x87: {  	_ =	shalt  }
.Lfunc_end0:
.L_simem_size_0:
called_computation.3_lowered:
.L_overlay_start_0:
0x88: {  	s2 =	sld [smem:$0x3FD9]  }
0x89: {  	s3 =	sld [smem:$0x3FFE];
	_ =	sdelay $0x1  }
0x8a: {  	s1 =	srdreg.scid  }
0x8b: {  	s0 =	sand.u32 $0x1, s1  }
0x8c: {  	s16 =	sshll.u32 s0, $0xA;
	s2 =	sadd.s32 s3, s2  }
0x8d: {  	s2 =	sadd.s32 s2, s16  }
0x8e: {  	[smem:$0x3FBB] =	sst s2  }
0x8f: {  	_ = 	snop  }
0x90: {  	(tm) =	ssettm $0x1  }
0x91: {  	s17 =	sld [smem:$0x3FFB];
	_ =	sdelay $0x3  }
0x92: {  	_ =	strace s17  }
0x93: {  	s2 =	sld [smem:$0x3FFC];
	_ =	sdelay $0x3  }
0x94: {  	_ =	strace s2  }
0x95: {  	s2 =	sld [smem:$0x3FFD];
	_ =	sdelay $0x3  }
0x96: {  	_ =	strace s2  }
0x97: {  	_ =	strace $0x8FFFFFFF  }
0x98: {  	s18 =	sld [smem:$0x3FDB];
	_ =	sdelay $0x1  }
0x99: {  	s19 =	simm.s32 $_scs_section_size  }
0x9a: {  	s4 =	simm.s32 $_size__tile_overlayer_lowered;
	s5 =	simm.s32 $_tile_overlayer_lowered  }
0x9b: {  	s22 =	simm.s32 $0x1BFF;
	s21 =	sshll.u32 s5, $0x1;
	s2 =	sadd.s32 s19, s18  }
0x9c: {  	s6 =	simm.s32 $0x0;
	s20 =	sshll.u32 s4, $0x1;
	s4 =	sadd.s32 s21, s2  }
0x9d: {  	[timem:s6], [sflag:s22] =	dma.local [hbm:s4], s20  }
0x9e: {  	_ =	swait.ge [sflag:s22], s20  }
0x9f: {  	s3 =	ssub.s32 $0x0, s20;
	[sflag:s22] =	ssyncset.done $0x0  }
0xa0: {  	[sflag:s22] =	ssyncadd.s32 s3;
	_ =	sdelay $0x1  }
0xa1: {  	s23 =	simm.s32 $0x1B8B  }
0xa2: {  	_ =	swait.ge [sflag:s23], $0x1  }
0xa3: {  	[sflag:s23] =	ssyncset.done $0x0  }
0xa4: {  	s25 =	simm.s32 $0x1B8E;
	s24 =	sld [smem:$0x3FFE];
	[sflag:s23] =	ssyncadd.s32 $0xFFFFFFFF  }
0xa5: {  	s26 =	simm.s32 $execute0_lowered;
	[smem:$0x3FD2] =	sst s25  }
0xa6: {  	s4 =	sshll.u32 s26, $0x1;
	_ =	strace $0x8000004F;
	[dreg:$0x1] =	wrdreg $0xFFFFFFFF  }
0xa7: {  	s28 =	simm.s32 $_size_execute0_lowered;
	s2 =	sadd.s32 s2, s4;
	[dreg:$0x0] =	wrdreg $0x0  }
0xa8: {  	s4 =	sshll.u32 s28, $0x1;
	[dreg:$0x2] =	wrdreg s2  }
0xa9: {  	[dreg:$0x3] =	wrdreg s4  }
0xaa: {  	[dreg:$0x4] =	wrdreg $0xC0  }
0xab: {  	_ =	task [dreg:s6], $0x5FFFF  }
0xac: {  	[dreg:$0x1] =	wrdreg $0xFFFFFFFF  }
0xad: {  	[dreg:$0x0] =	wrdreg $0x60  }
0xae: {  	[dreg:$0x2] =	wrdreg s24  }
0xaf: {  	[dreg:$0x3] =	wrdreg $0x61000  }
0xb0: {  	[dreg:$0x4] =	wrdreg $0x9  }
0xb1: {  	_ =	task.clear_ibuf [dreg:s6], $0x5FFFF;
	_ =	strace $0x9000004F  }
0xb2: {  	s29 =	simm.s32 $0x9;
	_ =	strace $0x80000051  }
0xb3: {  	_ =	swait.ge [sflag:s29], $0x1  }
0xb4: {  	[sflag:s29] =	ssyncadd.s32 $0xFFFFFFFF  }
0xb5: {  	_ =	strace $0x90000051  }
0xb6: {  	_ =	sfence  }
0xb7: {  	s30 =	sld [smem:$0x0];
	_ =	sdelay $0x2  }
0xb8: {  	s31 =	sshll.u32 s1, $0xD;
	s1 =	sshrl.u32 s1, $0x2  }
0xb9: {  	s3 =	sand.u32 $0x4000, s31;
	s1 =	sadd.s32 s1, s30  }
0xba: {  	s0 =	sor.u32 s3, s0;
	s1 =	sshll.u32 s1, $0x11  }
0xbb: {  	s0 =	sor.u32 s1, s0  }
0xbc: {  	s0 =	sadd.s32 $0x8F2B, s0  }
0xbd: {  	[sflag:s0] =	ssyncadd.remote.s32 $0x1  }
0xbe: {  	_ =	sfence.sel $0xFFFF  }
0xbf: {  	[dreg:$0x0] =	wrdreg $0xFFFFFFFF;
	(pc) =	sbr.abs _section_cstart, $3  }
0xc0: {  	[dreg:$0x1] =	wrdreg $0xFFFFFFFF  }
0xc1: {  	_ =	task.clear_ibuf [dreg:s6], $0x2FFFF;
	_ =	strace $0x9FFFFFFF  }
0xc2: {  	(tm) =	ssettm $0x7FFFFFFF  }
0xc3: {  	_ =	shalt  }
tec
execute0_lowered:
.L_overlay_start_1:
0x0: {  	(tag) =	ssettag $0x1  }
0x1: {  	s5 =	rddreg [dreg:$0x0];
	s0 =	srdreg.scid  }
0x2: {  	s1 =	rddreg [dreg:$0x1];
	s3 =	simm.s32 $0x0;
	s2 =	stileid.u32  }
0x3: {  	s19 =	simm.s32 $0x4100;
	s20 =	simm.s32 $0x2;
	s21 =	simm.s32 $0x80  }
0x4: {  	s22 =	simm.s32 $0x100;
	s23 =	simm.s32 $0x1;
	s9 =	smul.u32 $0x14000, s2  }
0x5: {  	s6 =	sand.u32 $0x1, s0;
	s0 =	rddreg [dreg:$0x2];
	s10 =	smul.u32 $0x50000, s2  }
0x6: {  	s24 =	simm.s32 $0x0;
	[smem:$0x7FF] =	sst s3;
	s7 =	smul.u32 $0x5100, s6  }
0x7: {  	s4 =	sadd.s32 $0xDE00, s5;
	s8 =	smul.u32 $0x140000, s6;
	s6 =	ssub.s32 $0x2, s6  }
0x8: {  	s17 =	smul.u32 $0x510, s2;
	_ =	strace $0x80000050;
	s30 =	sshrl.u32 s6, $0x1  }
0x9: {  	s31 =	sshrl.u32 s10, $0x2;
	s16 =	sadd.s32 s7, s5;
	s29 =	sadd.s32 s9, s8  }
0xa: {  	s8 =	ssub.s32 s6, s30;
	s7 =	sshrl.u32 s29, $0x3;
	s18 =	sadd.s32 s17, s16  }
0xb: {  	s7 =	sadd.s32 s7, s5;
	s5 =	sadd.s32 s31, s1;
	s17 =	sadd.s32 $0x3C00, s18  }
0xc: {  	s18 =	sadd.s32 $0x5DE00, s18;
	s6 =	sadd.s32 $0x68000, s7;
	s7 =	smax.u32 s8, $0x1  }
0xd: {  	s8 =	sadd.s32 $0x2000, s5;
	s9 =	sadd.s32 $0x4000, s5;
	s10 =	sadd.s32 $0x6000, s5  }
0xe: {  	s11 =	sadd.s32 $0x8000, s5;
	s12 =	sadd.s32 $0xA000, s5;
	s13 =	sadd.s32 $0xC000, s5  }
0xf: {  	v0 =	vimm.f32 $0.0e+00;
	s14 =	sadd.s32 $0xE000, s5;
	s15 =	sadd.s32 $0x10000, s5;
	s16 =	sadd.s32 $0x12000, s5  }
.LBB2_1:
0x10: {  	s25 =	simm.s32 $0x0;
	s26 =	simm.s32 $0x200  }
.LBB2_2:
0x11: {  	p0 =	sne.s32 s26, $0x7E00;
	[tilespmem:s25+$0x4170] =	vst v0  }
0x12: {  	[tilespmem:s25+$0x4100] =	vst v0  }
0x13: {  	[tilespmem:s25+$0x4110] =	vst v0  }
.Ltmp0:
0x14: {  	[tilespmem:s25+$0x4120] =	vst v0;
	(pc) =	sbr.rel @p0 .LBB2_2-.Ltmp0, $4  }
0x15: {  	[tilespmem:s25+$0x4130] =	vst v0  }
0x16: {  	[tilespmem:s25+$0x4140] =	vst v0  }
0x17: {  	[tilespmem:s25+$0x4150] =	vst v0  }
0x18: {  	[tilespmem:s25+$0x4160] =	vst v0;
	s25 =	sshra.s32 s26, $0x2;
	s26 =	sadd.s32 $0x200, s26  }
0x19: {  	[tilespmem:s25+$0x4170] =	vst v0  }
0x1a: {  	[tilespmem:s25+$0x4100] =	vst v0  }
0x1b: {  	[tilespmem:s25+$0x4110] =	vst v0  }
0x1c: {  	[tilespmem:s25+$0x4120] =	vst v0  }
0x1d: {  	[tilespmem:s25+$0x4130] =	vst v0  }
0x1e: {  	[tilespmem:s25+$0x4140] =	vst v0  }
0x1f: {  	[tilespmem:s25+$0x4150] =	vst v0  }
0x20: {  	[tilespmem:s25+$0x4160] =	vst v0  }
0x21: {  	[spmem:s5] =	stream.linear.scatter [tilespmem:s19], [sflag:$0x2], $0x2000, $0x38;
	[tilespmem:$0x1A100] =	vst v63  }
0x22: {  	_ =	swait.ge [sflag:s20], $0x2000  }
0x23: {  	[sflag:s20] =	ssyncset.done $0x0  }
0x24: {  	[sflag:s20] =	ssyncadd.s32 $0xFFFFE000  }
0x25: {  	[spmem:s8] =	stream.linear.scatter [tilespmem:s19], [sflag:$0x2], $0x2000, $0x38;
	[tilespmem:$0x1A100] =	vst v63  }
0x26: {  	_ =	swait.ge [sflag:s20], $0x2000  }
0x27: {  	[sflag:s20] =	ssyncset.done $0x0  }
0x28: {  	[sflag:s20] =	ssyncadd.s32 $0xFFFFE000  }
0x29: {  	[spmem:s9] =	stream.linear.scatter [tilespmem:s19], [sflag:$0x2], $0x2000, $0x38;
	[tilespmem:$0x1A100] =	vst v63  }
0x2a: {  	_ =	swait.ge [sflag:s20], $0x2000  }
0x2b: {  	[sflag:s20] =	ssyncset.done $0x0  }
0x2c: {  	[sflag:s20] =	ssyncadd.s32 $0xFFFFE000  }
0x2d: {  	[spmem:s10] =	stream.linear.scatter [tilespmem:s19], [sflag:$0x2], $0x2000, $0x38;
	[tilespmem:$0x1A100] =	vst v63  }
0x2e: {  	_ =	swait.ge [sflag:s20], $0x2000  }
0x2f: {  	[sflag:s20] =	ssyncset.done $0x0  }
0x30: {  	[sflag:s20] =	ssyncadd.s32 $0xFFFFE000  }
0x31: {  	[spmem:s11] =	stream.linear.scatter [tilespmem:s19], [sflag:$0x2], $0x2000, $0x38;
	[tilespmem:$0x1A100] =	vst v63  }
0x32: {  	_ =	swait.ge [sflag:s20], $0x2000  }
0x33: {  	[sflag:s20] =	ssyncset.done $0x0  }
0x34: {  	[sflag:s20] =	ssyncadd.s32 $0xFFFFE000  }
0x35: {  	[spmem:s12] =	stream.linear.scatter [tilespmem:s19], [sflag:$0x2], $0x2000, $0x38;
	[tilespmem:$0x1A100] =	vst v63  }
0x36: {  	_ =	swait.ge [sflag:s20], $0x2000  }
0x37: {  	[sflag:s20] =	ssyncset.done $0x0  }
0x38: {  	[sflag:s20] =	ssyncadd.s32 $0xFFFFE000  }
0x39: {  	[spmem:s13] =	stream.linear.scatter [tilespmem:s19], [sflag:$0x2], $0x2000, $0x38;
	[tilespmem:$0x1A100] =	vst v63  }
0x3a: {  	_ =	swait.ge [sflag:s20], $0x2000  }
0x3b: {  	[sflag:s20] =	ssyncset.done $0x0  }
0x3c: {  	[sflag:s20] =	ssyncadd.s32 $0xFFFFE000  }
0x3d: {  	[spmem:s14] =	stream.linear.scatter [tilespmem:s19], [sflag:$0x2], $0x2000, $0x38;
	[tilespmem:$0x1A100] =	vst v63  }
0x3e: {  	_ =	swait.ge [sflag:s20], $0x2000  }
0x3f: {  	[sflag:s20] =	ssyncset.done $0x0  }
0x40: {  	[sflag:s20] =	ssyncadd.s32 $0xFFFFE000  }
0x41: {  	[spmem:s15] =	stream.linear.scatter [tilespmem:s19], [sflag:$0x2], $0x2000, $0x38;
	[tilespmem:$0x1A100] =	vst v63  }
0x42: {  	_ =	swait.ge [sflag:s20], $0x2000  }
0x43: {  	[sflag:s20] =	ssyncset.done $0x0  }
0x44: {  	[sflag:s20] =	ssyncadd.s32 $0xFFFFE000  }
0x45: {  	[spmem:s16] =	stream.linear.scatter [tilespmem:s19], [sflag:$0x2], $0x2000, $0x38;
	[tilespmem:$0x1A100] =	vst v63  }
0x46: {  	_ =	swait.ge [sflag:s20], $0x2000  }
0x47: {  	[sflag:s20] =	ssyncset.done $0x0  }
0x48: {  	[sflag:s20] =	ssyncadd.s32 $0xFFFFE000  }
0x49: {  	s30 =	sadd.s32 $0x0, s18;
	[bflag:$0x0] =	sbarrier.arrive $0xFFFF  }
0x4a: {  	[tilespmem:s3], [sflag:$0x2] =	stream.linear.gather [hbm4b:s30+s3], $0x80, $0x38;
	[tilespmem:$0x1A100] =	vst v63  }
0x4b: {  	_ =	swait.ge [sflag:s20], $0x80  }
0x4c: {  	[sflag:s20] =	ssyncset.done $0x0  }
0x4d: {  	s31 =	sadd.s32 $0x0, s17;
	[sflag:s20] =	ssyncadd.s32 $0xFFFFFF80  }
0x4e: {  	[tilespmem:s21], [sflag:$0x2] =	stream.linear.gather [hbm4b:s31+s3], $0x80, $0x38;
	[tilespmem:$0x1A100] =	vst v63  }
0x4f: {  	_ =	swait.ge [sflag:s20], $0x80  }
0x50: {  	[sflag:s20] =	ssyncset.done $0x0  }
0x51: {  	[sflag:s20] =	ssyncadd.s32 $0xFFFFFF80  }
0x52: {  	[tilespmem:s22], [sflag:$0x1] =	stream.indirect.gather [hbm4b:s4+s21], $0x80, s3, s21, $0xb8;
	[tilespmem:$0x1A100] =	vst v63  }
0x53: {  	_ =	swait.ge [sflag:s23], $0x4000  }
0x54: {  	[sflag:s23] =	ssyncset.done $0x0  }
0x55: {  	[sflag:s23] =	ssyncadd.s32 $0xFFFFC000  }
0x56: {  	[spmem:s1] =	stream.indirect.scatter.add.f32 [tilespmem:s22], [sflag:$0x2], $0x80, s21, s21, $0xb8;
	[tilespmem:$0x1A100] =	vst v63  }
0x57: {  	_ =	swait.ge [sflag:s20], $0x4000  }
0x58: {  	s25 =	simm.s32 $0x10;
	s26 =	simm.s32 $0x20;
	[sflag:s20] =	ssyncset.done $0x0  }
.LBB2_4:
0x59: {  	s28 =	sadd.s32 s25, s18  }
0x5a: {  	[sflag:s20] =	ssyncadd.s32 $0xFFFFC000;
	s29 =	smov.u32 s26;
	s30 =	sadd.s32 $0x10, s26  }
0x5b: {  	[tilespmem:s3], [sflag:$0x2] =	stream.linear.gather [hbm4b:s28+s3], $0x80, $0x38;
	[tilespmem:$0x1A100] =	vst v63  }
0x5c: {  	p0 =	sne.s32 s26, $0x500;
	_ =	swait.ge [sflag:s20], $0x80  }
0x5d: {  	[sflag:s20] =	ssyncset.done $0x0  }
0x5e: {  	s26 =	sadd.s32 s25, s17;
	s25 =	smov.u32 s29;
	[sflag:s20] =	ssyncadd.s32 $0xFFFFFF80  }
0x5f: {  	[tilespmem:s21], [sflag:$0x2] =	stream.linear.gather [hbm4b:s26+s3], $0x80, $0x38;
	[tilespmem:$0x1A100] =	vst v63  }
0x60: {  	_ =	swait.ge [sflag:s20], $0x80  }
0x61: {  	[sflag:s20] =	ssyncset.done $0x0  }
0x62: {  	[sflag:s20] =	ssyncadd.s32 $0xFFFFFF80  }
0x63: {  	[tilespmem:s22], [sflag:$0x1] =	stream.indirect.gather [hbm4b:s4+s21], $0x80, s3, s21, $0xb8;
	[tilespmem:$0x1A100] =	vst v63  }
0x64: {  	_ =	swait.ge [sflag:s23], $0x4000  }
.Ltmp1:
0x65: {  	[sflag:s23] =	ssyncset.done $0x0;
	(pc) =	sbr.rel @p0 .LBB2_4-.Ltmp1, $4  }
0x66: {  	[sflag:s23] =	ssyncadd.s32 $0xFFFFC000  }
0x67: {  	[spmem:s1] =	stream.indirect.scatter.add.f32 [tilespmem:s22], [sflag:$0x2], $0x80, s21, s21, $0xb8;
	[tilespmem:$0x1A100] =	vst v63  }
0x68: {  	_ =	swait.ge [sflag:s20], $0x4000  }
0x69: {  	s26 =	smov.u32 s30;
	[sflag:s20] =	ssyncset.done $0x0  }
0x6a: {  	s26 =	sadd.s32 s25, s18;
	[sflag:s20] =	ssyncadd.s32 $0xFFFFC000  }
0x6b: {  	[tilespmem:s3], [sflag:$0x2] =	stream.linear.gather [hbm4b:s26+s3], $0x80, $0x38;
	[tilespmem:$0x1A100] =	vst v63  }
0x6c: {  	_ =	swait.ge [sflag:s20], $0x80  }
0x6d: {  	[sflag:s20] =	ssyncset.done $0x0  }
0x6e: {  	s29 =	sadd.s32 s25, s17;
	[sflag:s20] =	ssyncadd.s32 $0xFFFFFF80  }
0x6f: {  	[tilespmem:s21], [sflag:$0x2] =	stream.linear.gather [hbm4b:s29+s3], $0x80, $0x38;
	[tilespmem:$0x1A100] =	vst v63  }
0x70: {  	_ =	swait.ge [sflag:s20], $0x80  }
0x71: {  	[sflag:s20] =	ssyncset.done $0x0  }
0x72: {  	[sflag:s20] =	ssyncadd.s32 $0xFFFFFF80  }
0x73: {  	[tilespmem:s22], [sflag:$0x1] =	stream.indirect.gather [hbm4b:s4+s21], $0x80, s3, s21, $0xb8;
	[tilespmem:$0x1A100] =	vst v63  }
0x74: {  	_ =	swait.ge [sflag:s23], $0x4000  }
0x75: {  	[sflag:s23] =	ssyncset.done $0x0  }
0x76: {  	[sflag:s23] =	ssyncadd.s32 $0xFFFFC000  }
0x77: {  	[spmem:s1] =	stream.indirect.scatter.add.f32 [tilespmem:s22], [sflag:$0x2], $0x80, s21, s21, $0xb8;
	[tilespmem:$0x1A100] =	vst v63  }
0x78: {  	_ =	swait.ge [sflag:s20], $0x4000  }
0x79: {  	s30 =	sshll.u32 s2, $0x6;
	s24 =	sadd.s32 $0x1, s24;
	[sflag:s20] =	ssyncset.done $0x0  }
0x7a: {  	s31 =	sshrl.u32 s5, $0x3;
	p0 =	sne.s32 s24, s7;
	[sflag:s20] =	ssyncadd.s32 $0xFFFFC000  }
.Ltmp2:
0x7b: {  	s25 =	sor.u32 $0x1C02, s30;
	[bflag:$0x0] =	sbarrier.arrive $0xFFFF;
	(pc) =	sbr.rel @p0 .LBB2_1-.Ltmp2, $4  }
0x7c: {  	[hbm:s6], [sflag:s25] =	dma.local [spmem:s31], $0x2800  }
0x7d: {  	_ =	swait.ge [sflag:s20], $0x2800  }
0x7e: {  	[sflag:s20] =	ssyncset.done $0x0  }
0x7f: {  	[sflag:s20] =	ssyncadd.s32 $0xFFFFD800  }
0x80: {  	_ =	sfence.sel $0x180000  }
0x81: {  	[bflag:$0x0] =	sbarrier.arrive $0xFFFF  }
0x82: {  	p0 =	sne.s32 s2, $0x0;
	_ =	strace $0x90000050  }
0x83: {  	s0 =	sadd.s32 @!p0 $0x100000, s0;
	[bflag:$0x2] =	sbarrier.arrive $0xFFFF  }
0x84: {  	[sflag:s0] =	ssyncadd.tile.s32 @!p0 $0x1;
	_ =	shalt  }
.Lfunc_end2:
_tile_overlayer_lowered:
.L_overlay_start_2:
0x85: {  	(tag) =	ssettag $0x2  }
0x86: {  	s0 =	rddreg [dreg:$0x0];
	s2 =	stileid.u32  }
0x87: {  	s1 =	rddreg [dreg:$0x1];
	p0 =	sne.s32 s2, $0x0  }
0x88: {  	s3 =	rddreg [dreg:$0x2];
	[bflag:$0x3] =	sbarrier.arrive $0xFFFF;
	s2 =	simm.s32 @!p0 $0x1C02  }
0x89: {  	[timem:s3], [sflag:s2] =	dma.local @!p0 [hbm:s0], s1  }
0x8a: {  	s0 =	simm.s32 @!p0 $0x2  }
0x8b: {  	_ =	swait.ge @!p0 [sflag:s0], s1  }
0x8c: {  	s1 =	ssub.s32 @!p0 $0x0, s1;
	[sflag:s0] =	ssyncset.done @!p0 $0x0  }
0x8d: {  	[sflag:s0] =	ssyncadd.s32 @!p0 s1  }
0x8e: {  	[bflag:$0x3] =	sbarrier.arrive $0xFFFF  }
0x8f: {  	_ =	shalt  }

// kernel: kernel.24.cloned.1.call-start
scs
__scs_entry_jumppad:
0x0: {  	(pc) =	sbr.rel $0x88, $3  }
0x1: {  	(tag) =	ssettag $0x0;
	lr =	simm.s32 $0x1  }
0x2: {  	[smem:$0x3F94] =	sst lr;
	_ =	strace $0xD0000000  }
0x3: {  	_ = 	snop  }
0x4: {  	_ = 	snop  }
0x5: {  	_ = 	snop  }
0x6: {  	_ = 	snop  }
0x7: {  	_ = 	snop  }
__scs_overlays_trampoline_lowered:
0x8: {  	[smem:$0x3FA3] =	sst s0  }
0x9: {  	[smem:$0x3FA4] =	sst s1  }
0xa: {  	[smem:$0x3FA5] =	sst s2  }
0xb: {  	[smem:$0x3FA6] =	sst s3  }
0xc: {  	[smem:$0x3FA7] =	sst s4  }
0xd: {  	[smem:$0x3FA8] =	sst s5  }
0xe: {  	[smem:$0x3FA9] =	sst s6  }
0xf: {  	[smem:$0x3FAA] =	sst s7  }
0x10: {  	[smem:$0x3FAB] =	sst s8  }
0x11: {  	[smem:$0x3FAC] =	sst s9;
	s0 =	simm.s32 @!p0 $0x0  }
0x12: {  	s1 =	sld [smem:$0x3F92];
	s0 =	simm.s32 @p0 $0x1  }
0x13: {  	[smem:$0x3FAD] =	sst s0;
	s0 =	simm.s32 @!p1 $0x0  }
0x14: {  	s2 =	sld [smem:$0x3F91];
	s0 =	simm.s32 @p1 $0x1  }
0x15: {  	[smem:$0x3FAE] =	sst s0;
	s0 =	simm.s32 @!p2 $0x0  }
0x16: {  	s3 =	sld [smem:$0x3FDB];
	s0 =	simm.s32 @p2 $0x1  }
0x17: {  	s4 =	simm.s32 $0x1BF5;
	[smem:$0x3FB0] =	sst s0  }
0x18: {  	s0 =	sld [smem:$0x3F93];
	_ =	swait.ge [sflag:s4], $0x0  }
0x19: {  	s7 =	sld [smem:$0x3F94]  }
0x1a: {  	s8 =	sadd.s32 $0xFFFFE003, lr  }
0x1b: {  	s9 =	sadd.s32 $0xFFFFFEF7, lr;
	s5 =	simm.s32 $0xFFFFFFFF;
	p2 =	slt.u32 s8, $0xFFFFF086  }
0x1c: {  	p1 =	slt.u32 s9, $0xF7A;
	s5 =	simm.s32 @!p2 $0x0  }
0x1d: {  	s5 =	simm.s32 @p1 $0x1;
	p0 =	seq.s32 s7, s2  }
0x1e: {  	s7 =	smul.u32 @!p0 $0xF7A, s2;
	p2 =	seq.s32 @!p0 s5, $0x0  }
0x1f: {  	s9 =	smul.u32 $0xF7A, s1;
	s8 =	simm.s32 @!p0 $0x1BF5;
	p2 =	por !p2, p0  }
0x20: {  	[sflag:s8] =	ssyncset.s32 @!p0 $0xFFFFF086;
	s6 =	sadd.s32 @!p0 s3, s7;
	s7 =	simm.s32 @!p0 $0x108  }
0x21: {  	s3 =	sadd.s32 s3, s9;
	s6 =	sadd.s32 @!p0 $0x88, s6;
	s7 =	simm.s32 @p2 $0x1082  }
0x22: {  	[simem:s7], [sflag:s8] =	dma.local @!p0 [hbm:s6], $0xF7A  }
0x23: {  	s9 =	sor.u32 $0xD0000000, s2;
	s6 =	simm.s32 $0x108;
	_ =	swait.ge @!p0 [sflag:s8], $0x0  }
0x24: {  	s3 =	sadd.s32 $0x88, s3;
	s6 =	simm.s32 @!p1 $0x1082;
	[sflag:s4] =	ssyncset.s32 $0xFFFFF086  }
0x25: {  	[simem:s6], [sflag:s4] =	dma.local [hbm:s3], $0xF7A  }
0x26: {  	[smem:$0x3F94] =	sst s1;
	(tag) =	ssettag s2;
	_ =	strace s9  }
0x27: {  	s1 =	sld [smem:$0x3FA4]  }
0x28: {  	s2 =	sld [smem:$0x3FA5]  }
0x29: {  	s4 =	sld [smem:$0x3FA7]  }
0x2a: {  	p0 =	seq.s32 s5, $0x0;
	s5 =	sld [smem:$0x3FA8]  }
0x2b: {  	s6 =	sld [smem:$0x3FA9]  }
0x2c: {  	s7 =	sld [smem:$0x3FAA]  }
0x2d: {  	s3 =	simm.s32 $0x108;
	s8 =	sld [smem:$0x3FAB]  }
0x2e: {  	s3 =	simm.s32 @!p0 $0x1082;
	s9 =	sld [smem:$0x3FAC]  }
0x2f: {  	lr =	sadd.s32 s0, s3;
	s0 =	sld [smem:$0x3FA3]  }
0x30: {  	s3 =	sld [smem:$0x3FA6]  }
0x31: {  	[smem:$0x3FAF] =	sst s10  }
0x32: {  	s10 =	sld [smem:$0x3FAD];
	_ =	sdelay $0x3  }
0x33: {  	p0 =	seq.s32 s10, $0x1;
	s10 =	sld [smem:$0x3FAF];
	_ =	sdelay $0x3  }
0x34: {  	[smem:$0x3FAF] =	sst s10  }
0x35: {  	s10 =	sld [smem:$0x3FAE];
	_ =	sdelay $0x3  }
0x36: {  	p1 =	seq.s32 s10, $0x1;
	s10 =	sld [smem:$0x3FAF];
	_ =	sdelay $0x3  }
0x37: {  	[smem:$0x3FAF] =	sst s10  }
0x38: {  	s10 =	sld [smem:$0x3FB0]  }
0x39: {  	_ = 	snop;
	(pc) =	sbr.ind lr, $3  }
0x3a: {  	_ = 	snop  }
0x3b: {  	_ = 	snop  }
0x3c: {  	p2 =	seq.s32 s10, $0x1;
	s10 =	sld [smem:$0x3FAF]  }
0x3d: {  	_ =	shalt  }
0x3e: {  	_ =	shalt  }
0x3f: {  	_ =	shalt  }
0x40: {  	_ =	shalt  }
0x41: {  	_ =	shalt  }
0x42: {  	_ =	shalt  }
0x43: {  	_ =	shalt  }
0x44: {  	_ =	shalt  }
0x45: {  	_ =	shalt  }
0x46: {  	_ =	shalt  }
0x47: {  	_ =	shalt  }
0x48: {  	_ =	shalt  }
0x49: {  	_ =	shalt  }
0x4a: {  	_ =	shalt  }
0x4b: {  	_ =	shalt  }
0x4c: {  	_ =	shalt  }
0x4d: {  	_ =	shalt  }
0x4e: {  	_ =	shalt  }
0x4f: {  	_ =	shalt  }
0x50: {  	_ =	shalt  }
0x51: {  	_ =	shalt  }
0x52: {  	_ =	shalt  }
0x53: {  	_ =	shalt  }
0x54: {  	_ =	shalt  }
0x55: {  	_ =	shalt  }
0x56: {  	_ =	shalt  }
0x57: {  	_ =	shalt  }
0x58: {  	_ =	shalt  }
0x59: {  	_ =	shalt  }
0x5a: {  	_ =	shalt  }
0x5b: {  	_ =	shalt  }
0x5c: {  	_ =	shalt  }
0x5d: {  	_ =	shalt  }
0x5e: {  	_ =	shalt  }
0x5f: {  	_ =	shalt  }
0x60: {  	_ =	shalt  }
0x61: {  	_ =	shalt  }
0x62: {  	_ =	shalt  }
0x63: {  	_ =	shalt  }
0x64: {  	_ =	shalt  }
0x65: {  	_ =	shalt  }
0x66: {  	_ =	shalt  }
0x67: {  	_ =	shalt  }
0x68: {  	_ =	shalt  }
0x69: {  	_ =	shalt  }
0x6a: {  	_ =	shalt  }
0x6b: {  	_ =	shalt  }
0x6c: {  	_ =	shalt  }
0x6d: {  	_ =	shalt  }
0x6e: {  	_ =	shalt  }
0x6f: {  	_ =	shalt  }
0x70: {  	_ =	shalt  }
0x71: {  	_ =	shalt  }
0x72: {  	_ =	shalt  }
0x73: {  	_ =	shalt  }
0x74: {  	_ =	shalt  }
0x75: {  	_ =	shalt  }
0x76: {  	_ =	shalt  }
0x77: {  	_ =	shalt  }
0x78: {  	_ =	shalt  }
0x79: {  	_ =	shalt  }
0x7a: {  	_ =	shalt  }
0x7b: {  	_ =	shalt  }
0x7c: {  	_ =	shalt  }
0x7d: {  	_ =	shalt  }
0x7e: {  	_ =	shalt  }
0x7f: {  	_ =	shalt  }
0x80: {  	_ =	shalt  }
0x81: {  	_ =	shalt  }
0x82: {  	_ =	shalt  }
0x83: {  	_ =	shalt  }
0x84: {  	_ =	shalt  }
0x85: {  	_ =	shalt  }
0x86: {  	_ =	shalt  }
0x87: {  	_ =	shalt  }
.Lfunc_end0:
.L_simem_size_0:
called_computation.4_lowered:
.L_overlay_start_0:
0x88: {  	s2 =	sld [smem:$0x3FD9]  }
0x89: {  	s3 =	sld [smem:$0x3FFE];
	_ =	sdelay $0x1  }
0x8a: {  	s1 =	srdreg.scid  }
0x8b: {  	s0 =	sand.u32 $0x1, s1  }
0x8c: {  	s16 =	sshll.u32 s0, $0xA;
	s2 =	sadd.s32 s3, s2  }
0x8d: {  	s2 =	sadd.s32 s2, s16  }
0x8e: {  	[smem:$0x3FBB] =	sst s2  }
0x8f: {  	_ = 	snop  }
0x90: {  	(tm) =	ssettm $0x1  }
0x91: {  	s17 =	sld [smem:$0x3FFB];
	_ =	sdelay $0x3  }
0x92: {  	_ =	strace s17  }
0x93: {  	s2 =	sld [smem:$0x3FFC];
	_ =	sdelay $0x3  }
0x94: {  	_ =	strace s2  }
0x95: {  	s2 =	sld [smem:$0x3FFD];
	_ =	sdelay $0x3  }
0x96: {  	_ =	strace s2  }
0x97: {  	_ =	strace $0x8FFFFFFF  }
0x98: {  	s18 =	sld [smem:$0x3FDB];
	_ =	sdelay $0x1  }
0x99: {  	s19 =	simm.s32 $_scs_section_size  }
0x9a: {  	s4 =	simm.s32 $_size__tile_overlayer_lowered;
	s5 =	simm.s32 $_tile_overlayer_lowered  }
0x9b: {  	s22 =	simm.s32 $0x1BFF;
	s21 =	sshll.u32 s5, $0x1;
	s2 =	sadd.s32 s19, s18  }
0x9c: {  	s6 =	simm.s32 $0x0;
	s20 =	sshll.u32 s4, $0x1;
	s4 =	sadd.s32 s21, s2  }
0x9d: {  	[timem:s6], [sflag:s22] =	dma.local [hbm:s4], s20  }
0x9e: {  	_ =	swait.ge [sflag:s22], s20  }
0x9f: {  	s3 =	ssub.s32 $0x0, s20;
	[sflag:s22] =	ssyncset.done $0x0  }
0xa0: {  	[sflag:s22] =	ssyncadd.s32 s3;
	_ =	sdelay $0x1  }
0xa1: {  	s23 =	simm.s32 $0x1B8B  }
0xa2: {  	_ =	swait.ge [sflag:s23], $0x1  }
0xa3: {  	[sflag:s23] =	ssyncset.done $0x0  }
0xa4: {  	s25 =	simm.s32 $0x1B8E;
	s24 =	sld [smem:$0x3FFE];
	[sflag:s23] =	ssyncadd.s32 $0xFFFFFFFF  }
0xa5: {  	s26 =	simm.s32 $execute0_lowered;
	[smem:$0x3FD2] =	sst s25  }
0xa6: {  	s4 =	sshll.u32 s26, $0x1;
	_ =	strace $0x80000052;
	[dreg:$0x1] =	wrdreg $0xFFFFFFFF  }
0xa7: {  	s28 =	simm.s32 $_size_execute0_lowered;
	s2 =	sadd.s32 s2, s4;
	[dreg:$0x0] =	wrdreg $0x0  }
0xa8: {  	s4 =	sshll.u32 s28, $0x1;
	[dreg:$0x2] =	wrdreg s2  }
0xa9: {  	[dreg:$0x3] =	wrdreg s4  }
0xaa: {  	[dreg:$0x4] =	wrdreg $0xC0  }
0xab: {  	_ =	task [dreg:s6], $0x5FFFF  }
0xac: {  	[dreg:$0x1] =	wrdreg $0xFFFFFFFF  }
0xad: {  	[dreg:$0x0] =	wrdreg $0x60  }
0xae: {  	[dreg:$0x2] =	wrdreg s24  }
0xaf: {  	[dreg:$0x3] =	wrdreg $0x61000  }
0xb0: {  	[dreg:$0x4] =	wrdreg $0x9  }
0xb1: {  	_ =	task.clear_ibuf [dreg:s6], $0x5FFFF;
	_ =	strace $0x90000052  }
0xb2: {  	s29 =	simm.s32 $0x9;
	_ =	strace $0x80000054  }
0xb3: {  	_ =	swait.ge [sflag:s29], $0x1  }
0xb4: {  	[sflag:s29] =	ssyncadd.s32 $0xFFFFFFFF  }
0xb5: {  	_ =	strace $0x90000054  }
0xb6: {  	_ =	sfence  }
0xb7: {  	s30 =	sld [smem:$0x0];
	_ =	sdelay $0x2  }
0xb8: {  	s31 =	sshll.u32 s1, $0xD;
	s1 =	sshrl.u32 s1, $0x2  }
0xb9: {  	s3 =	sand.u32 $0x4000, s31;
	s1 =	sadd.s32 s1, s30  }
0xba: {  	s0 =	sor.u32 s3, s0;
	s1 =	sshll.u32 s1, $0x11  }
0xbb: {  	s0 =	sor.u32 s1, s0  }
0xbc: {  	s0 =	sadd.s32 $0x8F2B, s0  }
0xbd: {  	[sflag:s0] =	ssyncadd.remote.s32 $0x1  }
0xbe: {  	_ =	sfence.sel $0xFFFF  }
0xbf: {  	[dreg:$0x0] =	wrdreg $0xFFFFFFFF;
	(pc) =	sbr.abs _section_cstart, $3  }
0xc0: {  	[dreg:$0x1] =	wrdreg $0xFFFFFFFF  }
0xc1: {  	_ =	task.clear_ibuf [dreg:s6], $0x2FFFF;
	_ =	strace $0x9FFFFFFF  }
0xc2: {  	(tm) =	ssettm $0x7FFFFFFF  }
0xc3: {  	_ =	shalt  }
tec
execute0_lowered:
.L_overlay_start_1:
0x0: {  	(tag) =	ssettag $0x1  }
0x1: {  	s5 =	rddreg [dreg:$0x0];
	s0 =	srdreg.scid  }
0x2: {  	s1 =	rddreg [dreg:$0x1];
	s3 =	simm.s32 $0x0;
	s2 =	stileid.u32  }
0x3: {  	s19 =	simm.s32 $0x4100;
	s20 =	simm.s32 $0x2;
	s21 =	simm.s32 $0x80  }
0x4: {  	s22 =	simm.s32 $0x100;
	s23 =	simm.s32 $0x1;
	s9 =	smul.u32 $0x14000, s2  }
0x5: {  	s6 =	sand.u32 $0x1, s0;
	s0 =	rddreg [dreg:$0x2];
	s10 =	smul.u32 $0x50000, s2  }
0x6: {  	s24 =	simm.s32 $0x0;
	[smem:$0x7FF] =	sst s3;
	s7 =	smul.u32 $0x5100, s6  }
0x7: {  	s4 =	sadd.s32 $0xDE00, s5;
	s8 =	smul.u32 $0x140000, s6;
	s6 =	ssub.s32 $0x2, s6  }
0x8: {  	s17 =	smul.u32 $0x510, s2;
	_ =	strace $0x80000053;
	s30 =	sshrl.u32 s6, $0x1  }
0x9: {  	s31 =	sshrl.u32 s10, $0x2;
	s16 =	sadd.s32 s7, s5;
	s29 =	sadd.s32 s9, s8  }
0xa: {  	s8 =	ssub.s32 s6, s30;
	s7 =	sshrl.u32 s29, $0x3;
	s18 =	sadd.s32 s17, s16  }
0xb: {  	s7 =	sadd.s32 s7, s5;
	s5 =	sadd.s32 s31, s1;
	s17 =	sadd.s32 $0x3C00, s18  }
0xc: {  	s18 =	sadd.s32 $0x5DE00, s18;
	s6 =	sadd.s32 $0x68000, s7;
	s7 =	smax.u32 s8, $0x1  }
0xd: {  	s8 =	sadd.s32 $0x2000, s5;
	s9 =	sadd.s32 $0x4000, s5;
	s10 =	sadd.s32 $0x6000, s5  }
0xe: {  	s11 =	sadd.s32 $0x8000, s5;
	s12 =	sadd.s32 $0xA000, s5;
	s13 =	sadd.s32 $0xC000, s5  }
0xf: {  	v0 =	vimm.f32 $0.0e+00;
	s14 =	sadd.s32 $0xE000, s5;
	s15 =	sadd.s32 $0x10000, s5;
	s16 =	sadd.s32 $0x12000, s5  }
.LBB2_1:
0x10: {  	s25 =	simm.s32 $0x0;
	s26 =	simm.s32 $0x200  }
.LBB2_2:
0x11: {  	p0 =	sne.s32 s26, $0x7E00;
	[tilespmem:s25+$0x4170] =	vst v0  }
0x12: {  	[tilespmem:s25+$0x4100] =	vst v0  }
0x13: {  	[tilespmem:s25+$0x4110] =	vst v0  }
.Ltmp0:
0x14: {  	[tilespmem:s25+$0x4120] =	vst v0;
	(pc) =	sbr.rel @p0 .LBB2_2-.Ltmp0, $4  }
0x15: {  	[tilespmem:s25+$0x4130] =	vst v0  }
0x16: {  	[tilespmem:s25+$0x4140] =	vst v0  }
0x17: {  	[tilespmem:s25+$0x4150] =	vst v0  }
0x18: {  	[tilespmem:s25+$0x4160] =	vst v0;
	s25 =	sshra.s32 s26, $0x2;
	s26 =	sadd.s32 $0x200, s26  }
0x19: {  	[tilespmem:s25+$0x4170] =	vst v0  }
0x1a: {  	[tilespmem:s25+$0x4100] =	vst v0  }
0x1b: {  	[tilespmem:s25+$0x4110] =	vst v0  }
0x1c: {  	[tilespmem:s25+$0x4120] =	vst v0  }
0x1d: {  	[tilespmem:s25+$0x4130] =	vst v0  }
0x1e: {  	[tilespmem:s25+$0x4140] =	vst v0  }
0x1f: {  	[tilespmem:s25+$0x4150] =	vst v0  }
0x20: {  	[tilespmem:s25+$0x4160] =	vst v0  }
0x21: {  	[spmem:s5] =	stream.linear.scatter [tilespmem:s19], [sflag:$0x2], $0x2000, $0x38;
	[tilespmem:$0x1A100] =	vst v63  }
0x22: {  	_ =	swait.ge [sflag:s20], $0x2000  }
0x23: {  	[sflag:s20] =	ssyncset.done $0x0  }
0x24: {  	[sflag:s20] =	ssyncadd.s32 $0xFFFFE000  }
0x25: {  	[spmem:s8] =	stream.linear.scatter [tilespmem:s19], [sflag:$0x2], $0x2000, $0x38;
	[tilespmem:$0x1A100] =	vst v63  }
0x26: {  	_ =	swait.ge [sflag:s20], $0x2000  }
0x27: {  	[sflag:s20] =	ssyncset.done $0x0  }
0x28: {  	[sflag:s20] =	ssyncadd.s32 $0xFFFFE000  }
0x29: {  	[spmem:s9] =	stream.linear.scatter [tilespmem:s19], [sflag:$0x2], $0x2000, $0x38;
	[tilespmem:$0x1A100] =	vst v63  }
0x2a: {  	_ =	swait.ge [sflag:s20], $0x2000  }
0x2b: {  	[sflag:s20] =	ssyncset.done $0x0  }
0x2c: {  	[sflag:s20] =	ssyncadd.s32 $0xFFFFE000  }
0x2d: {  	[spmem:s10] =	stream.linear.scatter [tilespmem:s19], [sflag:$0x2], $0x2000, $0x38;
	[tilespmem:$0x1A100] =	vst v63  }
0x2e: {  	_ =	swait.ge [sflag:s20], $0x2000  }
0x2f: {  	[sflag:s20] =	ssyncset.done $0x0  }
0x30: {  	[sflag:s20] =	ssyncadd.s32 $0xFFFFE000  }
0x31: {  	[spmem:s11] =	stream.linear.scatter [tilespmem:s19], [sflag:$0x2], $0x2000, $0x38;
	[tilespmem:$0x1A100] =	vst v63  }
0x32: {  	_ =	swait.ge [sflag:s20], $0x2000  }
0x33: {  	[sflag:s20] =	ssyncset.done $0x0  }
0x34: {  	[sflag:s20] =	ssyncadd.s32 $0xFFFFE000  }
0x35: {  	[spmem:s12] =	stream.linear.scatter [tilespmem:s19], [sflag:$0x2], $0x2000, $0x38;
	[tilespmem:$0x1A100] =	vst v63  }
0x36: {  	_ =	swait.ge [sflag:s20], $0x2000  }
0x37: {  	[sflag:s20] =	ssyncset.done $0x0  }
0x38: {  	[sflag:s20] =	ssyncadd.s32 $0xFFFFE000  }
0x39: {  	[spmem:s13] =	stream.linear.scatter [tilespmem:s19], [sflag:$0x2], $0x2000, $0x38;
	[tilespmem:$0x1A100] =	vst v63  }
0x3a: {  	_ =	swait.ge [sflag:s20], $0x2000  }
0x3b: {  	[sflag:s20] =	ssyncset.done $0x0  }
0x3c: {  	[sflag:s20] =	ssyncadd.s32 $0xFFFFE000  }
0x3d: {  	[spmem:s14] =	stream.linear.scatter [tilespmem:s19], [sflag:$0x2], $0x2000, $0x38;
	[tilespmem:$0x1A100] =	vst v63  }
0x3e: {  	_ =	swait.ge [sflag:s20], $0x2000  }
0x3f: {  	[sflag:s20] =	ssyncset.done $0x0  }
0x40: {  	[sflag:s20] =	ssyncadd.s32 $0xFFFFE000  }
0x41: {  	[spmem:s15] =	stream.linear.scatter [tilespmem:s19], [sflag:$0x2], $0x2000, $0x38;
	[tilespmem:$0x1A100] =	vst v63  }
0x42: {  	_ =	swait.ge [sflag:s20], $0x2000  }
0x43: {  	[sflag:s20] =	ssyncset.done $0x0  }
0x44: {  	[sflag:s20] =	ssyncadd.s32 $0xFFFFE000  }
0x45: {  	[spmem:s16] =	stream.linear.scatter [tilespmem:s19], [sflag:$0x2], $0x2000, $0x38;
	[tilespmem:$0x1A100] =	vst v63  }
0x46: {  	_ =	swait.ge [sflag:s20], $0x2000  }
0x47: {  	[sflag:s20] =	ssyncset.done $0x0  }
0x48: {  	[sflag:s20] =	ssyncadd.s32 $0xFFFFE000  }
0x49: {  	s30 =	sadd.s32 $0x0, s18;
	[bflag:$0x0] =	sbarrier.arrive $0xFFFF  }
0x4a: {  	[tilespmem:s3], [sflag:$0x2] =	stream.linear.gather [hbm4b:s30+s3], $0x80, $0x38;
	[tilespmem:$0x1A100] =	vst v63  }
0x4b: {  	_ =	swait.ge [sflag:s20], $0x80  }
0x4c: {  	[sflag:s20] =	ssyncset.done $0x0  }
0x4d: {  	s31 =	sadd.s32 $0x0, s17;
	[sflag:s20] =	ssyncadd.s32 $0xFFFFFF80  }
0x4e: {  	[tilespmem:s21], [sflag:$0x2] =	stream.linear.gather [hbm4b:s31+s3], $0x80, $0x38;
	[tilespmem:$0x1A100] =	vst v63  }
0x4f: {  	_ =	swait.ge [sflag:s20], $0x80  }
0x50: {  	[sflag:s20] =	ssyncset.done $0x0  }
0x51: {  	[sflag:s20] =	ssyncadd.s32 $0xFFFFFF80  }
0x52: {  	[tilespmem:s22], [sflag:$0x1] =	stream.indirect.gather [hbm4b:s4+s21], $0x80, s3, s21, $0xb8;
	[tilespmem:$0x1A100] =	vst v63  }
0x53: {  	_ =	swait.ge [sflag:s23], $0x4000  }
0x54: {  	[sflag:s23] =	ssyncset.done $0x0  }
0x55: {  	[sflag:s23] =	ssyncadd.s32 $0xFFFFC000  }
0x56: {  	[spmem:s1] =	stream.indirect.scatter.add.f32 [tilespmem:s22], [sflag:$0x2], $0x80, s21, s21, $0xb8;
	[tilespmem:$0x1A100] =	vst v63  }
0x57: {  	_ =	swait.ge [sflag:s20], $0x4000  }
0x58: {  	s25 =	simm.s32 $0x10;
	s26 =	simm.s32 $0x20;
	[sflag:s20] =	ssyncset.done $0x0  }
.LBB2_4:
0x59: {  	s28 =	sadd.s32 s25, s18  }
0x5a: {  	[sflag:s20] =	ssyncadd.s32 $0xFFFFC000;
	s29 =	smov.u32 s26;
	s30 =	sadd.s32 $0x10, s26  }
0x5b: {  	[tilespmem:s3], [sflag:$0x2] =	stream.linear.gather [hbm4b:s28+s3], $0x80, $0x38;
	[tilespmem:$0x1A100] =	vst v63  }
0x5c: {  	p0 =	sne.s32 s26, $0x500;
	_ =	swait.ge [sflag:s20], $0x80  }
0x5d: {  	[sflag:s20] =	ssyncset.done $0x0  }
0x5e: {  	s26 =	sadd.s32 s25, s17;
	s25 =	smov.u32 s29;
	[sflag:s20] =	ssyncadd.s32 $0xFFFFFF80  }
0x5f: {  	[tilespmem:s21], [sflag:$0x2] =	stream.linear.gather [hbm4b:s26+s3], $0x80, $0x38;
	[tilespmem:$0x1A100] =	vst v63  }
0x60: {  	_ =	swait.ge [sflag:s20], $0x80  }
0x61: {  	[sflag:s20] =	ssyncset.done $0x0  }
0x62: {  	[sflag:s20] =	ssyncadd.s32 $0xFFFFFF80  }
0x63: {  	[tilespmem:s22], [sflag:$0x1] =	stream.indirect.gather [hbm4b:s4+s21], $0x80, s3, s21, $0xb8;
	[tilespmem:$0x1A100] =	vst v63  }
0x64: {  	_ =	swait.ge [sflag:s23], $0x4000  }
.Ltmp1:
0x65: {  	[sflag:s23] =	ssyncset.done $0x0;
	(pc) =	sbr.rel @p0 .LBB2_4-.Ltmp1, $4  }
0x66: {  	[sflag:s23] =	ssyncadd.s32 $0xFFFFC000  }
0x67: {  	[spmem:s1] =	stream.indirect.scatter.add.f32 [tilespmem:s22], [sflag:$0x2], $0x80, s21, s21, $0xb8;
	[tilespmem:$0x1A100] =	vst v63  }
0x68: {  	_ =	swait.ge [sflag:s20], $0x4000  }
0x69: {  	s26 =	smov.u32 s30;
	[sflag:s20] =	ssyncset.done $0x0  }
0x6a: {  	s26 =	sadd.s32 s25, s18;
	[sflag:s20] =	ssyncadd.s32 $0xFFFFC000  }
0x6b: {  	[tilespmem:s3], [sflag:$0x2] =	stream.linear.gather [hbm4b:s26+s3], $0x80, $0x38;
	[tilespmem:$0x1A100] =	vst v63  }
0x6c: {  	_ =	swait.ge [sflag:s20], $0x80  }
0x6d: {  	[sflag:s20] =	ssyncset.done $0x0  }
0x6e: {  	s29 =	sadd.s32 s25, s17;
	[sflag:s20] =	ssyncadd.s32 $0xFFFFFF80  }
0x6f: {  	[tilespmem:s21], [sflag:$0x2] =	stream.linear.gather [hbm4b:s29+s3], $0x80, $0x38;
	[tilespmem:$0x1A100] =	vst v63  }
0x70: {  	_ =	swait.ge [sflag:s20], $0x80  }
0x71: {  	[sflag:s20] =	ssyncset.done $0x0  }
0x72: {  	[sflag:s20] =	ssyncadd.s32 $0xFFFFFF80  }
0x73: {  	[tilespmem:s22], [sflag:$0x1] =	stream.indirect.gather [hbm4b:s4+s21], $0x80, s3, s21, $0xb8;
	[tilespmem:$0x1A100] =	vst v63  }
0x74: {  	_ =	swait.ge [sflag:s23], $0x4000  }
0x75: {  	[sflag:s23] =	ssyncset.done $0x0  }
0x76: {  	[sflag:s23] =	ssyncadd.s32 $0xFFFFC000  }
0x77: {  	[spmem:s1] =	stream.indirect.scatter.add.f32 [tilespmem:s22], [sflag:$0x2], $0x80, s21, s21, $0xb8;
	[tilespmem:$0x1A100] =	vst v63  }
0x78: {  	_ =	swait.ge [sflag:s20], $0x4000  }
0x79: {  	s30 =	sshll.u32 s2, $0x6;
	s24 =	sadd.s32 $0x1, s24;
	[sflag:s20] =	ssyncset.done $0x0  }
0x7a: {  	s31 =	sshrl.u32 s5, $0x3;
	p0 =	sne.s32 s24, s7;
	[sflag:s20] =	ssyncadd.s32 $0xFFFFC000  }
.Ltmp2:
0x7b: {  	s25 =	sor.u32 $0x1C02, s30;
	[bflag:$0x0] =	sbarrier.arrive $0xFFFF;
	(pc) =	sbr.rel @p0 .LBB2_1-.Ltmp2, $4  }
0x7c: {  	[hbm:s6], [sflag:s25] =	dma.local [spmem:s31], $0x2800  }
0x7d: {  	_ =	swait.ge [sflag:s20], $0x2800  }
0x7e: {  	[sflag:s20] =	ssyncset.done $0x0  }
0x7f: {  	[sflag:s20] =	ssyncadd.s32 $0xFFFFD800  }
0x80: {  	_ =	sfence.sel $0x180000  }
0x81: {  	[bflag:$0x0] =	sbarrier.arrive $0xFFFF  }
0x82: {  	p0 =	sne.s32 s2, $0x0;
	_ =	strace $0x90000053  }
0x83: {  	s0 =	sadd.s32 @!p0 $0x100000, s0;
	[bflag:$0x2] =	sbarrier.arrive $0xFFFF  }
0x84: {  	[sflag:s0] =	ssyncadd.tile.s32 @!p0 $0x1;
	_ =	shalt  }
.Lfunc_end2:
_tile_overlayer_lowered:
.L_overlay_start_2:
0x85: {  	(tag) =	ssettag $0x2  }
0x86: {  	s0 =	rddreg [dreg:$0x0];
	s2 =	stileid.u32  }
0x87: {  	s1 =	rddreg [dreg:$0x1];
	p0 =	sne.s32 s2, $0x0  }
0x88: {  	s3 =	rddreg [dreg:$0x2];
	[bflag:$0x3] =	sbarrier.arrive $0xFFFF;
	s2 =	simm.s32 @!p0 $0x1C02  }
0x89: {  	[timem:s3], [sflag:s2] =	dma.local @!p0 [hbm:s0], s1  }
0x8a: {  	s0 =	simm.s32 @!p0 $0x2  }
0x8b: {  	_ =	swait.ge @!p0 [sflag:s0], s1  }
0x8c: {  	s1 =	ssub.s32 @!p0 $0x0, s1;
	[sflag:s0] =	ssyncset.done @!p0 $0x0  }
0x8d: {  	[sflag:s0] =	ssyncadd.s32 @!p0 s1  }
0x8e: {  	[bflag:$0x3] =	sbarrier.arrive $0xFFFF  }
0x8f: {  	_ =	shalt  }

</sc_bundles>
